<compile_context>
chip_gen: v7x
topology: tpu7x:2x2x1
jax: 0.10.2.dev20260603
libtpu: 0.0.44.dev20260713+nightly
codegen_flags: <defaults>
</compile_context>

<pallas_src>
import jax
import jax.numpy as jnp
from jax import lax
from jax.experimental import pallas as pl
from jax.experimental.pallas import tpu as pltpu
from jax.experimental.pallas import tpu_sc as plsc

N = 10000
E = 320000
N_F = 128
E_F = 16
HID = 128
U_F = 16
G = 64

NC, NS = 2, 16
FH = HID // NC
E_PER_TILE = E // NS
BE = 6400
CB = 80
CHUNKS = E_PER_TILE // CB
NP = 10240
ACCW = 80
ZR = 128
N_PER_TILE = NP // NS


def _xw_body(x_ref, w_ref, o_ref):
    o_ref[...] = jnp.dot(x_ref[...], w_ref[0],
                         preferred_element_type=jnp.float32)


def _project_x(x, W1a_x):
    bn = 2000
    return pl.pallas_call(
        _xw_body,
        grid=(NC, N // bn),
        in_specs=[
            pl.BlockSpec((bn, N_F), lambda c, i: (i, 0)),
            pl.BlockSpec((1, N_F, FH), lambda c, i: (c, 0, 0)),
        ],
        out_specs=pl.BlockSpec((bn, FH), lambda c, i: (c * (N // bn) + i, 0)),
        out_shape=jax.ShapeDtypeStruct((NC * N, FH), jnp.float32),
    )(x, W1a_x.reshape(N_F, NC, FH).transpose(1, 0, 2))


def _ew_body(ea_ref, w_ref, b_ref, o_ref):
    r = lax.dot_general(
        ea_ref[...], w_ref[0], (((0,), (0,)), ((), ())),
        preferred_element_type=jnp.float32) + b_ref[0]
    half = r.shape[0] // 2
    o_ref[...] = jnp.concatenate([r[:half], r[half:]], axis=1)


def _project_edges(edge_attr, W1a_e, b1a):
    be = BE
    return pl.pallas_call(
        _ew_body,
        grid=(NC, E // be),
        in_specs=[
            pl.BlockSpec((E_F, be), lambda c, i: (0, i)),
            pl.BlockSpec((1, E_F, FH), lambda c, i: (c, 0, 0)),
            pl.BlockSpec((1, 1, FH), lambda c, i: (c, 0, 0)),
        ],
        out_specs=pl.BlockSpec((be // 2, 2 * FH),
                               lambda c, i: (c * (E // be) + i, 0)),
        out_shape=jax.ShapeDtypeStruct((NC * E // 2, 2 * FH), jnp.float32),
    )(edge_attr.T, W1a_e.reshape(E_F, NC, FH).transpose(1, 0, 2),
      b1a.reshape(NC, 1, FH))


def _edge_sc_body(ei_h, ew_h, xw_h, out_h,
                  ridx0, cidx0, sidx0, ew0, g0, o0,
                  ridx1, cidx1, sidx1, ew1, g1, o1,
                  acc_sh,
                  semL0, semL1, semG0, semG1, semS0, semS1):
    cid = lax.axis_index("c")
    sid = lax.axis_index("s")

    ridx = (ridx0, ridx1)
    cidx = (cidx0, cidx1)
    sidx = (sidx0, sidx1)
    ew_v = (ew0, ew1)
    g_v = (g0, g1)
    o_v = (o0, o1)
    semL = (semL0, semL1)
    semG = (semG0, semG1)
    semS = (semS0, semS1)

    zvec = jnp.zeros((16,), jnp.float32)
    cvec = jnp.where(lax.iota(jnp.int32, 16) == 0, 1.0, 0.0)

    def zb(i, c):
        for j in range(ACCW // 16):
            o0[i, pl.ds(j * 16, 16)] = zvec
        return c
    lax.fori_loop(0, CB, zb, 0)
    for k in range(N_PER_TILE // CB):
        pltpu.sync_copy(o0, acc_sh.at[pl.ds(sid * N_PER_TILE + k * CB, CB)])

    def cb(i, c):
        for b in range(2):
            o_v[b][i, pl.ds(FH, 16)] = cvec
        return c
    lax.fori_loop(0, CB, cb, 0)

    plsc.subcore_barrier()

    tile_base = sid * E_PER_TILE
    roff = cid * N
    eoff = cid * E

    def issue_loads(t, b):
        base = tile_base + t * CB
        p = base % BE
        erow = cid * (E // 2) + (base // BE) * (BE // 2) + (p % (BE // 2))
        h = p // (BE // 2)
        pltpu.async_copy(ei_h.at[0, pl.ds(base, CB)], ridx[b], semL[b])
        pltpu.async_copy(ei_h.at[1, pl.ds(base, CB)], cidx[b], semL[b])
        pltpu.async_copy(ew_h.at[pl.ds(erow, CB), pl.ds(h * FH, FH)],
                         ew_v[b], semL[b])

    def wait_loads(b):
        pltpu.make_async_copy(ei_h.at[0, pl.ds(0, CB)], ridx[b], semL[b]).wait()
        pltpu.make_async_copy(ei_h.at[1, pl.ds(0, CB)], cidx[b], semL[b]).wait()
        pltpu.make_async_copy(ew_h.at[pl.ds(0, CB), pl.ds(0, FH)], ew_v[b],
                              semL[b]).wait()

    def issue_gather(b):
        pltpu.async_copy(xw_h.at[ridx[b]], g_v[b], semG[b])

    def wait_gather(b):
        pltpu.make_async_copy(xw_h.at[pl.ds(0, CB)], g_v[b], semG[b]).wait()

    def issue_scatter(b):
        pltpu.async_copy(o_v[b], acc_sh.at[sidx[b]], semS[b], add=True)

    def wait_scatter(b):
        pltpu.make_async_copy(o_v[b], acc_sh.at[pl.ds(0, CB)], semS[b]).wait()

    issue_loads(0, 0)
    wait_loads(0)

    def ab0(j, cc):
        s = pl.ds(j * 16, 16)
        ridx[0][s] = ridx[0][s] + roff
        return cc
    lax.fori_loop(0, CB // 16, ab0, 0, unroll=5)
    issue_gather(0)
    issue_loads(1, 1)

    def phase(t, b):
        wait_gather(b)

        @pl.when(t + 1 < CHUNKS)
        def _():
            wait_loads(1 - b)

            def ab(j, cc):
                s = pl.ds(j * 16, 16)
                ridx[1 - b][s] = ridx[1 - b][s] + roff
                return cc
            lax.fori_loop(0, CB // 16, ab, 0, unroll=5)
            issue_gather(1 - b)

        @pl.when(t >= 2)
        def _():
            wait_scatter(b)

        def eb(i, cc):
            for j in range(FH // 16):
                s = pl.ds(j * 16, 16)
                o_v[b][i, s] = jnp.maximum(g_v[b][i, s] + ew_v[b][i, s], 0.0)
            return cc
        lax.fori_loop(0, CB, eb, 0, unroll=4)

        def sc(j, cc):
            s = pl.ds(j * 16, 16)
            sidx[b][s] = cidx[b][s]
            return cc
        lax.fori_loop(0, CB // 16, sc, 0, unroll=5)

        issue_scatter(b)

        @pl.when(t + 2 < CHUNKS)
        def _():
            issue_loads(t + 2, b)

    def pair(p, c):
        phase(2 * p, 0)
        phase(2 * p + 1, 1)
        return c
    lax.fori_loop(0, CHUNKS // 2, pair, 0)

    wait_scatter(0)
    wait_scatter(1)

    plsc.subcore_barrier()

    for k in range(N_PER_TILE // CB):
        r0 = sid * N_PER_TILE + k * CB
        pltpu.sync_copy(acc_sh.at[pl.ds(r0, CB)], o0)
        pltpu.sync_copy(o0, out_h.at[cid, pl.ds(r0, CB)])


def _edge_stage(ei, ew, xw):
    mesh = plsc.VectorSubcoreMesh(core_axis_name="c", subcore_axis_name="s",
                                  num_cores=NC, num_subcores=NS)
    buf = [pltpu.VMEM((CB,), jnp.int32),
           pltpu.VMEM((CB,), jnp.int32),
           pltpu.VMEM((CB,), jnp.int32),
           pltpu.VMEM((CB, FH), jnp.float32),
           pltpu.VMEM((CB, FH), jnp.float32),
           pltpu.VMEM((CB, ACCW), jnp.float32)]
    f = pl.kernel(
        _edge_sc_body,
        out_type=jax.ShapeDtypeStruct((NC, NP, ACCW), jnp.float32),
        mesh=mesh,
        compiler_params=pltpu.CompilerParams(use_tc_tiling_on_sc=False),
        scratch_types=buf + buf + [
            pltpu.VMEM_SHARED((NP, ACCW), jnp.float32),
        ] + [pltpu.SemaphoreType.DMA] * 6,
    )
    return f(ei, ew, xw)


def _node_body(x_ref, p_ref, b_ref, u_ref, w1b_ref, b1b_ref,
               w2x_ref, w2m_ref, w2u_ref, b2a_ref, w2b_ref, b2b_ref, o_ref):
    s = jnp.concatenate([p_ref[0, :, :FH], p_ref[1, :, :FH]], axis=1)
    cnt = jnp.sum(p_ref[0, :, FH:], axis=1)
    safe = jnp.maximum(cnt, 1.0)
    mr = s / safe[:, None]
    meanh = (jnp.dot(mr, w1b_ref[...], preferred_element_type=jnp.float32)
             + b1b_ref[...] * (cnt > 0.0).astype(jnp.float32)[:, None])

    bidx = b_ref[0, 0, :]
    oh = (bidx[:, None] ==
          lax.broadcasted_iota(jnp.int32, (bidx.shape[0], G), 1)
          ).astype(jnp.float32)
    ub = jnp.dot(oh, u_ref[...], preferred_element_type=jnp.float32)

    a2 = (jnp.dot(x_ref[...], w2x_ref[...], preferred_element_type=jnp.float32)
          + jnp.dot(meanh, w2m_ref[...], preferred_element_type=jnp.float32)
          + jnp.dot(ub, w2u_ref[...], preferred_element_type=jnp.float32)
          + b2a_ref[...])
    o_ref[...] = (jnp.dot(jax.nn.relu(a2), w2b_ref[...],
                          preferred_element_type=jnp.float32) + b2b_ref[...])


def _node_stage(x, acc, batch3, u, W1b, b1b, W2a, b2a, W2b, b2b):
    bn = 1000
    full = lambda r, c: pl.BlockSpec((r, c), lambda i: (0, 0))
    return pl.pallas_call(
        _node_body,
        grid=(N // bn,),
        in_specs=[
            pl.BlockSpec((bn, N_F), lambda i: (i, 0)),
            pl.BlockSpec((NC, bn, ACCW), lambda i: (0, i, 0)),
            pl.BlockSpec((1, 1, bn), lambda i: (i, 0, 0)),
            full(G, U_F),
            full(HID, HID),
            full(1, HID),
            full(N_F, HID),
            full(HID, HID),
            full(U_F, HID),
            full(1, HID),
            full(HID, N_F),
            full(1, N_F),
        ],
        out_specs=pl.BlockSpec((bn, N_F), lambda i: (i, 0)),
        out_shape=jax.ShapeDtypeStruct((N, N_F), jnp.float32),
    )(x, acc, batch3, u, W1b, b1b.reshape(1, HID),
      W2a[:N_F], W2a[N_F:N_F + HID], W2a[N_F + HID:], b2a.reshape(1, HID),
      W2b, b2b.reshape(1, N_F))


def kernel(x, edge_index, edge_attr, u, batch,
           W1a, b1a, W1b, b1b, W2a, b2a, W2b, b2b):
    xw = _project_x(x, W1a[:N_F])
    ew = _project_edges(edge_attr, W1a[N_F:], b1a)
    acc = _edge_stage(edge_index.astype(jnp.int32), ew, xw)
    batch3 = batch.astype(jnp.int32).reshape(N // 1000, 1, 1000)
    return _node_stage(x, acc, batch3, u, W1b, b1b, W2a, b2a, W2b, b2b)

# --- scband reference (transcript-rebuilt; emitter-appended) ---
"""Pipeline reference for scband-node-model-32478542693150 (READ-ONLY COPY).

The authoritative reference and input builder live on the scoring server;
editing this copy changes nothing except your own understanding.
"""

import jax, jax.numpy as jnp
import numpy as np

N = 10000
E = 320000
N_F = 128
E_F = 16
HID = 128
U_F = 16
G = 64


def setup_inputs(seed: int = 0) -> dict:
    key = jax.random.key(seed)
    ks = jax.random.split(key, 16)
    x = jax.random.normal(ks[0], (N, N_F), dtype=jnp.float32)
    edge_index = jax.random.randint(ks[1], (2, E), 0, N)
    edge_attr = jax.random.normal(ks[2], (E, E_F), dtype=jnp.float32)
    u = jax.random.normal(ks[3], (G, U_F), dtype=jnp.float32)
    batch = jnp.sort(jax.random.randint(ks[4], (N,), 0, G))
    # node_mlp_1: Lin(n_f + e_f -> hidden), ReLU, Lin(hidden -> hidden)
    W1a = jax.random.normal(ks[5], (N_F + E_F, HID), dtype=jnp.float32) * 0.05
    b1a = jnp.zeros((HID,), dtype=jnp.float32)
    W1b = jax.random.normal(ks[6], (HID, HID), dtype=jnp.float32) * 0.05
    b1b = jnp.zeros((HID,), dtype=jnp.float32)
    # node_mlp_2: Lin(n_f + hidden + u_f -> hidden), ReLU, Lin(hidden -> n_f)
    W2a = jax.random.normal(ks[7], (N_F + HID + U_F, HID), dtype=jnp.float32) * 0.05
    b2a = jnp.zeros((HID,), dtype=jnp.float32)
    W2b = jax.random.normal(ks[8], (HID, N_F), dtype=jnp.float32) * 0.05
    b2b = jnp.zeros((N_F,), dtype=jnp.float32)
    return {"x": x, "edge_index": edge_index, "edge_attr": edge_attr, "u": u,
            "batch": batch, "W1a": W1a, "b1a": b1a, "W1b": W1b, "b1b": b1b,
            "W2a": W2a, "b2a": b2a, "W2b": W2b, "b2b": b2b}


def reference(x, edge_index, edge_attr, u, batch, W1a, b1a, W1b, b1b, W2a, b2a, W2b, b2b):
    row = edge_index[0]
    col = edge_index[1]
    # node_mlp_1 on [x[row] || edge_attr]
    m = jnp.concatenate([jnp.take(x, row, axis=0), edge_attr], axis=1)
    h = jax.nn.relu(m @ W1a + b1a) @ W1b + b1b
    # scatter_mean over destination nodes (col), dim_size = N
    s = jax.ops.segment_sum(h, col, num_segments=x.shape[0])
    cnt = jax.ops.segment_sum(jnp.ones((col.shape[0], 1), x.dtype), col, num_segments=x.shape[0])
    mean = s / jnp.maximum(cnt, 1.0)
    # node_mlp_2 on [x || mean || u[batch]]
    z = jnp.concatenate([x, mean, jnp.take(u, batch, axis=0)], axis=1)
    out = jax.nn.relu(z @ W2a + b2a) @ W2b + b2b
    return out

if __name__ == "__main__":
    import jax
    _d = setup_inputs()
    print(jax.jit(kernel)(*tuple(_d.values())))

</pallas_src>

<mosaic_0001>
#map = affine_map<(d0, d1) -> (0, 0)>
#map1 = affine_map<(d0, d1) -> (0, 0, 0)>
module attributes {stable_mosaic.version = 14 : i64} {
  func.func @_edge_sc_body(%arg0: i32, %arg1: i32, %arg2: memref<2x320000xi32, #tpu.memory_space<hbm>>, %arg3: memref<320000x128xf32, #tpu.memory_space<hbm>>, %arg4: memref<20000x64xf32, #tpu.memory_space<hbm>>, %arg5: memref<2x10240x80xf32, #tpu.memory_space<hbm>>, %arg6: memref<80xi32, #tpu.memory_space<vmem>>, %arg7: memref<80xi32, #tpu.memory_space<vmem>>, %arg8: memref<80xi32, #tpu.memory_space<vmem>>, %arg9: memref<80x64xf32, #tpu.memory_space<vmem>>, %arg10: memref<80x64xf32, #tpu.memory_space<vmem>>, %arg11: memref<80x80xf32, #tpu.memory_space<vmem>>, %arg12: memref<80xi32, #tpu.memory_space<vmem>>, %arg13: memref<80xi32, #tpu.memory_space<vmem>>, %arg14: memref<80xi32, #tpu.memory_space<vmem>>, %arg15: memref<80x64xf32, #tpu.memory_space<vmem>>, %arg16: memref<80x64xf32, #tpu.memory_space<vmem>>, %arg17: memref<80x80xf32, #tpu.memory_space<vmem>>, %arg18: memref<10240x80xf32, #tpu.memory_space<vmem_shared>>, %arg19: memref<!tpu.dma_semaphore, #tpu.memory_space<semaphore_mem>>, %arg20: memref<!tpu.dma_semaphore, #tpu.memory_space<semaphore_mem>>, %arg21: memref<!tpu.dma_semaphore, #tpu.memory_space<semaphore_mem>>, %arg22: memref<!tpu.dma_semaphore, #tpu.memory_space<semaphore_mem>>, %arg23: memref<!tpu.dma_semaphore, #tpu.memory_space<semaphore_mem>>, %arg24: memref<!tpu.dma_semaphore, #tpu.memory_space<semaphore_mem>>) attributes {dimension_semantics = [#tpu.dimension_semantics<core_parallel>, #tpu.dimension_semantics<subcore_parallel>], iteration_bounds = array<i64: 2, 16>, scalar_prefetch = 0 : i64, scratch_operands = 19 : i64, tpu.core_type = #tpu.core_type<sc_vector_subcore>, window_params = [{transform_indices = #map}, {transform_indices = #map}, {transform_indices = #map}, {transform_indices = #map1}]} {
    %broadcast_in_dim3A = arith.constant 0.000000e+00 : f32
    %broadcast_in_dim3A_0 = vector.broadcast %broadcast_in_dim3A : f32 to vector<16xf32>
    %iota3A = tpu.iota {dimensions = array<i32: 0>} : vector<16xi32>
    %eq3A = arith.constant 0 : i32
    %eq3A_1 = vector.broadcast %eq3A : i32 to vector<16xi32>
    %eq3A_2 = arith.cmpi eq, %iota3A, %eq3A_1 : vector<16xi32>
    %jit3A = arith.constant 1.000000e+00 : f32
    %jit3A_3 = arith.constant 0.000000e+00 : f32
    %broadcast_in_dim3A_4 = vector.broadcast %jit3A : f32 to vector<16xf32>
    %broadcast_in_dim3A_5 = vector.broadcast %jit3A_3 : f32 to vector<16xf32>
    %select_n3A = arith.select %eq3A_2, %broadcast_in_dim3A_4, %broadcast_in_dim3A_5 : vector<16xi1>, vector<16xf32>
    %scan3A = arith.constant 0 : i32
    %scan3A_6 = arith.constant 0 : i32
    %scan3A_7 = arith.constant 80 : i32
    %scan3A_8 = arith.addi %scan3A_6, %scan3A_7 : i32
    %scan3A_9 = arith.constant 1 : i32
    scf.for %scan3A_382 = %scan3A_6 to %scan3A_8 step %scan3A_9  : i32 {
      %swap3A_383 = arith.index_cast %scan3A_382 : i32 to index
      %swap3A_384 = arith.constant 0 : index
      %swap3A_385 = tpu.vector_load %arg11[%swap3A_383, %swap3A_384] {strides = array<i32>} : memref<80x80xf32, #tpu.memory_space<vmem>>, vector<1x16xf32>,
      %swap3A_386 = vector.shape_cast %swap3A_385 : vector<1x16xf32> to vector<16xf32>
      %swap3A_387 = vector.shape_cast %broadcast_in_dim3A_0 : vector<16xf32> to vector<1x16xf32>
      tpu.vector_store %arg11[%swap3A_383, %swap3A_384], %swap3A_387 {strides = array<i32>} : memref<80x80xf32, #tpu.memory_space<vmem>>, vector<1x16xf32>,
      %swap3A_388 = arith.index_cast %scan3A_382 : i32 to index
      %swap3A_389 = arith.constant 16 : index
      %swap3A_390 = tpu.vector_load %arg11[%swap3A_388, %swap3A_389] {strides = array<i32>} : memref<80x80xf32, #tpu.memory_space<vmem>>, vector<1x16xf32>,
      %swap3A_391 = vector.shape_cast %swap3A_390 : vector<1x16xf32> to vector<16xf32>
      %swap3A_392 = vector.shape_cast %broadcast_in_dim3A_0 : vector<16xf32> to vector<1x16xf32>
      tpu.vector_store %arg11[%swap3A_388, %swap3A_389], %swap3A_392 {strides = array<i32>} : memref<80x80xf32, #tpu.memory_space<vmem>>, vector<1x16xf32>,
      %swap3A_393 = arith.index_cast %scan3A_382 : i32 to index
      %swap3A_394 = arith.constant 32 : index
      %swap3A_395 = tpu.vector_load %arg11[%swap3A_393, %swap3A_394] {strides = array<i32>} : memref<80x80xf32, #tpu.memory_space<vmem>>, vector<1x16xf32>,
      %swap3A_396 = vector.shape_cast %swap3A_395 : vector<1x16xf32> to vector<16xf32>
      %swap3A_397 = vector.shape_cast %broadcast_in_dim3A_0 : vector<16xf32> to vector<1x16xf32>
      tpu.vector_store %arg11[%swap3A_393, %swap3A_394], %swap3A_397 {strides = array<i32>} : memref<80x80xf32, #tpu.memory_space<vmem>>, vector<1x16xf32>,
      %swap3A_398 = arith.index_cast %scan3A_382 : i32 to index
      %swap3A_399 = arith.constant 48 : index
      %swap3A_400 = tpu.vector_load %arg11[%swap3A_398, %swap3A_399] {strides = array<i32>} : memref<80x80xf32, #tpu.memory_space<vmem>>, vector<1x16xf32>,
      %swap3A_401 = vector.shape_cast %swap3A_400 : vector<1x16xf32> to vector<16xf32>
      %swap3A_402 = vector.shape_cast %broadcast_in_dim3A_0 : vector<16xf32> to vector<1x16xf32>
      tpu.vector_store %arg11[%swap3A_398, %swap3A_399], %swap3A_402 {strides = array<i32>} : memref<80x80xf32, #tpu.memory_space<vmem>>, vector<1x16xf32>,
      %swap3A_403 = arith.index_cast %scan3A_382 : i32 to index
      %swap3A_404 = arith.constant 64 : index
      %swap3A_405 = tpu.vector_load %arg11[%swap3A_403, %swap3A_404] {strides = array<i32>} : memref<80x80xf32, #tpu.memory_space<vmem>>, vector<1x16xf32>,
      %swap3A_406 = vector.shape_cast %swap3A_405 : vector<1x16xf32> to vector<16xf32>
      %swap3A_407 = vector.shape_cast %broadcast_in_dim3A_0 : vector<16xf32> to vector<1x16xf32>
      tpu.vector_store %arg11[%swap3A_403, %swap3A_404], %swap3A_407 {strides = array<i32>} : memref<80x80xf32, #tpu.memory_space<vmem>>, vector<1x16xf32>,
    }
    %scan3A_10 = arith.constant 80 : i32
    %mul3A = arith.constant 640 : i32
    %mul3A_11 = arith.muli %arg1, %mul3A : i32
    %add3A = arith.constant 0 : i32
    %add3A_12 = arith.addi %mul3A_11, %add3A : i32
    "tpu.region"() ({
      %run_scoped3A = tpu.sem_alloc : memref<!tpu.dma_semaphore, #tpu.memory_space<semaphore_mem>>
      %dma_start3A_382 = arith.constant 0 : i32
      %dma_start3A_383 = tpu.memref_slice %arg18[%add3A_12, %dma_start3A_382] : memref<10240x80xf32, #tpu.memory_space<vmem_shared>> -> memref<80x80xf32, #tpu.memory_space<vmem_shared>>
      %dma_start3A_384 = arith.constant 0 : i32
      %dma_start3A_385 = tpu.memref_slice %arg18[%add3A_12, %dma_start3A_384] : memref<10240x80xf32, #tpu.memory_space<vmem_shared>> -> memref<80x80xf32, #tpu.memory_space<vmem_shared>>
      tpu.enqueue_dma source(%arg11 : memref<80x80xf32, #tpu.memory_space<vmem>>) target(%dma_start3A_385 : memref<80x80xf32, #tpu.memory_space<vmem_shared>>) target_semaphore(%run_scoped3A : memref<!tpu.dma_semaphore, #tpu.memory_space<semaphore_mem>>)
      %dma_wait3A_386 = arith.constant 0 : i32
      %dma_wait3A_387 = tpu.memref_slice %arg18[%add3A_12, %dma_wait3A_386] : memref<10240x80xf32, #tpu.memory_space<vmem_shared>> -> memref<80x80xf32, #tpu.memory_space<vmem_shared>>
      %dma_wait3A_388 = arith.constant 0 : i32
      %dma_wait3A_389 = tpu.memref_slice %arg18[%add3A_12, %dma_wait3A_388] : memref<10240x80xf32, #tpu.memory_space<vmem_shared>> -> memref<80x80xf32, #tpu.memory_space<vmem_shared>>
      tpu.wait_dma2 semaphore(%run_scoped3A : memref<!tpu.dma_semaphore, #tpu.memory_space<semaphore_mem>>) src(%arg11 : memref<80x80xf32, #tpu.memory_space<vmem>>) dst(%dma_wait3A_389 : memref<80x80xf32, #tpu.memory_space<vmem_shared>>)
      tpu.yield
    }) : () -> ()
    %mul3A_13 = arith.constant 640 : i32
    %mul3A_14 = arith.muli %arg1, %mul3A_13 : i32
    %add3A_15 = arith.constant 80 : i32
    %add3A_16 = arith.addi %mul3A_14, %add3A_15 : i32
    "tpu.region"() ({
      %run_scoped3A = tpu.sem_alloc : memref<!tpu.dma_semaphore, #tpu.memory_space<semaphore_mem>>
      %dma_start3A_382 = arith.constant 0 : i32
      %dma_start3A_383 = tpu.memref_slice %arg18[%add3A_16, %dma_start3A_382] : memref<10240x80xf32, #tpu.memory_space<vmem_shared>> -> memref<80x80xf32, #tpu.memory_space<vmem_shared>>
      %dma_start3A_384 = arith.constant 0 : i32
      %dma_start3A_385 = tpu.memref_slice %arg18[%add3A_16, %dma_start3A_384] : memref<10240x80xf32, #tpu.memory_space<vmem_shared>> -> memref<80x80xf32, #tpu.memory_space<vmem_shared>>
      tpu.enqueue_dma source(%arg11 : memref<80x80xf32, #tpu.memory_space<vmem>>) target(%dma_start3A_385 : memref<80x80xf32, #tpu.memory_space<vmem_shared>>) target_semaphore(%run_scoped3A : memref<!tpu.dma_semaphore, #tpu.memory_space<semaphore_mem>>)
      %dma_wait3A_386 = arith.constant 0 : i32
      %dma_wait3A_387 = tpu.memref_slice %arg18[%add3A_16, %dma_wait3A_386] : memref<10240x80xf32, #tpu.memory_space<vmem_shared>> -> memref<80x80xf32, #tpu.memory_space<vmem_shared>>
      %dma_wait3A_388 = arith.constant 0 : i32
      %dma_wait3A_389 = tpu.memref_slice %arg18[%add3A_16, %dma_wait3A_388] : memref<10240x80xf32, #tpu.memory_space<vmem_shared>> -> memref<80x80xf32, #tpu.memory_space<vmem_shared>>
      tpu.wait_dma2 semaphore(%run_scoped3A : memref<!tpu.dma_semaphore, #tpu.memory_space<semaphore_mem>>) src(%arg11 : memref<80x80xf32, #tpu.memory_space<vmem>>) dst(%dma_wait3A_389 : memref<80x80xf32, #tpu.memory_space<vmem_shared>>)
      tpu.yield
    }) : () -> ()
    %mul3A_17 = arith.constant 640 : i32
    %mul3A_18 = arith.muli %arg1, %mul3A_17 : i32
    %add3A_19 = arith.constant 160 : i32
    %add3A_20 = arith.addi %mul3A_18, %add3A_19 : i32
    "tpu.region"() ({
      %run_scoped3A = tpu.sem_alloc : memref<!tpu.dma_semaphore, #tpu.memory_space<semaphore_mem>>
      %dma_start3A_382 = arith.constant 0 : i32
      %dma_start3A_383 = tpu.memref_slice %arg18[%add3A_20, %dma_start3A_382] : memref<10240x80xf32, #tpu.memory_space<vmem_shared>> -> memref<80x80xf32, #tpu.memory_space<vmem_shared>>
      %dma_start3A_384 = arith.constant 0 : i32
      %dma_start3A_385 = tpu.memref_slice %arg18[%add3A_20, %dma_start3A_384] : memref<10240x80xf32, #tpu.memory_space<vmem_shared>> -> memref<80x80xf32, #tpu.memory_space<vmem_shared>>
      tpu.enqueue_dma source(%arg11 : memref<80x80xf32, #tpu.memory_space<vmem>>) target(%dma_start3A_385 : memref<80x80xf32, #tpu.memory_space<vmem_shared>>) target_semaphore(%run_scoped3A : memref<!tpu.dma_semaphore, #tpu.memory_space<semaphore_mem>>)
      %dma_wait3A_386 = arith.constant 0 : i32
      %dma_wait3A_387 = tpu.memref_slice %arg18[%add3A_20, %dma_wait3A_386] : memref<10240x80xf32, #tpu.memory_space<vmem_shared>> -> memref<80x80xf32, #tpu.memory_space<vmem_shared>>
      %dma_wait3A_388 = arith.constant 0 : i32
      %dma_wait3A_389 = tpu.memref_slice %arg18[%add3A_20, %dma_wait3A_388] : memref<10240x80xf32, #tpu.memory_space<vmem_shared>> -> memref<80x80xf32, #tpu.memory_space<vmem_shared>>
      tpu.wait_dma2 semaphore(%run_scoped3A : memref<!tpu.dma_semaphore, #tpu.memory_space<semaphore_mem>>) src(%arg11 : memref<80x80xf32, #tpu.memory_space<vmem>>) dst(%dma_wait3A_389 : memref<80x80xf32, #tpu.memory_space<vmem_shared>>)
      tpu.yield
    }) : () -> ()
    %mul3A_21 = arith.constant 640 : i32
    %mul3A_22 = arith.muli %arg1, %mul3A_21 : i32
    %add3A_23 = arith.constant 240 : i32
    %add3A_24 = arith.addi %mul3A_22, %add3A_23 : i32
    "tpu.region"() ({
      %run_scoped3A = tpu.sem_alloc : memref<!tpu.dma_semaphore, #tpu.memory_space<semaphore_mem>>
      %dma_start3A_382 = arith.constant 0 : i32
      %dma_start3A_383 = tpu.memref_slice %arg18[%add3A_24, %dma_start3A_382] : memref<10240x80xf32, #tpu.memory_space<vmem_shared>> -> memref<80x80xf32, #tpu.memory_space<vmem_shared>>
      %dma_start3A_384 = arith.constant 0 : i32
      %dma_start3A_385 = tpu.memref_slice %arg18[%add3A_24, %dma_start3A_384] : memref<10240x80xf32, #tpu.memory_space<vmem_shared>> -> memref<80x80xf32, #tpu.memory_space<vmem_shared>>
      tpu.enqueue_dma source(%arg11 : memref<80x80xf32, #tpu.memory_space<vmem>>) target(%dma_start3A_385 : memref<80x80xf32, #tpu.memory_space<vmem_shared>>) target_semaphore(%run_scoped3A : memref<!tpu.dma_semaphore, #tpu.memory_space<semaphore_mem>>)
      %dma_wait3A_386 = arith.constant 0 : i32
      %dma_wait3A_387 = tpu.memref_slice %arg18[%add3A_24, %dma_wait3A_386] : memref<10240x80xf32, #tpu.memory_space<vmem_shared>> -> memref<80x80xf32, #tpu.memory_space<vmem_shared>>
      %dma_wait3A_388 = arith.constant 0 : i32
      %dma_wait3A_389 = tpu.memref_slice %arg18[%add3A_24, %dma_wait3A_388] : memref<10240x80xf32, #tpu.memory_space<vmem_shared>> -> memref<80x80xf32, #tpu.memory_space<vmem_shared>>
      tpu.wait_dma2 semaphore(%run_scoped3A : memref<!tpu.dma_semaphore, #tpu.memory_space<semaphore_mem>>) src(%arg11 : memref<80x80xf32, #tpu.memory_space<vmem>>) dst(%dma_wait3A_389 : memref<80x80xf32, #tpu.memory_space<vmem_shared>>)
      tpu.yield
    }) : () -> ()
    %mul3A_25 = arith.constant 640 : i32
    %mul3A_26 = arith.muli %arg1, %mul3A_25 : i32
    %add3A_27 = arith.constant 320 : i32
    %add3A_28 = arith.addi %mul3A_26, %add3A_27 : i32
    "tpu.region"() ({
      %run_scoped3A = tpu.sem_alloc : memref<!tpu.dma_semaphore, #tpu.memory_space<semaphore_mem>>
      %dma_start3A_382 = arith.constant 0 : i32
      %dma_start3A_383 = tpu.memref_slice %arg18[%add3A_28, %dma_start3A_382] : memref<10240x80xf32, #tpu.memory_space<vmem_shared>> -> memref<80x80xf32, #tpu.memory_space<vmem_shared>>
      %dma_start3A_384 = arith.constant 0 : i32
      %dma_start3A_385 = tpu.memref_slice %arg18[%add3A_28, %dma_start3A_384] : memref<10240x80xf32, #tpu.memory_space<vmem_shared>> -> memref<80x80xf32, #tpu.memory_space<vmem_shared>>
      tpu.enqueue_dma source(%arg11 : memref<80x80xf32, #tpu.memory_space<vmem>>) target(%dma_start3A_385 : memref<80x80xf32, #tpu.memory_space<vmem_shared>>) target_semaphore(%run_scoped3A : memref<!tpu.dma_semaphore, #tpu.memory_space<semaphore_mem>>)
      %dma_wait3A_386 = arith.constant 0 : i32
      %dma_wait3A_387 = tpu.memref_slice %arg18[%add3A_28, %dma_wait3A_386] : memref<10240x80xf32, #tpu.memory_space<vmem_shared>> -> memref<80x80xf32, #tpu.memory_space<vmem_shared>>
      %dma_wait3A_388 = arith.constant 0 : i32
      %dma_wait3A_389 = tpu.memref_slice %arg18[%add3A_28, %dma_wait3A_388] : memref<10240x80xf32, #tpu.memory_space<vmem_shared>> -> memref<80x80xf32, #tpu.memory_space<vmem_shared>>
      tpu.wait_dma2 semaphore(%run_scoped3A : memref<!tpu.dma_semaphore, #tpu.memory_space<semaphore_mem>>) src(%arg11 : memref<80x80xf32, #tpu.memory_space<vmem>>) dst(%dma_wait3A_389 : memref<80x80xf32, #tpu.memory_space<vmem_shared>>)
      tpu.yield
    }) : () -> ()
    %mul3A_29 = arith.constant 640 : i32
    %mul3A_30 = arith.muli %arg1, %mul3A_29 : i32
    %add3A_31 = arith.constant 400 : i32
    %add3A_32 = arith.addi %mul3A_30, %add3A_31 : i32
    "tpu.region"() ({
      %run_scoped3A = tpu.sem_alloc : memref<!tpu.dma_semaphore, #tpu.memory_space<semaphore_mem>>
      %dma_start3A_382 = arith.constant 0 : i32
      %dma_start3A_383 = tpu.memref_slice %arg18[%add3A_32, %dma_start3A_382] : memref<10240x80xf32, #tpu.memory_space<vmem_shared>> -> memref<80x80xf32, #tpu.memory_space<vmem_shared>>
      %dma_start3A_384 = arith.constant 0 : i32
      %dma_start3A_385 = tpu.memref_slice %arg18[%add3A_32, %dma_start3A_384] : memref<10240x80xf32, #tpu.memory_space<vmem_shared>> -> memref<80x80xf32, #tpu.memory_space<vmem_shared>>
      tpu.enqueue_dma source(%arg11 : memref<80x80xf32, #tpu.memory_space<vmem>>) target(%dma_start3A_385 : memref<80x80xf32, #tpu.memory_space<vmem_shared>>) target_semaphore(%run_scoped3A : memref<!tpu.dma_semaphore, #tpu.memory_space<semaphore_mem>>)
      %dma_wait3A_386 = arith.constant 0 : i32
      %dma_wait3A_387 = tpu.memref_slice %arg18[%add3A_32, %dma_wait3A_386] : memref<10240x80xf32, #tpu.memory_space<vmem_shared>> -> memref<80x80xf32, #tpu.memory_space<vmem_shared>>
      %dma_wait3A_388 = arith.constant 0 : i32
      %dma_wait3A_389 = tpu.memref_slice %arg18[%add3A_32, %dma_wait3A_388] : memref<10240x80xf32, #tpu.memory_space<vmem_shared>> -> memref<80x80xf32, #tpu.memory_space<vmem_shared>>
      tpu.wait_dma2 semaphore(%run_scoped3A : memref<!tpu.dma_semaphore, #tpu.memory_space<semaphore_mem>>) src(%arg11 : memref<80x80xf32, #tpu.memory_space<vmem>>) dst(%dma_wait3A_389 : memref<80x80xf32, #tpu.memory_space<vmem_shared>>)
      tpu.yield
    }) : () -> ()
    %mul3A_33 = arith.constant 640 : i32
    %mul3A_34 = arith.muli %arg1, %mul3A_33 : i32
    %add3A_35 = arith.constant 480 : i32
    %add3A_36 = arith.addi %mul3A_34, %add3A_35 : i32
    "tpu.region"() ({
      %run_scoped3A = tpu.sem_alloc : memref<!tpu.dma_semaphore, #tpu.memory_space<semaphore_mem>>
      %dma_start3A_382 = arith.constant 0 : i32
      %dma_start3A_383 = tpu.memref_slice %arg18[%add3A_36, %dma_start3A_382] : memref<10240x80xf32, #tpu.memory_space<vmem_shared>> -> memref<80x80xf32, #tpu.memory_space<vmem_shared>>
      %dma_start3A_384 = arith.constant 0 : i32
      %dma_start3A_385 = tpu.memref_slice %arg18[%add3A_36, %dma_start3A_384] : memref<10240x80xf32, #tpu.memory_space<vmem_shared>> -> memref<80x80xf32, #tpu.memory_space<vmem_shared>>
      tpu.enqueue_dma source(%arg11 : memref<80x80xf32, #tpu.memory_space<vmem>>) target(%dma_start3A_385 : memref<80x80xf32, #tpu.memory_space<vmem_shared>>) target_semaphore(%run_scoped3A : memref<!tpu.dma_semaphore, #tpu.memory_space<semaphore_mem>>)
      %dma_wait3A_386 = arith.constant 0 : i32
      %dma_wait3A_387 = tpu.memref_slice %arg18[%add3A_36, %dma_wait3A_386] : memref<10240x80xf32, #tpu.memory_space<vmem_shared>> -> memref<80x80xf32, #tpu.memory_space<vmem_shared>>
      %dma_wait3A_388 = arith.constant 0 : i32
      %dma_wait3A_389 = tpu.memref_slice %arg18[%add3A_36, %dma_wait3A_388] : memref<10240x80xf32, #tpu.memory_space<vmem_shared>> -> memref<80x80xf32, #tpu.memory_space<vmem_shared>>
      tpu.wait_dma2 semaphore(%run_scoped3A : memref<!tpu.dma_semaphore, #tpu.memory_space<semaphore_mem>>) src(%arg11 : memref<80x80xf32, #tpu.memory_space<vmem>>) dst(%dma_wait3A_389 : memref<80x80xf32, #tpu.memory_space<vmem_shared>>)
      tpu.yield
    }) : () -> ()
    %mul3A_37 = arith.constant 640 : i32
    %mul3A_38 = arith.muli %arg1, %mul3A_37 : i32
    %add3A_39 = arith.constant 560 : i32
    %add3A_40 = arith.addi %mul3A_38, %add3A_39 : i32
    "tpu.region"() ({
      %run_scoped3A = tpu.sem_alloc : memref<!tpu.dma_semaphore, #tpu.memory_space<semaphore_mem>>
      %dma_start3A_382 = arith.constant 0 : i32
      %dma_start3A_383 = tpu.memref_slice %arg18[%add3A_40, %dma_start3A_382] : memref<10240x80xf32, #tpu.memory_space<vmem_shared>> -> memref<80x80xf32, #tpu.memory_space<vmem_shared>>
      %dma_start3A_384 = arith.constant 0 : i32
      %dma_start3A_385 = tpu.memref_slice %arg18[%add3A_40, %dma_start3A_384] : memref<10240x80xf32, #tpu.memory_space<vmem_shared>> -> memref<80x80xf32, #tpu.memory_space<vmem_shared>>
      tpu.enqueue_dma source(%arg11 : memref<80x80xf32, #tpu.memory_space<vmem>>) target(%dma_start3A_385 : memref<80x80xf32, #tpu.memory_space<vmem_shared>>) target_semaphore(%run_scoped3A : memref<!tpu.dma_semaphore, #tpu.memory_space<semaphore_mem>>)
      %dma_wait3A_386 = arith.constant 0 : i32
      %dma_wait3A_387 = tpu.memref_slice %arg18[%add3A_40, %dma_wait3A_386] : memref<10240x80xf32, #tpu.memory_space<vmem_shared>> -> memref<80x80xf32, #tpu.memory_space<vmem_shared>>
      %dma_wait3A_388 = arith.constant 0 : i32
      %dma_wait3A_389 = tpu.memref_slice %arg18[%add3A_40, %dma_wait3A_388] : memref<10240x80xf32, #tpu.memory_space<vmem_shared>> -> memref<80x80xf32, #tpu.memory_space<vmem_shared>>
      tpu.wait_dma2 semaphore(%run_scoped3A : memref<!tpu.dma_semaphore, #tpu.memory_space<semaphore_mem>>) src(%arg11 : memref<80x80xf32, #tpu.memory_space<vmem>>) dst(%dma_wait3A_389 : memref<80x80xf32, #tpu.memory_space<vmem_shared>>)
      tpu.yield
    }) : () -> ()
    %scan3A_41 = arith.constant 0 : i32
    %scan3A_42 = arith.constant 0 : i32
    %scan3A_43 = arith.constant 80 : i32
    %scan3A_44 = arith.addi %scan3A_42, %scan3A_43 : i32
    %scan3A_45 = arith.constant 1 : i32
    scf.for %scan3A_382 = %scan3A_42 to %scan3A_44 step %scan3A_45  : i32 {
      %swap3A_383 = arith.index_cast %scan3A_382 : i32 to index
      %swap3A_384 = arith.constant 64 : index
      %swap3A_385 = tpu.vector_load %arg11[%swap3A_383, %swap3A_384] {strides = array<i32>} : memref<80x80xf32, #tpu.memory_space<vmem>>, vector<1x16xf32>,
      %swap3A_386 = vector.shape_cast %swap3A_385 : vector<1x16xf32> to vector<16xf32>
      %swap3A_387 = vector.shape_cast %select_n3A : vector<16xf32> to vector<1x16xf32>
      tpu.vector_store %arg11[%swap3A_383, %swap3A_384], %swap3A_387 {strides = array<i32>} : memref<80x80xf32, #tpu.memory_space<vmem>>, vector<1x16xf32>,
      %swap3A_388 = arith.index_cast %scan3A_382 : i32 to index
      %swap3A_389 = arith.constant 64 : index
      %swap3A_390 = tpu.vector_load %arg17[%swap3A_388, %swap3A_389] {strides = array<i32>} : memref<80x80xf32, #tpu.memory_space<vmem>>, vector<1x16xf32>,
      %swap3A_391 = vector.shape_cast %swap3A_390 : vector<1x16xf32> to vector<16xf32>
      %swap3A_392 = vector.shape_cast %select_n3A : vector<16xf32> to vector<1x16xf32>
      tpu.vector_store %arg17[%swap3A_388, %swap3A_389], %swap3A_392 {strides = array<i32>} : memref<80x80xf32, #tpu.memory_space<vmem>>, vector<1x16xf32>,
    }
    %scan3A_46 = arith.constant 80 : i32
    %barrier3A = arith.constant 0 : index
    tpu.barrier barrier_id(%barrier3A)
    %mul3A_47 = arith.constant 20000 : i32
    %mul3A_48 = arith.muli %arg1, %mul3A_47 : i32
    %mul3A_49 = arith.constant 10000 : i32
    %mul3A_50 = arith.muli %arg0, %mul3A_49 : i32
    %mul3A_51 = arith.constant 320000 : i32
    %mul3A_52 = arith.muli %arg0, %mul3A_51 : i32
    %add3A_53 = arith.constant 0 : i32
    %add3A_54 = arith.addi %mul3A_48, %add3A_53 : i32
    %jit3A_55 = arith.constant 6400 : i32
    %eq3A_56 = arith.constant 0 : i32
    %eq3A_57 = arith.cmpi eq, %jit3A_55, %eq3A_56 : i32
    %jit3A_58 = arith.constant 1 : i32
    %select_n3A_59 = arith.select %eq3A_57, %jit3A_58, %jit3A_55 : i32
    %rem3A = arith.remsi %add3A_54, %select_n3A_59 : i32
    %ne3A = arith.constant 0 : i32
    %ne3A_60 = arith.cmpi ne, %rem3A, %ne3A : i32
    %lt3A = arith.constant 0 : i32
    %lt3A_61 = arith.cmpi slt, %rem3A, %lt3A : i32
    %lt3A_62 = arith.constant 0 : i32
    %lt3A_63 = arith.cmpi slt, %select_n3A_59, %lt3A_62 : i32
    %ne3A_64 = arith.xori %lt3A_61, %lt3A_63 : i1
    %and3A = arith.andi %ne3A_64, %ne3A_60 : i1
    %add3A_65 = arith.addi %rem3A, %select_n3A_59 : i32
    %select_n3A_66 = arith.select %and3A, %add3A_65, %rem3A : i32
    %mul3A_67 = arith.constant 160000 : i32
    %mul3A_68 = arith.muli %arg0, %mul3A_67 : i32
    %jit3A_69 = arith.constant 6400 : i32
    %div3A = arith.divsi %add3A_54, %jit3A_69 : i32
    %sign3A = arith.constant 0 : i32
    %sign3A_70 = arith.cmpi sgt, %add3A_54, %sign3A : i32
    %sign3A_71 = arith.extui %sign3A_70 : i1 to i32
    %sign3A_72 = arith.constant 0 : i32
    %sign3A_73 = arith.cmpi slt, %add3A_54, %sign3A_72 : i32
    %sign3A_74 = arith.extui %sign3A_73 : i1 to i32
    %sign3A_75 = arith.subi %sign3A_71, %sign3A_74 : i32
    %sign3A_76 = arith.constant 0 : i32
    %sign3A_77 = arith.cmpi sgt, %jit3A_69, %sign3A_76 : i32
    %sign3A_78 = arith.extui %sign3A_77 : i1 to i32
    %sign3A_79 = arith.constant 0 : i32
    %sign3A_80 = arith.cmpi slt, %jit3A_69, %sign3A_79 : i32
    %sign3A_81 = arith.extui %sign3A_80 : i1 to i32
    %sign3A_82 = arith.subi %sign3A_78, %sign3A_81 : i32
    %ne3A_83 = arith.cmpi ne, %sign3A_75, %sign3A_82 : i32
    %rem3A_84 = arith.remsi %add3A_54, %jit3A_69 : i32
    %ne3A_85 = arith.constant 0 : i32
    %ne3A_86 = arith.cmpi ne, %rem3A_84, %ne3A_85 : i32
    %and3A_87 = arith.andi %ne3A_83, %ne3A_86 : i1
    %sub3A = arith.constant 1 : i32
    %sub3A_88 = arith.subi %div3A, %sub3A : i32
    %select_n3A_89 = arith.select %and3A_87, %sub3A_88, %div3A : i32
    %mul3A_90 = arith.constant 3200 : i32
    %mul3A_91 = arith.muli %select_n3A_89, %mul3A_90 : i32
    %add3A_92 = arith.addi %mul3A_68, %mul3A_91 : i32
    %jit3A_93 = arith.constant 3200 : i32
    %eq3A_94 = arith.constant 0 : i32
    %eq3A_95 = arith.cmpi eq, %jit3A_93, %eq3A_94 : i32
    %jit3A_96 = arith.constant 1 : i32
    %select_n3A_97 = arith.select %eq3A_95, %jit3A_96, %jit3A_93 : i32
    %rem3A_98 = arith.remsi %select_n3A_66, %select_n3A_97 : i32
    %ne3A_99 = arith.constant 0 : i32
    %ne3A_100 = arith.cmpi ne, %rem3A_98, %ne3A_99 : i32
    %lt3A_101 = arith.constant 0 : i32
    %lt3A_102 = arith.cmpi slt, %rem3A_98, %lt3A_101 : i32
    %lt3A_103 = arith.constant 0 : i32
    %lt3A_104 = arith.cmpi slt, %select_n3A_97, %lt3A_103 : i32
    %ne3A_105 = arith.xori %lt3A_102, %lt3A_104 : i1
    %and3A_106 = arith.andi %ne3A_105, %ne3A_100 : i1
    %add3A_107 = arith.addi %rem3A_98, %select_n3A_97 : i32
    %select_n3A_108 = arith.select %and3A_106, %add3A_107, %rem3A_98 : i32
    %add3A_109 = arith.addi %add3A_92, %select_n3A_108 : i32
    %jit3A_110 = arith.constant 3200 : i32
    %div3A_111 = arith.divsi %select_n3A_66, %jit3A_110 : i32
    %sign3A_112 = arith.constant 0 : i32
    %sign3A_113 = arith.cmpi sgt, %select_n3A_66, %sign3A_112 : i32
    %sign3A_114 = arith.extui %sign3A_113 : i1 to i32
    %sign3A_115 = arith.constant 0 : i32
    %sign3A_116 = arith.cmpi slt, %select_n3A_66, %sign3A_115 : i32
    %sign3A_117 = arith.extui %sign3A_116 : i1 to i32
    %sign3A_118 = arith.subi %sign3A_114, %sign3A_117 : i32
    %sign3A_119 = arith.constant 0 : i32
    %sign3A_120 = arith.cmpi sgt, %jit3A_110, %sign3A_119 : i32
    %sign3A_121 = arith.extui %sign3A_120 : i1 to i32
    %sign3A_122 = arith.constant 0 : i32
    %sign3A_123 = arith.cmpi slt, %jit3A_110, %sign3A_122 : i32
    %sign3A_124 = arith.extui %sign3A_123 : i1 to i32
    %sign3A_125 = arith.subi %sign3A_121, %sign3A_124 : i32
    %ne3A_126 = arith.cmpi ne, %sign3A_118, %sign3A_125 : i32
    %rem3A_127 = arith.remsi %select_n3A_66, %jit3A_110 : i32
    %ne3A_128 = arith.constant 0 : i32
    %ne3A_129 = arith.cmpi ne, %rem3A_127, %ne3A_128 : i32
    %and3A_130 = arith.andi %ne3A_126, %ne3A_129 : i1
    %sub3A_131 = arith.constant 1 : i32
    %sub3A_132 = arith.subi %div3A_111, %sub3A_131 : i32
    %select_n3A_133 = arith.select %and3A_130, %sub3A_132, %div3A_111 : i32
    %dma_start3A = arith.constant 0 : i32
    %dma_start3A_134 = tpu.memref_slice %arg2[%dma_start3A, %add3A_54] : memref<2x320000xi32, #tpu.memory_space<hbm>> -> memref<1x80xi32, #tpu.memory_space<hbm>>
    %dma_start3A_135 = tpu.memref_squeeze %dma_start3A_134 : memref<1x80xi32, #tpu.memory_space<hbm>> -> memref<80xi32, #tpu.memory_space<hbm>>
    %dma_start3A_136 = tpu.memref_slice %arg2[%dma_start3A, %add3A_54] : memref<2x320000xi32, #tpu.memory_space<hbm>> -> memref<1x80xi32, #tpu.memory_space<hbm>>
    %dma_start3A_137 = tpu.memref_squeeze %dma_start3A_136 : memref<1x80xi32, #tpu.memory_space<hbm>> -> memref<80xi32, #tpu.memory_space<hbm>>
    tpu.enqueue_dma source(%dma_start3A_137 : memref<80xi32, #tpu.memory_space<hbm>>) target(%arg6 : memref<80xi32, #tpu.memory_space<vmem>>) target_semaphore(%arg19 : memref<!tpu.dma_semaphore, #tpu.memory_space<semaphore_mem>>)
    %dma_start3A_138 = arith.constant 1 : i32
    %dma_start3A_139 = tpu.memref_slice %arg2[%dma_start3A_138, %add3A_54] : memref<2x320000xi32, #tpu.memory_space<hbm>> -> memref<1x80xi32, #tpu.memory_space<hbm>>
    %dma_start3A_140 = tpu.memref_squeeze %dma_start3A_139 : memref<1x80xi32, #tpu.memory_space<hbm>> -> memref<80xi32, #tpu.memory_space<hbm>>
    %dma_start3A_141 = tpu.memref_slice %arg2[%dma_start3A_138, %add3A_54] : memref<2x320000xi32, #tpu.memory_space<hbm>> -> memref<1x80xi32, #tpu.memory_space<hbm>>
    %dma_start3A_142 = tpu.memref_squeeze %dma_start3A_141 : memref<1x80xi32, #tpu.memory_space<hbm>> -> memref<80xi32, #tpu.memory_space<hbm>>
    tpu.enqueue_dma source(%dma_start3A_142 : memref<80xi32, #tpu.memory_space<hbm>>) target(%arg7 : memref<80xi32, #tpu.memory_space<vmem>>) target_semaphore(%arg19 : memref<!tpu.dma_semaphore, #tpu.memory_space<semaphore_mem>>)
    %mul3A_143 = arith.constant 64 : i32
    %mul3A_144 = arith.muli %select_n3A_133, %mul3A_143 : i32
    %dma_start3A_145 = tpu.memref_slice %arg3[%add3A_109, %mul3A_144] : memref<320000x128xf32, #tpu.memory_space<hbm>> -> memref<80x64xf32, #tpu.memory_space<hbm>>
    %dma_start3A_146 = tpu.memref_slice %arg3[%add3A_109, %mul3A_144] : memref<320000x128xf32, #tpu.memory_space<hbm>> -> memref<80x64xf32, #tpu.memory_space<hbm>>
    tpu.enqueue_dma source(%dma_start3A_146 : memref<80x64xf32, #tpu.memory_space<hbm>>) target(%arg9 : memref<80x64xf32, #tpu.memory_space<vmem>>) target_semaphore(%arg19 : memref<!tpu.dma_semaphore, #tpu.memory_space<semaphore_mem>>)
    %dma_wait3A = arith.constant 0 : i32
    %dma_wait3A_147 = arith.constant 0 : i32
    %dma_wait3A_148 = tpu.memref_slice %arg2[%dma_wait3A, %dma_wait3A_147] : memref<2x320000xi32, #tpu.memory_space<hbm>> -> memref<1x80xi32, #tpu.memory_space<hbm>>
    %dma_wait3A_149 = tpu.memref_squeeze %dma_wait3A_148 : memref<1x80xi32, #tpu.memory_space<hbm>> -> memref<80xi32, #tpu.memory_space<hbm>>
    %dma_wait3A_150 = arith.constant 0 : i32
    %dma_wait3A_151 = tpu.memref_slice %arg2[%dma_wait3A, %dma_wait3A_150] : memref<2x320000xi32, #tpu.memory_space<hbm>> -> memref<1x80xi32, #tpu.memory_space<hbm>>
    %dma_wait3A_152 = tpu.memref_squeeze %dma_wait3A_151 : memref<1x80xi32, #tpu.memory_space<hbm>> -> memref<80xi32, #tpu.memory_space<hbm>>
    tpu.wait_dma2 semaphore(%arg19 : memref<!tpu.dma_semaphore, #tpu.memory_space<semaphore_mem>>) src(%dma_wait3A_152 : memref<80xi32, #tpu.memory_space<hbm>>) dst(%arg6 : memref<80xi32, #tpu.memory_space<vmem>>)
    %dma_wait3A_153 = arith.constant 1 : i32
    %dma_wait3A_154 = arith.constant 0 : i32
    %dma_wait3A_155 = tpu.memref_slice %arg2[%dma_wait3A_153, %dma_wait3A_154] : memref<2x320000xi32, #tpu.memory_space<hbm>> -> memref<1x80xi32, #tpu.memory_space<hbm>>
    %dma_wait3A_156 = tpu.memref_squeeze %dma_wait3A_155 : memref<1x80xi32, #tpu.memory_space<hbm>> -> memref<80xi32, #tpu.memory_space<hbm>>
    %dma_wait3A_157 = arith.constant 0 : i32
    %dma_wait3A_158 = tpu.memref_slice %arg2[%dma_wait3A_153, %dma_wait3A_157] : memref<2x320000xi32, #tpu.memory_space<hbm>> -> memref<1x80xi32, #tpu.memory_space<hbm>>
    %dma_wait3A_159 = tpu.memref_squeeze %dma_wait3A_158 : memref<1x80xi32, #tpu.memory_space<hbm>> -> memref<80xi32, #tpu.memory_space<hbm>>
    tpu.wait_dma2 semaphore(%arg19 : memref<!tpu.dma_semaphore, #tpu.memory_space<semaphore_mem>>) src(%dma_wait3A_159 : memref<80xi32, #tpu.memory_space<hbm>>) dst(%arg7 : memref<80xi32, #tpu.memory_space<vmem>>)
    %dma_wait3A_160 = arith.constant 0 : i32
    %dma_wait3A_161 = arith.constant 0 : i32
    %dma_wait3A_162 = tpu.memref_slice %arg3[%dma_wait3A_160, %dma_wait3A_161] : memref<320000x128xf32, #tpu.memory_space<hbm>> -> memref<80x64xf32, #tpu.memory_space<hbm>>
    %dma_wait3A_163 = arith.constant 0 : i32
    %dma_wait3A_164 = arith.constant 0 : i32
    %dma_wait3A_165 = tpu.memref_slice %arg3[%dma_wait3A_163, %dma_wait3A_164] : memref<320000x128xf32, #tpu.memory_space<hbm>> -> memref<80x64xf32, #tpu.memory_space<hbm>>
    tpu.wait_dma2 semaphore(%arg19 : memref<!tpu.dma_semaphore, #tpu.memory_space<semaphore_mem>>) src(%dma_wait3A_165 : memref<80x64xf32, #tpu.memory_space<hbm>>) dst(%arg9 : memref<80x64xf32, #tpu.memory_space<vmem>>)
    %scan3A_166 = arith.constant 0 : i32
    %scan3A_167 = arith.constant 0 : i32
    %mul3A_168 = arith.constant 16 : i32
    %mul3A_169 = arith.muli %scan3A_167, %mul3A_168 : i32
    %get3A = arith.index_cast %mul3A_169 : i32 to index
    %get3A_170 = tpu.vector_load %arg6[%get3A] {strides = array<i32>} : memref<80xi32, #tpu.memory_space<vmem>>, vector<16xi32>,
    %get3A_171 = vector.shape_cast %get3A_170 : vector<16xi32> to vector<16xi32>
    %add3A_172 = vector.broadcast %mul3A_50 : i32 to vector<16xi32>
    %add3A_173 = arith.addi %get3A_171, %add3A_172 : vector<16xi32>
    %swap3A = arith.index_cast %mul3A_169 : i32 to index
    %swap3A_174 = tpu.vector_load %arg6[%swap3A] {strides = array<i32>} : memref<80xi32, #tpu.memory_space<vmem>>, vector<16xi32>,
    %swap3A_175 = vector.shape_cast %swap3A_174 : vector<16xi32> to vector<16xi32>
    %swap3A_176 = vector.shape_cast %add3A_173 : vector<16xi32> to vector<16xi32>
    tpu.vector_store %arg6[%swap3A], %swap3A_176 {strides = array<i32>} : memref<80xi32, #tpu.memory_space<vmem>>, vector<16xi32>,
    %scan3A_177 = arith.constant 1 : i32
    %mul3A_178 = arith.constant 16 : i32
    %mul3A_179 = arith.muli %scan3A_177, %mul3A_178 : i32
    %get3A_180 = arith.index_cast %mul3A_179 : i32 to index
    %get3A_181 = tpu.vector_load %arg6[%get3A_180] {strides = array<i32>} : memref<80xi32, #tpu.memory_space<vmem>>, vector<16xi32>,
    %get3A_182 = vector.shape_cast %get3A_181 : vector<16xi32> to vector<16xi32>
    %add3A_183 = vector.broadcast %mul3A_50 : i32 to vector<16xi32>
    %add3A_184 = arith.addi %get3A_182, %add3A_183 : vector<16xi32>
    %swap3A_185 = arith.index_cast %mul3A_179 : i32 to index
    %swap3A_186 = tpu.vector_load %arg6[%swap3A_185] {strides = array<i32>} : memref<80xi32, #tpu.memory_space<vmem>>, vector<16xi32>,
    %swap3A_187 = vector.shape_cast %swap3A_186 : vector<16xi32> to vector<16xi32>
    %swap3A_188 = vector.shape_cast %add3A_184 : vector<16xi32> to vector<16xi32>
    tpu.vector_store %arg6[%swap3A_185], %swap3A_188 {strides = array<i32>} : memref<80xi32, #tpu.memory_space<vmem>>, vector<16xi32>,
    %scan3A_189 = arith.constant 2 : i32
    %mul3A_190 = arith.constant 16 : i32
    %mul3A_191 = arith.muli %scan3A_189, %mul3A_190 : i32
    %get3A_192 = arith.index_cast %mul3A_191 : i32 to index
    %get3A_193 = tpu.vector_load %arg6[%get3A_192] {strides = array<i32>} : memref<80xi32, #tpu.memory_space<vmem>>, vector<16xi32>,
    %get3A_194 = vector.shape_cast %get3A_193 : vector<16xi32> to vector<16xi32>
    %add3A_195 = vector.broadcast %mul3A_50 : i32 to vector<16xi32>
    %add3A_196 = arith.addi %get3A_194, %add3A_195 : vector<16xi32>
    %swap3A_197 = arith.index_cast %mul3A_191 : i32 to index
    %swap3A_198 = tpu.vector_load %arg6[%swap3A_197] {strides = array<i32>} : memref<80xi32, #tpu.memory_space<vmem>>, vector<16xi32>,
    %swap3A_199 = vector.shape_cast %swap3A_198 : vector<16xi32> to vector<16xi32>
    %swap3A_200 = vector.shape_cast %add3A_196 : vector<16xi32> to vector<16xi32>
    tpu.vector_store %arg6[%swap3A_197], %swap3A_200 {strides = array<i32>} : memref<80xi32, #tpu.memory_space<vmem>>, vector<16xi32>,
    %scan3A_201 = arith.constant 3 : i32
    %mul3A_202 = arith.constant 16 : i32
    %mul3A_203 = arith.muli %scan3A_201, %mul3A_202 : i32
    %get3A_204 = arith.index_cast %mul3A_203 : i32 to index
    %get3A_205 = tpu.vector_load %arg6[%get3A_204] {strides = array<i32>} : memref<80xi32, #tpu.memory_space<vmem>>, vector<16xi32>,
    %get3A_206 = vector.shape_cast %get3A_205 : vector<16xi32> to vector<16xi32>
    %add3A_207 = vector.broadcast %mul3A_50 : i32 to vector<16xi32>
    %add3A_208 = arith.addi %get3A_206, %add3A_207 : vector<16xi32>
    %swap3A_209 = arith.index_cast %mul3A_203 : i32 to index
    %swap3A_210 = tpu.vector_load %arg6[%swap3A_209] {strides = array<i32>} : memref<80xi32, #tpu.memory_space<vmem>>, vector<16xi32>,
    %swap3A_211 = vector.shape_cast %swap3A_210 : vector<16xi32> to vector<16xi32>
    %swap3A_212 = vector.shape_cast %add3A_208 : vector<16xi32> to vector<16xi32>
    tpu.vector_store %arg6[%swap3A_209], %swap3A_212 {strides = array<i32>} : memref<80xi32, #tpu.memory_space<vmem>>, vector<16xi32>,
    %scan3A_213 = arith.constant 4 : i32
    %mul3A_214 = arith.constant 16 : i32
    %mul3A_215 = arith.muli %scan3A_213, %mul3A_214 : i32
    %get3A_216 = arith.index_cast %mul3A_215 : i32 to index
    %get3A_217 = tpu.vector_load %arg6[%get3A_216] {strides = array<i32>} : memref<80xi32, #tpu.memory_space<vmem>>, vector<16xi32>,
    %get3A_218 = vector.shape_cast %get3A_217 : vector<16xi32> to vector<16xi32>
    %add3A_219 = vector.broadcast %mul3A_50 : i32 to vector<16xi32>
    %add3A_220 = arith.addi %get3A_218, %add3A_219 : vector<16xi32>
    %swap3A_221 = arith.index_cast %mul3A_215 : i32 to index
    %swap3A_222 = tpu.vector_load %arg6[%swap3A_221] {strides = array<i32>} : memref<80xi32, #tpu.memory_space<vmem>>, vector<16xi32>,
    %swap3A_223 = vector.shape_cast %swap3A_222 : vector<16xi32> to vector<16xi32>
    %swap3A_224 = vector.shape_cast %add3A_220 : vector<16xi32> to vector<16xi32>
    tpu.vector_store %arg6[%swap3A_221], %swap3A_224 {strides = array<i32>} : memref<80xi32, #tpu.memory_space<vmem>>, vector<16xi32>,
    %scan3A_225 = arith.constant 5 : i32
    %dma_start3A_226 = arith.constant 0 : i32
    %dma_start3A_227 = arith.constant 0 : i32
    %dma_start3A_228 = tpu.memref_slice %arg4[%dma_start3A_226, %dma_start3A_227] : memref<20000x64xf32, #tpu.memory_space<hbm>> -> memref<20000x64xf32, #tpu.memory_space<hbm>>
    tpu.enqueue_indirect_dma source(%dma_start3A_228 : memref<20000x64xf32, #tpu.memory_space<hbm>>) target(%arg10 : memref<80x64xf32, #tpu.memory_space<vmem>>) offsets(%arg6 : memref<80xi32, #tpu.memory_space<vmem>>) semaphore(%arg21 : memref<!tpu.dma_semaphore, #tpu.memory_space<semaphore_mem>>)
    %add3A_229 = arith.constant 80 : i32
    %add3A_230 = arith.addi %mul3A_48, %add3A_229 : i32
    %jit3A_231 = arith.constant 6400 : i32
    %eq3A_232 = arith.constant 0 : i32
    %eq3A_233 = arith.cmpi eq, %jit3A_231, %eq3A_232 : i32
    %jit3A_234 = arith.constant 1 : i32
    %select_n3A_235 = arith.select %eq3A_233, %jit3A_234, %jit3A_231 : i32
    %rem3A_236 = arith.remsi %add3A_230, %select_n3A_235 : i32
    %ne3A_237 = arith.constant 0 : i32
    %ne3A_238 = arith.cmpi ne, %rem3A_236, %ne3A_237 : i32
    %lt3A_239 = arith.constant 0 : i32
    %lt3A_240 = arith.cmpi slt, %rem3A_236, %lt3A_239 : i32
    %lt3A_241 = arith.constant 0 : i32
    %lt3A_242 = arith.cmpi slt, %select_n3A_235, %lt3A_241 : i32
    %ne3A_243 = arith.xori %lt3A_240, %lt3A_242 : i1
    %and3A_244 = arith.andi %ne3A_243, %ne3A_238 : i1
    %add3A_245 = arith.addi %rem3A_236, %select_n3A_235 : i32
    %select_n3A_246 = arith.select %and3A_244, %add3A_245, %rem3A_236 : i32
    %mul3A_247 = arith.constant 160000 : i32
    %mul3A_248 = arith.muli %arg0, %mul3A_247 : i32
    %jit3A_249 = arith.constant 6400 : i32
    %div3A_250 = arith.divsi %add3A_230, %jit3A_249 : i32
    %sign3A_251 = arith.constant 0 : i32
    %sign3A_252 = arith.cmpi sgt, %add3A_230, %sign3A_251 : i32
    %sign3A_253 = arith.extui %sign3A_252 : i1 to i32
    %sign3A_254 = arith.constant 0 : i32
    %sign3A_255 = arith.cmpi slt, %add3A_230, %sign3A_254 : i32
    %sign3A_256 = arith.extui %sign3A_255 : i1 to i32
    %sign3A_257 = arith.subi %sign3A_253, %sign3A_256 : i32
    %sign3A_258 = arith.constant 0 : i32
    %sign3A_259 = arith.cmpi sgt, %jit3A_249, %sign3A_258 : i32
    %sign3A_260 = arith.extui %sign3A_259 : i1 to i32
    %sign3A_261 = arith.constant 0 : i32
    %sign3A_262 = arith.cmpi slt, %jit3A_249, %sign3A_261 : i32
    %sign3A_263 = arith.extui %sign3A_262 : i1 to i32
    %sign3A_264 = arith.subi %sign3A_260, %sign3A_263 : i32
    %ne3A_265 = arith.cmpi ne, %sign3A_257, %sign3A_264 : i32
    %rem3A_266 = arith.remsi %add3A_230, %jit3A_249 : i32
    %ne3A_267 = arith.constant 0 : i32
    %ne3A_268 = arith.cmpi ne, %rem3A_266, %ne3A_267 : i32
    %and3A_269 = arith.andi %ne3A_265, %ne3A_268 : i1
    %sub3A_270 = arith.constant 1 : i32
    %sub3A_271 = arith.subi %div3A_250, %sub3A_270 : i32
    %select_n3A_272 = arith.select %and3A_269, %sub3A_271, %div3A_250 : i32
    %mul3A_273 = arith.constant 3200 : i32
    %mul3A_274 = arith.muli %select_n3A_272, %mul3A_273 : i32
    %add3A_275 = arith.addi %mul3A_248, %mul3A_274 : i32
    %jit3A_276 = arith.constant 3200 : i32
    %eq3A_277 = arith.constant 0 : i32
    %eq3A_278 = arith.cmpi eq, %jit3A_276, %eq3A_277 : i32
    %jit3A_279 = arith.constant 1 : i32
    %select_n3A_280 = arith.select %eq3A_278, %jit3A_279, %jit3A_276 : i32
    %rem3A_281 = arith.remsi %select_n3A_246, %select_n3A_280 : i32
    %ne3A_282 = arith.constant 0 : i32
    %ne3A_283 = arith.cmpi ne, %rem3A_281, %ne3A_282 : i32
    %lt3A_284 = arith.constant 0 : i32
    %lt3A_285 = arith.cmpi slt, %rem3A_281, %lt3A_284 : i32
    %lt3A_286 = arith.constant 0 : i32
    %lt3A_287 = arith.cmpi slt, %select_n3A_280, %lt3A_286 : i32
    %ne3A_288 = arith.xori %lt3A_285, %lt3A_287 : i1
    %and3A_289 = arith.andi %ne3A_288, %ne3A_283 : i1
    %add3A_290 = arith.addi %rem3A_281, %select_n3A_280 : i32
    %select_n3A_291 = arith.select %and3A_289, %add3A_290, %rem3A_281 : i32
    %add3A_292 = arith.addi %add3A_275, %select_n3A_291 : i32
    %jit3A_293 = arith.constant 3200 : i32
    %div3A_294 = arith.divsi %select_n3A_246, %jit3A_293 : i32
    %sign3A_295 = arith.constant 0 : i32
    %sign3A_296 = arith.cmpi sgt, %select_n3A_246, %sign3A_295 : i32
    %sign3A_297 = arith.extui %sign3A_296 : i1 to i32
    %sign3A_298 = arith.constant 0 : i32
    %sign3A_299 = arith.cmpi slt, %select_n3A_246, %sign3A_298 : i32
    %sign3A_300 = arith.extui %sign3A_299 : i1 to i32
    %sign3A_301 = arith.subi %sign3A_297, %sign3A_300 : i32
    %sign3A_302 = arith.constant 0 : i32
    %sign3A_303 = arith.cmpi sgt, %jit3A_293, %sign3A_302 : i32
    %sign3A_304 = arith.extui %sign3A_303 : i1 to i32
    %sign3A_305 = arith.constant 0 : i32
    %sign3A_306 = arith.cmpi slt, %jit3A_293, %sign3A_305 : i32
    %sign3A_307 = arith.extui %sign3A_306 : i1 to i32
    %sign3A_308 = arith.subi %sign3A_304, %sign3A_307 : i32
    %ne3A_309 = arith.cmpi ne, %sign3A_301, %sign3A_308 : i32
    %rem3A_310 = arith.remsi %select_n3A_246, %jit3A_293 : i32
    %ne3A_311 = arith.constant 0 : i32
    %ne3A_312 = arith.cmpi ne, %rem3A_310, %ne3A_311 : i32
    %and3A_313 = arith.andi %ne3A_309, %ne3A_312 : i1
    %sub3A_314 = arith.constant 1 : i32
    %sub3A_315 = arith.subi %div3A_294, %sub3A_314 : i32
    %select_n3A_316 = arith.select %and3A_313, %sub3A_315, %div3A_294 : i32
    %dma_start3A_317 = arith.constant 0 : i32
    %dma_start3A_318 = tpu.memref_slice %arg2[%dma_start3A_317, %add3A_230] : memref<2x320000xi32, #tpu.memory_space<hbm>> -> memref<1x80xi32, #tpu.memory_space<hbm>>
    %dma_start3A_319 = tpu.memref_squeeze %dma_start3A_318 : memref<1x80xi32, #tpu.memory_space<hbm>> -> memref<80xi32, #tpu.memory_space<hbm>>
    %dma_start3A_320 = tpu.memref_slice %arg2[%dma_start3A_317, %add3A_230] : memref<2x320000xi32, #tpu.memory_space<hbm>> -> memref<1x80xi32, #tpu.memory_space<hbm>>
    %dma_start3A_321 = tpu.memref_squeeze %dma_start3A_320 : memref<1x80xi32, #tpu.memory_space<hbm>> -> memref<80xi32, #tpu.memory_space<hbm>>
    tpu.enqueue_dma source(%dma_start3A_321 : memref<80xi32, #tpu.memory_space<hbm>>) target(%arg12 : memref<80xi32, #tpu.memory_space<vmem>>) target_semaphore(%arg20 : memref<!tpu.dma_semaphore, #tpu.memory_space<semaphore_mem>>)
    %dma_start3A_322 = arith.constant 1 : i32
    %dma_start3A_323 = tpu.memref_slice %arg2[%dma_start3A_322, %add3A_230] : memref<2x320000xi32, #tpu.memory_space<hbm>> -> memref<1x80xi32, #tpu.memory_space<hbm>>
    %dma_start3A_324 = tpu.memref_squeeze %dma_start3A_323 : memref<1x80xi32, #tpu.memory_space<hbm>> -> memref<80xi32, #tpu.memory_space<hbm>>
    %dma_start3A_325 = tpu.memref_slice %arg2[%dma_start3A_322, %add3A_230] : memref<2x320000xi32, #tpu.memory_space<hbm>> -> memref<1x80xi32, #tpu.memory_space<hbm>>
    %dma_start3A_326 = tpu.memref_squeeze %dma_start3A_325 : memref<1x80xi32, #tpu.memory_space<hbm>> -> memref<80xi32, #tpu.memory_space<hbm>>
    tpu.enqueue_dma source(%dma_start3A_326 : memref<80xi32, #tpu.memory_space<hbm>>) target(%arg13 : memref<80xi32, #tpu.memory_space<vmem>>) target_semaphore(%arg20 : memref<!tpu.dma_semaphore, #tpu.memory_space<semaphore_mem>>)
    %mul3A_327 = arith.constant 64 : i32
    %mul3A_328 = arith.muli %select_n3A_316, %mul3A_327 : i32
    %dma_start3A_329 = tpu.memref_slice %arg3[%add3A_292, %mul3A_328] : memref<320000x128xf32, #tpu.memory_space<hbm>> -> memref<80x64xf32, #tpu.memory_space<hbm>>
    %dma_start3A_330 = tpu.memref_slice %arg3[%add3A_292, %mul3A_328] : memref<320000x128xf32, #tpu.memory_space<hbm>> -> memref<80x64xf32, #tpu.memory_space<hbm>>
    tpu.enqueue_dma source(%dma_start3A_330 : memref<80x64xf32, #tpu.memory_space<hbm>>) target(%arg15 : memref<80x64xf32, #tpu.memory_space<vmem>>) target_semaphore(%arg20 : memref<!tpu.dma_semaphore, #tpu.memory_space<semaphore_mem>>)
    %scan3A_331 = arith.constant 0 : i32
    %scan3A_332 = arith.constant 0 : i32
    %scan3A_333 = arith.constant 125 : i32
    %scan3A_334 = arith.addi %scan3A_332, %scan3A_333 : i32
    %scan3A_335 = arith.constant 1 : i32
    scf.for %scan3A_382 = %scan3A_332 to %scan3A_334 step %scan3A_335  : i32 {
      %mul3A_383 = arith.constant 2 : i32
      %mul3A_384 = arith.muli %mul3A_383, %scan3A_382 : i32
      %dma_wait3A_385 = arith.constant 0 : i32
      %dma_wait3A_386 = arith.constant 0 : i32
      %dma_wait3A_387 = tpu.memref_slice %arg4[%dma_wait3A_385, %dma_wait3A_386] : memref<20000x64xf32, #tpu.memory_space<hbm>> -> memref<80x64xf32, #tpu.memory_space<hbm>>
      %dma_wait3A_388 = arith.constant 0 : i32
      %dma_wait3A_389 = arith.constant 0 : i32
      %dma_wait3A_390 = tpu.memref_slice %arg4[%dma_wait3A_388, %dma_wait3A_389] : memref<20000x64xf32, #tpu.memory_space<hbm>> -> memref<80x64xf32, #tpu.memory_space<hbm>>
      tpu.wait_dma2 semaphore(%arg21 : memref<!tpu.dma_semaphore, #tpu.memory_space<semaphore_mem>>) src(%dma_wait3A_390 : memref<80x64xf32, #tpu.memory_space<hbm>>) dst(%arg10 : memref<80x64xf32, #tpu.memory_space<vmem>>)
      %add3A_391 = arith.constant 1 : i32
      %add3A_392 = arith.addi %mul3A_384, %add3A_391 : i32
      %lt3A_393 = arith.constant 250 : i32
      %lt3A_394 = arith.cmpi slt, %add3A_392, %lt3A_393 : i32
      %convert_element_type3A = arith.extui %lt3A_394 : i1 to i32
      %cond3A = arith.constant 0 : i32
      %cond3A_395 = arith.cmpi ne, %convert_element_type3A, %cond3A : i32
      scf.if %cond3A_395 {
        %dma_wait3A_558 = arith.constant 0 : i32
        %dma_wait3A_559 = arith.constant 0 : i32
        %dma_wait3A_560 = tpu.memref_slice %arg2[%dma_wait3A_558, %dma_wait3A_559] : memref<2x320000xi32, #tpu.memory_space<hbm>> -> memref<1x80xi32, #tpu.memory_space<hbm>>
        %dma_wait3A_561 = tpu.memref_squeeze %dma_wait3A_560 : memref<1x80xi32, #tpu.memory_space<hbm>> -> memref<80xi32, #tpu.memory_space<hbm>>
        %dma_wait3A_562 = arith.constant 0 : i32
        %dma_wait3A_563 = tpu.memref_slice %arg2[%dma_wait3A_558, %dma_wait3A_562] : memref<2x320000xi32, #tpu.memory_space<hbm>> -> memref<1x80xi32, #tpu.memory_space<hbm>>
        %dma_wait3A_564 = tpu.memref_squeeze %dma_wait3A_563 : memref<1x80xi32, #tpu.memory_space<hbm>> -> memref<80xi32, #tpu.memory_space<hbm>>
        tpu.wait_dma2 semaphore(%arg20 : memref<!tpu.dma_semaphore, #tpu.memory_space<semaphore_mem>>) src(%dma_wait3A_564 : memref<80xi32, #tpu.memory_space<hbm>>) dst(%arg12 : memref<80xi32, #tpu.memory_space<vmem>>)
        %dma_wait3A_565 = arith.constant 1 : i32
        %dma_wait3A_566 = arith.constant 0 : i32
        %dma_wait3A_567 = tpu.memref_slice %arg2[%dma_wait3A_565, %dma_wait3A_566] : memref<2x320000xi32, #tpu.memory_space<hbm>> -> memref<1x80xi32, #tpu.memory_space<hbm>>
        %dma_wait3A_568 = tpu.memref_squeeze %dma_wait3A_567 : memref<1x80xi32, #tpu.memory_space<hbm>> -> memref<80xi32, #tpu.memory_space<hbm>>
        %dma_wait3A_569 = arith.constant 0 : i32
        %dma_wait3A_570 = tpu.memref_slice %arg2[%dma_wait3A_565, %dma_wait3A_569] : memref<2x320000xi32, #tpu.memory_space<hbm>> -> memref<1x80xi32, #tpu.memory_space<hbm>>
        %dma_wait3A_571 = tpu.memref_squeeze %dma_wait3A_570 : memref<1x80xi32, #tpu.memory_space<hbm>> -> memref<80xi32, #tpu.memory_space<hbm>>
        tpu.wait_dma2 semaphore(%arg20 : memref<!tpu.dma_semaphore, #tpu.memory_space<semaphore_mem>>) src(%dma_wait3A_571 : memref<80xi32, #tpu.memory_space<hbm>>) dst(%arg13 : memref<80xi32, #tpu.memory_space<vmem>>)
        %dma_wait3A_572 = arith.constant 0 : i32
        %dma_wait3A_573 = arith.constant 0 : i32
        %dma_wait3A_574 = tpu.memref_slice %arg3[%dma_wait3A_572, %dma_wait3A_573] : memref<320000x128xf32, #tpu.memory_space<hbm>> -> memref<80x64xf32, #tpu.memory_space<hbm>>
        %dma_wait3A_575 = arith.constant 0 : i32
        %dma_wait3A_576 = arith.constant 0 : i32
        %dma_wait3A_577 = tpu.memref_slice %arg3[%dma_wait3A_575, %dma_wait3A_576] : memref<320000x128xf32, #tpu.memory_space<hbm>> -> memref<80x64xf32, #tpu.memory_space<hbm>>
        tpu.wait_dma2 semaphore(%arg20 : memref<!tpu.dma_semaphore, #tpu.memory_space<semaphore_mem>>) src(%dma_wait3A_577 : memref<80x64xf32, #tpu.memory_space<hbm>>) dst(%arg15 : memref<80x64xf32, #tpu.memory_space<vmem>>)
        %scan3A_578 = arith.constant 0 : i32
        %scan3A_579 = arith.constant 0 : i32
        %mul3A_580 = arith.constant 16 : i32
        %mul3A_581 = arith.muli %scan3A_579, %mul3A_580 : i32
        %get3A_582 = arith.index_cast %mul3A_581 : i32 to index
        %get3A_583 = tpu.vector_load %arg12[%get3A_582] {strides = array<i32>} : memref<80xi32, #tpu.memory_space<vmem>>, vector<16xi32>,
        %get3A_584 = vector.shape_cast %get3A_583 : vector<16xi32> to vector<16xi32>
        %add3A_585 = vector.broadcast %mul3A_50 : i32 to vector<16xi32>
        %add3A_586 = arith.addi %get3A_584, %add3A_585 : vector<16xi32>
        %swap3A_587 = arith.index_cast %mul3A_581 : i32 to index
        %swap3A_588 = tpu.vector_load %arg12[%swap3A_587] {strides = array<i32>} : memref<80xi32, #tpu.memory_space<vmem>>, vector<16xi32>,
        %swap3A_589 = vector.shape_cast %swap3A_588 : vector<16xi32> to vector<16xi32>
        %swap3A_590 = vector.shape_cast %add3A_586 : vector<16xi32> to vector<16xi32>
        tpu.vector_store %arg12[%swap3A_587], %swap3A_590 {strides = array<i32>} : memref<80xi32, #tpu.memory_space<vmem>>, vector<16xi32>,
        %scan3A_591 = arith.constant 1 : i32
        %mul3A_592 = arith.constant 16 : i32
        %mul3A_593 = arith.muli %scan3A_591, %mul3A_592 : i32
        %get3A_594 = arith.index_cast %mul3A_593 : i32 to index
        %get3A_595 = tpu.vector_load %arg12[%get3A_594] {strides = array<i32>} : memref<80xi32, #tpu.memory_space<vmem>>, vector<16xi32>,
        %get3A_596 = vector.shape_cast %get3A_595 : vector<16xi32> to vector<16xi32>
        %add3A_597 = vector.broadcast %mul3A_50 : i32 to vector<16xi32>
        %add3A_598 = arith.addi %get3A_596, %add3A_597 : vector<16xi32>
        %swap3A_599 = arith.index_cast %mul3A_593 : i32 to index
        %swap3A_600 = tpu.vector_load %arg12[%swap3A_599] {strides = array<i32>} : memref<80xi32, #tpu.memory_space<vmem>>, vector<16xi32>,
        %swap3A_601 = vector.shape_cast %swap3A_600 : vector<16xi32> to vector<16xi32>
        %swap3A_602 = vector.shape_cast %add3A_598 : vector<16xi32> to vector<16xi32>
        tpu.vector_store %arg12[%swap3A_599], %swap3A_602 {strides = array<i32>} : memref<80xi32, #tpu.memory_space<vmem>>, vector<16xi32>,
        %scan3A_603 = arith.constant 2 : i32
        %mul3A_604 = arith.constant 16 : i32
        %mul3A_605 = arith.muli %scan3A_603, %mul3A_604 : i32
        %get3A_606 = arith.index_cast %mul3A_605 : i32 to index
        %get3A_607 = tpu.vector_load %arg12[%get3A_606] {strides = array<i32>} : memref<80xi32, #tpu.memory_space<vmem>>, vector<16xi32>,
        %get3A_608 = vector.shape_cast %get3A_607 : vector<16xi32> to vector<16xi32>
        %add3A_609 = vector.broadcast %mul3A_50 : i32 to vector<16xi32>
        %add3A_610 = arith.addi %get3A_608, %add3A_609 : vector<16xi32>
        %swap3A_611 = arith.index_cast %mul3A_605 : i32 to index
        %swap3A_612 = tpu.vector_load %arg12[%swap3A_611] {strides = array<i32>} : memref<80xi32, #tpu.memory_space<vmem>>, vector<16xi32>,
        %swap3A_613 = vector.shape_cast %swap3A_612 : vector<16xi32> to vector<16xi32>
        %swap3A_614 = vector.shape_cast %add3A_610 : vector<16xi32> to vector<16xi32>
        tpu.vector_store %arg12[%swap3A_611], %swap3A_614 {strides = array<i32>} : memref<80xi32, #tpu.memory_space<vmem>>, vector<16xi32>,
        %scan3A_615 = arith.constant 3 : i32
        %mul3A_616 = arith.constant 16 : i32
        %mul3A_617 = arith.muli %scan3A_615, %mul3A_616 : i32
        %get3A_618 = arith.index_cast %mul3A_617 : i32 to index
        %get3A_619 = tpu.vector_load %arg12[%get3A_618] {strides = array<i32>} : memref<80xi32, #tpu.memory_space<vmem>>, vector<16xi32>,
        %get3A_620 = vector.shape_cast %get3A_619 : vector<16xi32> to vector<16xi32>
        %add3A_621 = vector.broadcast %mul3A_50 : i32 to vector<16xi32>
        %add3A_622 = arith.addi %get3A_620, %add3A_621 : vector<16xi32>
        %swap3A_623 = arith.index_cast %mul3A_617 : i32 to index
        %swap3A_624 = tpu.vector_load %arg12[%swap3A_623] {strides = array<i32>} : memref<80xi32, #tpu.memory_space<vmem>>, vector<16xi32>,
        %swap3A_625 = vector.shape_cast %swap3A_624 : vector<16xi32> to vector<16xi32>
        %swap3A_626 = vector.shape_cast %add3A_622 : vector<16xi32> to vector<16xi32>
        tpu.vector_store %arg12[%swap3A_623], %swap3A_626 {strides = array<i32>} : memref<80xi32, #tpu.memory_space<vmem>>, vector<16xi32>,
        %scan3A_627 = arith.constant 4 : i32
        %mul3A_628 = arith.constant 16 : i32
        %mul3A_629 = arith.muli %scan3A_627, %mul3A_628 : i32
        %get3A_630 = arith.index_cast %mul3A_629 : i32 to index
        %get3A_631 = tpu.vector_load %arg12[%get3A_630] {strides = array<i32>} : memref<80xi32, #tpu.memory_space<vmem>>, vector<16xi32>,
        %get3A_632 = vector.shape_cast %get3A_631 : vector<16xi32> to vector<16xi32>
        %add3A_633 = vector.broadcast %mul3A_50 : i32 to vector<16xi32>
        %add3A_634 = arith.addi %get3A_632, %add3A_633 : vector<16xi32>
        %swap3A_635 = arith.index_cast %mul3A_629 : i32 to index
        %swap3A_636 = tpu.vector_load %arg12[%swap3A_635] {strides = array<i32>} : memref<80xi32, #tpu.memory_space<vmem>>, vector<16xi32>,
        %swap3A_637 = vector.shape_cast %swap3A_636 : vector<16xi32> to vector<16xi32>
        %swap3A_638 = vector.shape_cast %add3A_634 : vector<16xi32> to vector<16xi32>
        tpu.vector_store %arg12[%swap3A_635], %swap3A_638 {strides = array<i32>} : memref<80xi32, #tpu.memory_space<vmem>>, vector<16xi32>,
        %scan3A_639 = arith.constant 5 : i32
        %dma_start3A_640 = arith.constant 0 : i32
        %dma_start3A_641 = arith.constant 0 : i32
        %dma_start3A_642 = tpu.memref_slice %arg4[%dma_start3A_640, %dma_start3A_641] : memref<20000x64xf32, #tpu.memory_space<hbm>> -> memref<20000x64xf32, #tpu.memory_space<hbm>>
        tpu.enqueue_indirect_dma source(%dma_start3A_642 : memref<20000x64xf32, #tpu.memory_space<hbm>>) target(%arg16 : memref<80x64xf32, #tpu.memory_space<vmem>>) offsets(%arg12 : memref<80xi32, #tpu.memory_space<vmem>>) semaphore(%arg22 : memref<!tpu.dma_semaphore, #tpu.memory_space<semaphore_mem>>)
      } else {
      }
      %ge3A = arith.constant 2 : i32
      %ge3A_396 = arith.cmpi sge, %mul3A_384, %ge3A : i32
      %convert_element_type3A_397 = arith.extui %ge3A_396 : i1 to i32
      %cond3A_398 = arith.constant 0 : i32
      %cond3A_399 = arith.cmpi ne, %convert_element_type3A_397, %cond3A_398 : i32
      scf.if %cond3A_399 {
        %dma_wait3A_558 = arith.constant 0 : i32
        %dma_wait3A_559 = arith.constant 0 : i32
        %dma_wait3A_560 = tpu.memref_slice %arg18[%dma_wait3A_558, %dma_wait3A_559] : memref<10240x80xf32, #tpu.memory_space<vmem_shared>> -> memref<80x80xf32, #tpu.memory_space<vmem_shared>>
        %dma_wait3A_561 = arith.constant 0 : i32
        %dma_wait3A_562 = arith.constant 0 : i32
        %dma_wait3A_563 = tpu.memref_slice %arg18[%dma_wait3A_561, %dma_wait3A_562] : memref<10240x80xf32, #tpu.memory_space<vmem_shared>> -> memref<80x80xf32, #tpu.memory_space<vmem_shared>>
        tpu.wait_dma2 semaphore(%arg23 : memref<!tpu.dma_semaphore, #tpu.memory_space<semaphore_mem>>) src(%arg11 : memref<80x80xf32, #tpu.memory_space<vmem>>) dst(%dma_wait3A_563 : memref<80x80xf32, #tpu.memory_space<vmem_shared>>)
      } else {
      }
      %scan3A_400 = arith.constant 0 : i32
      %scan3A_401 = arith.constant 0 : i32
      %scan3A_402 = arith.constant 80 : i32
      %scan3A_403 = arith.addi %scan3A_401, %scan3A_402 : i32
      %scan3A_404 = arith.constant 4 : i32
      scf.for %scan3A_558 = %scan3A_401 to %scan3A_403 step %scan3A_404  : i32 {
        %get3A_559 = arith.index_cast %scan3A_558 : i32 to index
        %get3A_560 = arith.constant 0 : index
        %get3A_561 = tpu.vector_load %arg10[%get3A_559, %get3A_560] {strides = array<i32>} : memref<80x64xf32, #tpu.memory_space<vmem>>, vector<1x16xf32>,
        %get3A_562 = vector.shape_cast %get3A_561 : vector<1x16xf32> to vector<16xf32>
        %get3A_563 = arith.index_cast %scan3A_558 : i32 to index
        %get3A_564 = arith.constant 0 : index
        %get3A_565 = tpu.vector_load %arg9[%get3A_563, %get3A_564] {strides = array<i32>} : memref<80x64xf32, #tpu.memory_space<vmem>>, vector<1x16xf32>,
        %get3A_566 = vector.shape_cast %get3A_565 : vector<1x16xf32> to vector<16xf32>
        %add3A_567 = arith.addf %get3A_562, %get3A_566 : vector<16xf32>
        %max3A = arith.constant 0.000000e+00 : f32
        %max3A_568 = vector.broadcast %max3A : f32 to vector<16xf32>
        %max3A_569 = arith.maximumf %add3A_567, %max3A_568 : vector<16xf32>
        %swap3A_570 = arith.index_cast %scan3A_558 : i32 to index
        %swap3A_571 = arith.constant 0 : index
        %swap3A_572 = tpu.vector_load %arg11[%swap3A_570, %swap3A_571] {strides = array<i32>} : memref<80x80xf32, #tpu.memory_space<vmem>>, vector<1x16xf32>,
        %swap3A_573 = vector.shape_cast %swap3A_572 : vector<1x16xf32> to vector<16xf32>
        %swap3A_574 = vector.shape_cast %max3A_569 : vector<16xf32> to vector<1x16xf32>
        tpu.vector_store %arg11[%swap3A_570, %swap3A_571], %swap3A_574 {strides = array<i32>} : memref<80x80xf32, #tpu.memory_space<vmem>>, vector<1x16xf32>,
        %get3A_575 = arith.index_cast %scan3A_558 : i32 to index
        %get3A_576 = arith.constant 16 : index
        %get3A_577 = tpu.vector_load %arg10[%get3A_575, %get3A_576] {strides = array<i32>} : memref<80x64xf32, #tpu.memory_space<vmem>>, vector<1x16xf32>,
        %get3A_578 = vector.shape_cast %get3A_577 : vector<1x16xf32> to vector<16xf32>
        %get3A_579 = arith.index_cast %scan3A_558 : i32 to index
        %get3A_580 = arith.constant 16 : index
        %get3A_581 = tpu.vector_load %arg9[%get3A_579, %get3A_580] {strides = array<i32>} : memref<80x64xf32, #tpu.memory_space<vmem>>, vector<1x16xf32>,
        %get3A_582 = vector.shape_cast %get3A_581 : vector<1x16xf32> to vector<16xf32>
        %add3A_583 = arith.addf %get3A_578, %get3A_582 : vector<16xf32>
        %max3A_584 = arith.constant 0.000000e+00 : f32
        %max3A_585 = vector.broadcast %max3A_584 : f32 to vector<16xf32>
        %max3A_586 = arith.maximumf %add3A_583, %max3A_585 : vector<16xf32>
        %swap3A_587 = arith.index_cast %scan3A_558 : i32 to index
        %swap3A_588 = arith.constant 16 : index
        %swap3A_589 = tpu.vector_load %arg11[%swap3A_587, %swap3A_588] {strides = array<i32>} : memref<80x80xf32, #tpu.memory_space<vmem>>, vector<1x16xf32>,
        %swap3A_590 = vector.shape_cast %swap3A_589 : vector<1x16xf32> to vector<16xf32>
        %swap3A_591 = vector.shape_cast %max3A_586 : vector<16xf32> to vector<1x16xf32>
        tpu.vector_store %arg11[%swap3A_587, %swap3A_588], %swap3A_591 {strides = array<i32>} : memref<80x80xf32, #tpu.memory_space<vmem>>, vector<1x16xf32>,
        %get3A_592 = arith.index_cast %scan3A_558 : i32 to index
        %get3A_593 = arith.constant 32 : index
        %get3A_594 = tpu.vector_load %arg10[%get3A_592, %get3A_593] {strides = array<i32>} : memref<80x64xf32, #tpu.memory_space<vmem>>, vector<1x16xf32>,
        %get3A_595 = vector.shape_cast %get3A_594 : vector<1x16xf32> to vector<16xf32>
        %get3A_596 = arith.index_cast %scan3A_558 : i32 to index
        %get3A_597 = arith.constant 32 : index
        %get3A_598 = tpu.vector_load %arg9[%get3A_596, %get3A_597] {strides = array<i32>} : memref<80x64xf32, #tpu.memory_space<vmem>>, vector<1x16xf32>,
        %get3A_599 = vector.shape_cast %get3A_598 : vector<1x16xf32> to vector<16xf32>
        %add3A_600 = arith.addf %get3A_595, %get3A_599 : vector<16xf32>
        %max3A_601 = arith.constant 0.000000e+00 : f32
        %max3A_602 = vector.broadcast %max3A_601 : f32 to vector<16xf32>
        %max3A_603 = arith.maximumf %add3A_600, %max3A_602 : vector<16xf32>
        %swap3A_604 = arith.index_cast %scan3A_558 : i32 to index
        %swap3A_605 = arith.constant 32 : index
        %swap3A_606 = tpu.vector_load %arg11[%swap3A_604, %swap3A_605] {strides = array<i32>} : memref<80x80xf32, #tpu.memory_space<vmem>>, vector<1x16xf32>,
        %swap3A_607 = vector.shape_cast %swap3A_606 : vector<1x16xf32> to vector<16xf32>
        %swap3A_608 = vector.shape_cast %max3A_603 : vector<16xf32> to vector<1x16xf32>
        tpu.vector_store %arg11[%swap3A_604, %swap3A_605], %swap3A_608 {strides = array<i32>} : memref<80x80xf32, #tpu.memory_space<vmem>>, vector<1x16xf32>,
        %get3A_609 = arith.index_cast %scan3A_558 : i32 to index
        %get3A_610 = arith.constant 48 : index
        %get3A_611 = tpu.vector_load %arg10[%get3A_609, %get3A_610] {strides = array<i32>} : memref<80x64xf32, #tpu.memory_space<vmem>>, vector<1x16xf32>,
        %get3A_612 = vector.shape_cast %get3A_611 : vector<1x16xf32> to vector<16xf32>
        %get3A_613 = arith.index_cast %scan3A_558 : i32 to index
        %get3A_614 = arith.constant 48 : index
        %get3A_615 = tpu.vector_load %arg9[%get3A_613, %get3A_614] {strides = array<i32>} : memref<80x64xf32, #tpu.memory_space<vmem>>, vector<1x16xf32>,
        %get3A_616 = vector.shape_cast %get3A_615 : vector<1x16xf32> to vector<16xf32>
        %add3A_617 = arith.addf %get3A_612, %get3A_616 : vector<16xf32>
        %max3A_618 = arith.constant 0.000000e+00 : f32
        %max3A_619 = vector.broadcast %max3A_618 : f32 to vector<16xf32>
        %max3A_620 = arith.maximumf %add3A_617, %max3A_619 : vector<16xf32>
        %swap3A_621 = arith.index_cast %scan3A_558 : i32 to index
        %swap3A_622 = arith.constant 48 : index
        %swap3A_623 = tpu.vector_load %arg11[%swap3A_621, %swap3A_622] {strides = array<i32>} : memref<80x80xf32, #tpu.memory_space<vmem>>, vector<1x16xf32>,
        %swap3A_624 = vector.shape_cast %swap3A_623 : vector<1x16xf32> to vector<16xf32>
        %swap3A_625 = vector.shape_cast %max3A_620 : vector<16xf32> to vector<1x16xf32>
        tpu.vector_store %arg11[%swap3A_621, %swap3A_622], %swap3A_625 {strides = array<i32>} : memref<80x80xf32, #tpu.memory_space<vmem>>, vector<1x16xf32>,
        %scan3A_626 = arith.constant 1 : i32
        %scan3A_627 = arith.addi %scan3A_558, %scan3A_626 : i32
        %get3A_628 = arith.index_cast %scan3A_627 : i32 to index
        %get3A_629 = arith.constant 0 : index
        %get3A_630 = tpu.vector_load %arg10[%get3A_628, %get3A_629] {strides = array<i32>} : memref<80x64xf32, #tpu.memory_space<vmem>>, vector<1x16xf32>,
        %get3A_631 = vector.shape_cast %get3A_630 : vector<1x16xf32> to vector<16xf32>
        %get3A_632 = arith.index_cast %scan3A_627 : i32 to index
        %get3A_633 = arith.constant 0 : index
        %get3A_634 = tpu.vector_load %arg9[%get3A_632, %get3A_633] {strides = array<i32>} : memref<80x64xf32, #tpu.memory_space<vmem>>, vector<1x16xf32>,
        %get3A_635 = vector.shape_cast %get3A_634 : vector<1x16xf32> to vector<16xf32>
        %add3A_636 = arith.addf %get3A_631, %get3A_635 : vector<16xf32>
        %max3A_637 = arith.constant 0.000000e+00 : f32
        %max3A_638 = vector.broadcast %max3A_637 : f32 to vector<16xf32>
        %max3A_639 = arith.maximumf %add3A_636, %max3A_638 : vector<16xf32>
        %swap3A_640 = arith.index_cast %scan3A_627 : i32 to index
        %swap3A_641 = arith.constant 0 : index
        %swap3A_642 = tpu.vector_load %arg11[%swap3A_640, %swap3A_641] {strides = array<i32>} : memref<80x80xf32, #tpu.memory_space<vmem>>, vector<1x16xf32>,
        %swap3A_643 = vector.shape_cast %swap3A_642 : vector<1x16xf32> to vector<16xf32>
        %swap3A_644 = vector.shape_cast %max3A_639 : vector<16xf32> to vector<1x16xf32>
        tpu.vector_store %arg11[%swap3A_640, %swap3A_641], %swap3A_644 {strides = array<i32>} : memref<80x80xf32, #tpu.memory_space<vmem>>, vector<1x16xf32>,
        %get3A_645 = arith.index_cast %scan3A_627 : i32 to index
        %get3A_646 = arith.constant 16 : index
        %get3A_647 = tpu.vector_load %arg10[%get3A_645, %get3A_646] {strides = array<i32>} : memref<80x64xf32, #tpu.memory_space<vmem>>, vector<1x16xf32>,
        %get3A_648 = vector.shape_cast %get3A_647 : vector<1x16xf32> to vector<16xf32>
        %get3A_649 = arith.index_cast %scan3A_627 : i32 to index
        %get3A_650 = arith.constant 16 : index
        %get3A_651 = tpu.vector_load %arg9[%get3A_649, %get3A_650] {strides = array<i32>} : memref<80x64xf32, #tpu.memory_space<vmem>>, vector<1x16xf32>,
        %get3A_652 = vector.shape_cast %get3A_651 : vector<1x16xf32> to vector<16xf32>
        %add3A_653 = arith.addf %get3A_648, %get3A_652 : vector<16xf32>
        %max3A_654 = arith.constant 0.000000e+00 : f32
        %max3A_655 = vector.broadcast %max3A_654 : f32 to vector<16xf32>
        %max3A_656 = arith.maximumf %add3A_653, %max3A_655 : vector<16xf32>
        %swap3A_657 = arith.index_cast %scan3A_627 : i32 to index
        %swap3A_658 = arith.constant 16 : index
        %swap3A_659 = tpu.vector_load %arg11[%swap3A_657, %swap3A_658] {strides = array<i32>} : memref<80x80xf32, #tpu.memory_space<vmem>>, vector<1x16xf32>,
        %swap3A_660 = vector.shape_cast %swap3A_659 : vector<1x16xf32> to vector<16xf32>
        %swap3A_661 = vector.shape_cast %max3A_656 : vector<16xf32> to vector<1x16xf32>
        tpu.vector_store %arg11[%swap3A_657, %swap3A_658], %swap3A_661 {strides = array<i32>} : memref<80x80xf32, #tpu.memory_space<vmem>>, vector<1x16xf32>,
        %get3A_662 = arith.index_cast %scan3A_627 : i32 to index
        %get3A_663 = arith.constant 32 : index
        %get3A_664 = tpu.vector_load %arg10[%get3A_662, %get3A_663] {strides = array<i32>} : memref<80x64xf32, #tpu.memory_space<vmem>>, vector<1x16xf32>,
        %get3A_665 = vector.shape_cast %get3A_664 : vector<1x16xf32> to vector<16xf32>
        %get3A_666 = arith.index_cast %scan3A_627 : i32 to index
        %get3A_667 = arith.constant 32 : index
        %get3A_668 = tpu.vector_load %arg9[%get3A_666, %get3A_667] {strides = array<i32>} : memref<80x64xf32, #tpu.memory_space<vmem>>, vector<1x16xf32>,
        %get3A_669 = vector.shape_cast %get3A_668 : vector<1x16xf32> to vector<16xf32>
        %add3A_670 = arith.addf %get3A_665, %get3A_669 : vector<16xf32>
        %max3A_671 = arith.constant 0.000000e+00 : f32
        %max3A_672 = vector.broadcast %max3A_671 : f32 to vector<16xf32>
        %max3A_673 = arith.maximumf %add3A_670, %max3A_672 : vector<16xf32>
        %swap3A_674 = arith.index_cast %scan3A_627 : i32 to index
        %swap3A_675 = arith.constant 32 : index
        %swap3A_676 = tpu.vector_load %arg11[%swap3A_674, %swap3A_675] {strides = array<i32>} : memref<80x80xf32, #tpu.memory_space<vmem>>, vector<1x16xf32>,
        %swap3A_677 = vector.shape_cast %swap3A_676 : vector<1x16xf32> to vector<16xf32>
        %swap3A_678 = vector.shape_cast %max3A_673 : vector<16xf32> to vector<1x16xf32>
        tpu.vector_store %arg11[%swap3A_674, %swap3A_675], %swap3A_678 {strides = array<i32>} : memref<80x80xf32, #tpu.memory_space<vmem>>, vector<1x16xf32>,
        %get3A_679 = arith.index_cast %scan3A_627 : i32 to index
        %get3A_680 = arith.constant 48 : index
        %get3A_681 = tpu.vector_load %arg10[%get3A_679, %get3A_680] {strides = array<i32>} : memref<80x64xf32, #tpu.memory_space<vmem>>, vector<1x16xf32>,
        %get3A_682 = vector.shape_cast %get3A_681 : vector<1x16xf32> to vector<16xf32>
        %get3A_683 = arith.index_cast %scan3A_627 : i32 to index
        %get3A_684 = arith.constant 48 : index
        %get3A_685 = tpu.vector_load %arg9[%get3A_683, %get3A_684] {strides = array<i32>} : memref<80x64xf32, #tpu.memory_space<vmem>>, vector<1x16xf32>,
        %get3A_686 = vector.shape_cast %get3A_685 : vector<1x16xf32> to vector<16xf32>
        %add3A_687 = arith.addf %get3A_682, %get3A_686 : vector<16xf32>
        %max3A_688 = arith.constant 0.000000e+00 : f32
        %max3A_689 = vector.broadcast %max3A_688 : f32 to vector<16xf32>
        %max3A_690 = arith.maximumf %add3A_687, %max3A_689 : vector<16xf32>
        %swap3A_691 = arith.index_cast %scan3A_627 : i32 to index
        %swap3A_692 = arith.constant 48 : index
        %swap3A_693 = tpu.vector_load %arg11[%swap3A_691, %swap3A_692] {strides = array<i32>} : memref<80x80xf32, #tpu.memory_space<vmem>>, vector<1x16xf32>,
        %swap3A_694 = vector.shape_cast %swap3A_693 : vector<1x16xf32> to vector<16xf32>
        %swap3A_695 = vector.shape_cast %max3A_690 : vector<16xf32> to vector<1x16xf32>
        tpu.vector_store %arg11[%swap3A_691, %swap3A_692], %swap3A_695 {strides = array<i32>} : memref<80x80xf32, #tpu.memory_space<vmem>>, vector<1x16xf32>,
        %scan3A_696 = arith.constant 2 : i32
        %scan3A_697 = arith.addi %scan3A_558, %scan3A_696 : i32
        %get3A_698 = arith.index_cast %scan3A_697 : i32 to index
        %get3A_699 = arith.constant 0 : index
        %get3A_700 = tpu.vector_load %arg10[%get3A_698, %get3A_699] {strides = array<i32>} : memref<80x64xf32, #tpu.memory_space<vmem>>, vector<1x16xf32>,
        %get3A_701 = vector.shape_cast %get3A_700 : vector<1x16xf32> to vector<16xf32>
        %get3A_702 = arith.index_cast %scan3A_697 : i32 to index
        %get3A_703 = arith.constant 0 : index
        %get3A_704 = tpu.vector_load %arg9[%get3A_702, %get3A_703] {strides = array<i32>} : memref<80x64xf32, #tpu.memory_space<vmem>>, vector<1x16xf32>,
        %get3A_705 = vector.shape_cast %get3A_704 : vector<1x16xf32> to vector<16xf32>
        %add3A_706 = arith.addf %get3A_701, %get3A_705 : vector<16xf32>
        %max3A_707 = arith.constant 0.000000e+00 : f32
        %max3A_708 = vector.broadcast %max3A_707 : f32 to vector<16xf32>
        %max3A_709 = arith.maximumf %add3A_706, %max3A_708 : vector<16xf32>
        %swap3A_710 = arith.index_cast %scan3A_697 : i32 to index
        %swap3A_711 = arith.constant 0 : index
        %swap3A_712 = tpu.vector_load %arg11[%swap3A_710, %swap3A_711] {strides = array<i32>} : memref<80x80xf32, #tpu.memory_space<vmem>>, vector<1x16xf32>,
        %swap3A_713 = vector.shape_cast %swap3A_712 : vector<1x16xf32> to vector<16xf32>
        %swap3A_714 = vector.shape_cast %max3A_709 : vector<16xf32> to vector<1x16xf32>
        tpu.vector_store %arg11[%swap3A_710, %swap3A_711], %swap3A_714 {strides = array<i32>} : memref<80x80xf32, #tpu.memory_space<vmem>>, vector<1x16xf32>,
        %get3A_715 = arith.index_cast %scan3A_697 : i32 to index
        %get3A_716 = arith.constant 16 : index
        %get3A_717 = tpu.vector_load %arg10[%get3A_715, %get3A_716] {strides = array<i32>} : memref<80x64xf32, #tpu.memory_space<vmem>>, vector<1x16xf32>,
        %get3A_718 = vector.shape_cast %get3A_717 : vector<1x16xf32> to vector<16xf32>
        %get3A_719 = arith.index_cast %scan3A_697 : i32 to index
        %get3A_720 = arith.constant 16 : index
        %get3A_721 = tpu.vector_load %arg9[%get3A_719, %get3A_720] {strides = array<i32>} : memref<80x64xf32, #tpu.memory_space<vmem>>, vector<1x16xf32>,
        %get3A_722 = vector.shape_cast %get3A_721 : vector<1x16xf32> to vector<16xf32>
        %add3A_723 = arith.addf %get3A_718, %get3A_722 : vector<16xf32>
        %max3A_724 = arith.constant 0.000000e+00 : f32
        %max3A_725 = vector.broadcast %max3A_724 : f32 to vector<16xf32>
        %max3A_726 = arith.maximumf %add3A_723, %max3A_725 : vector<16xf32>
        %swap3A_727 = arith.index_cast %scan3A_697 : i32 to index
        %swap3A_728 = arith.constant 16 : index
        %swap3A_729 = tpu.vector_load %arg11[%swap3A_727, %swap3A_728] {strides = array<i32>} : memref<80x80xf32, #tpu.memory_space<vmem>>, vector<1x16xf32>,
        %swap3A_730 = vector.shape_cast %swap3A_729 : vector<1x16xf32> to vector<16xf32>
        %swap3A_731 = vector.shape_cast %max3A_726 : vector<16xf32> to vector<1x16xf32>
        tpu.vector_store %arg11[%swap3A_727, %swap3A_728], %swap3A_731 {strides = array<i32>} : memref<80x80xf32, #tpu.memory_space<vmem>>, vector<1x16xf32>,
        %get3A_732 = arith.index_cast %scan3A_697 : i32 to index
        %get3A_733 = arith.constant 32 : index
        %get3A_734 = tpu.vector_load %arg10[%get3A_732, %get3A_733] {strides = array<i32>} : memref<80x64xf32, #tpu.memory_space<vmem>>, vector<1x16xf32>,
        %get3A_735 = vector.shape_cast %get3A_734 : vector<1x16xf32> to vector<16xf32>
        %get3A_736 = arith.index_cast %scan3A_697 : i32 to index
        %get3A_737 = arith.constant 32 : index
        %get3A_738 = tpu.vector_load %arg9[%get3A_736, %get3A_737] {strides = array<i32>} : memref<80x64xf32, #tpu.memory_space<vmem>>, vector<1x16xf32>,
        %get3A_739 = vector.shape_cast %get3A_738 : vector<1x16xf32> to vector<16xf32>
        %add3A_740 = arith.addf %get3A_735, %get3A_739 : vector<16xf32>
        %max3A_741 = arith.constant 0.000000e+00 : f32
        %max3A_742 = vector.broadcast %max3A_741 : f32 to vector<16xf32>
        %max3A_743 = arith.maximumf %add3A_740, %max3A_742 : vector<16xf32>
        %swap3A_744 = arith.index_cast %scan3A_697 : i32 to index
        %swap3A_745 = arith.constant 32 : index
        %swap3A_746 = tpu.vector_load %arg11[%swap3A_744, %swap3A_745] {strides = array<i32>} : memref<80x80xf32, #tpu.memory_space<vmem>>, vector<1x16xf32>,
        %swap3A_747 = vector.shape_cast %swap3A_746 : vector<1x16xf32> to vector<16xf32>
        %swap3A_748 = vector.shape_cast %max3A_743 : vector<16xf32> to vector<1x16xf32>
        tpu.vector_store %arg11[%swap3A_744, %swap3A_745], %swap3A_748 {strides = array<i32>} : memref<80x80xf32, #tpu.memory_space<vmem>>, vector<1x16xf32>,
        %get3A_749 = arith.index_cast %scan3A_697 : i32 to index
        %get3A_750 = arith.constant 48 : index
        %get3A_751 = tpu.vector_load %arg10[%get3A_749, %get3A_750] {strides = array<i32>} : memref<80x64xf32, #tpu.memory_space<vmem>>, vector<1x16xf32>,
        %get3A_752 = vector.shape_cast %get3A_751 : vector<1x16xf32> to vector<16xf32>
        %get3A_753 = arith.index_cast %scan3A_697 : i32 to index
        %get3A_754 = arith.constant 48 : index
        %get3A_755 = tpu.vector_load %arg9[%get3A_753, %get3A_754] {strides = array<i32>} : memref<80x64xf32, #tpu.memory_space<vmem>>, vector<1x16xf32>,
        %get3A_756 = vector.shape_cast %get3A_755 : vector<1x16xf32> to vector<16xf32>
        %add3A_757 = arith.addf %get3A_752, %get3A_756 : vector<16xf32>
        %max3A_758 = arith.constant 0.000000e+00 : f32
        %max3A_759 = vector.broadcast %max3A_758 : f32 to vector<16xf32>
        %max3A_760 = arith.maximumf %add3A_757, %max3A_759 : vector<16xf32>
        %swap3A_761 = arith.index_cast %scan3A_697 : i32 to index
        %swap3A_762 = arith.constant 48 : index
        %swap3A_763 = tpu.vector_load %arg11[%swap3A_761, %swap3A_762] {strides = array<i32>} : memref<80x80xf32, #tpu.memory_space<vmem>>, vector<1x16xf32>,
        %swap3A_764 = vector.shape_cast %swap3A_763 : vector<1x16xf32> to vector<16xf32>
        %swap3A_765 = vector.shape_cast %max3A_760 : vector<16xf32> to vector<1x16xf32>
        tpu.vector_store %arg11[%swap3A_761, %swap3A_762], %swap3A_765 {strides = array<i32>} : memref<80x80xf32, #tpu.memory_space<vmem>>, vector<1x16xf32>,
        %scan3A_766 = arith.constant 3 : i32
        %scan3A_767 = arith.addi %scan3A_558, %scan3A_766 : i32
        %get3A_768 = arith.index_cast %scan3A_767 : i32 to index
        %get3A_769 = arith.constant 0 : index
        %get3A_770 = tpu.vector_load %arg10[%get3A_768, %get3A_769] {strides = array<i32>} : memref<80x64xf32, #tpu.memory_space<vmem>>, vector<1x16xf32>,
        %get3A_771 = vector.shape_cast %get3A_770 : vector<1x16xf32> to vector<16xf32>
        %get3A_772 = arith.index_cast %scan3A_767 : i32 to index
        %get3A_773 = arith.constant 0 : index
        %get3A_774 = tpu.vector_load %arg9[%get3A_772, %get3A_773] {strides = array<i32>} : memref<80x64xf32, #tpu.memory_space<vmem>>, vector<1x16xf32>,
        %get3A_775 = vector.shape_cast %get3A_774 : vector<1x16xf32> to vector<16xf32>
        %add3A_776 = arith.addf %get3A_771, %get3A_775 : vector<16xf32>
        %max3A_777 = arith.constant 0.000000e+00 : f32
        %max3A_778 = vector.broadcast %max3A_777 : f32 to vector<16xf32>
        %max3A_779 = arith.maximumf %add3A_776, %max3A_778 : vector<16xf32>
        %swap3A_780 = arith.index_cast %scan3A_767 : i32 to index
        %swap3A_781 = arith.constant 0 : index
        %swap3A_782 = tpu.vector_load %arg11[%swap3A_780, %swap3A_781] {strides = array<i32>} : memref<80x80xf32, #tpu.memory_space<vmem>>, vector<1x16xf32>,
        %swap3A_783 = vector.shape_cast %swap3A_782 : vector<1x16xf32> to vector<16xf32>
        %swap3A_784 = vector.shape_cast %max3A_779 : vector<16xf32> to vector<1x16xf32>
        tpu.vector_store %arg11[%swap3A_780, %swap3A_781], %swap3A_784 {strides = array<i32>} : memref<80x80xf32, #tpu.memory_space<vmem>>, vector<1x16xf32>,
        %get3A_785 = arith.index_cast %scan3A_767 : i32 to index
        %get3A_786 = arith.constant 16 : index
        %get3A_787 = tpu.vector_load %arg10[%get3A_785, %get3A_786] {strides = array<i32>} : memref<80x64xf32, #tpu.memory_space<vmem>>, vector<1x16xf32>,
        %get3A_788 = vector.shape_cast %get3A_787 : vector<1x16xf32> to vector<16xf32>
        %get3A_789 = arith.index_cast %scan3A_767 : i32 to index
        %get3A_790 = arith.constant 16 : index
        %get3A_791 = tpu.vector_load %arg9[%get3A_789, %get3A_790] {strides = array<i32>} : memref<80x64xf32, #tpu.memory_space<vmem>>, vector<1x16xf32>,
        %get3A_792 = vector.shape_cast %get3A_791 : vector<1x16xf32> to vector<16xf32>
        %add3A_793 = arith.addf %get3A_788, %get3A_792 : vector<16xf32>
        %max3A_794 = arith.constant 0.000000e+00 : f32
        %max3A_795 = vector.broadcast %max3A_794 : f32 to vector<16xf32>
        %max3A_796 = arith.maximumf %add3A_793, %max3A_795 : vector<16xf32>
        %swap3A_797 = arith.index_cast %scan3A_767 : i32 to index
        %swap3A_798 = arith.constant 16 : index
        %swap3A_799 = tpu.vector_load %arg11[%swap3A_797, %swap3A_798] {strides = array<i32>} : memref<80x80xf32, #tpu.memory_space<vmem>>, vector<1x16xf32>,
        %swap3A_800 = vector.shape_cast %swap3A_799 : vector<1x16xf32> to vector<16xf32>
        %swap3A_801 = vector.shape_cast %max3A_796 : vector<16xf32> to vector<1x16xf32>
        tpu.vector_store %arg11[%swap3A_797, %swap3A_798], %swap3A_801 {strides = array<i32>} : memref<80x80xf32, #tpu.memory_space<vmem>>, vector<1x16xf32>,
        %get3A_802 = arith.index_cast %scan3A_767 : i32 to index
        %get3A_803 = arith.constant 32 : index
        %get3A_804 = tpu.vector_load %arg10[%get3A_802, %get3A_803] {strides = array<i32>} : memref<80x64xf32, #tpu.memory_space<vmem>>, vector<1x16xf32>,
        %get3A_805 = vector.shape_cast %get3A_804 : vector<1x16xf32> to vector<16xf32>
        %get3A_806 = arith.index_cast %scan3A_767 : i32 to index
        %get3A_807 = arith.constant 32 : index
        %get3A_808 = tpu.vector_load %arg9[%get3A_806, %get3A_807] {strides = array<i32>} : memref<80x64xf32, #tpu.memory_space<vmem>>, vector<1x16xf32>,
        %get3A_809 = vector.shape_cast %get3A_808 : vector<1x16xf32> to vector<16xf32>
        %add3A_810 = arith.addf %get3A_805, %get3A_809 : vector<16xf32>
        %max3A_811 = arith.constant 0.000000e+00 : f32
        %max3A_812 = vector.broadcast %max3A_811 : f32 to vector<16xf32>
        %max3A_813 = arith.maximumf %add3A_810, %max3A_812 : vector<16xf32>
        %swap3A_814 = arith.index_cast %scan3A_767 : i32 to index
        %swap3A_815 = arith.constant 32 : index
        %swap3A_816 = tpu.vector_load %arg11[%swap3A_814, %swap3A_815] {strides = array<i32>} : memref<80x80xf32, #tpu.memory_space<vmem>>, vector<1x16xf32>,
        %swap3A_817 = vector.shape_cast %swap3A_816 : vector<1x16xf32> to vector<16xf32>
        %swap3A_818 = vector.shape_cast %max3A_813 : vector<16xf32> to vector<1x16xf32>
        tpu.vector_store %arg11[%swap3A_814, %swap3A_815], %swap3A_818 {strides = array<i32>} : memref<80x80xf32, #tpu.memory_space<vmem>>, vector<1x16xf32>,
        %get3A_819 = arith.index_cast %scan3A_767 : i32 to index
        %get3A_820 = arith.constant 48 : index
        %get3A_821 = tpu.vector_load %arg10[%get3A_819, %get3A_820] {strides = array<i32>} : memref<80x64xf32, #tpu.memory_space<vmem>>, vector<1x16xf32>,
        %get3A_822 = vector.shape_cast %get3A_821 : vector<1x16xf32> to vector<16xf32>
        %get3A_823 = arith.index_cast %scan3A_767 : i32 to index
        %get3A_824 = arith.constant 48 : index
        %get3A_825 = tpu.vector_load %arg9[%get3A_823, %get3A_824] {strides = array<i32>} : memref<80x64xf32, #tpu.memory_space<vmem>>, vector<1x16xf32>,
        %get3A_826 = vector.shape_cast %get3A_825 : vector<1x16xf32> to vector<16xf32>
        %add3A_827 = arith.addf %get3A_822, %get3A_826 : vector<16xf32>
        %max3A_828 = arith.constant 0.000000e+00 : f32
        %max3A_829 = vector.broadcast %max3A_828 : f32 to vector<16xf32>
        %max3A_830 = arith.maximumf %add3A_827, %max3A_829 : vector<16xf32>
        %swap3A_831 = arith.index_cast %scan3A_767 : i32 to index
        %swap3A_832 = arith.constant 48 : index
        %swap3A_833 = tpu.vector_load %arg11[%swap3A_831, %swap3A_832] {strides = array<i32>} : memref<80x80xf32, #tpu.memory_space<vmem>>, vector<1x16xf32>,
        %swap3A_834 = vector.shape_cast %swap3A_833 : vector<1x16xf32> to vector<16xf32>
        %swap3A_835 = vector.shape_cast %max3A_830 : vector<16xf32> to vector<1x16xf32>
        tpu.vector_store %arg11[%swap3A_831, %swap3A_832], %swap3A_835 {strides = array<i32>} : memref<80x80xf32, #tpu.memory_space<vmem>>, vector<1x16xf32>,
      }
      %scan3A_405 = arith.constant 80 : i32
      %scan3A_406 = arith.constant 0 : i32
      %scan3A_407 = arith.constant 0 : i32
      %mul3A_408 = arith.constant 16 : i32
      %mul3A_409 = arith.muli %scan3A_407, %mul3A_408 : i32
      %get3A_410 = arith.index_cast %mul3A_409 : i32 to index
      %get3A_411 = tpu.vector_load %arg7[%get3A_410] {strides = array<i32>} : memref<80xi32, #tpu.memory_space<vmem>>, vector<16xi32>,
      %get3A_412 = vector.shape_cast %get3A_411 : vector<16xi32> to vector<16xi32>
      %swap3A_413 = arith.index_cast %mul3A_409 : i32 to index
      %swap3A_414 = tpu.vector_load %arg8[%swap3A_413] {strides = array<i32>} : memref<80xi32, #tpu.memory_space<vmem>>, vector<16xi32>,
      %swap3A_415 = vector.shape_cast %swap3A_414 : vector<16xi32> to vector<16xi32>
      %swap3A_416 = vector.shape_cast %get3A_412 : vector<16xi32> to vector<16xi32>
      tpu.vector_store %arg8[%swap3A_413], %swap3A_416 {strides = array<i32>} : memref<80xi32, #tpu.memory_space<vmem>>, vector<16xi32>,
      %scan3A_417 = arith.constant 1 : i32
      %mul3A_418 = arith.constant 16 : i32
      %mul3A_419 = arith.muli %scan3A_417, %mul3A_418 : i32
      %get3A_420 = arith.index_cast %mul3A_419 : i32 to index
      %get3A_421 = tpu.vector_load %arg7[%get3A_420] {strides = array<i32>} : memref<80xi32, #tpu.memory_space<vmem>>, vector<16xi32>,
      %get3A_422 = vector.shape_cast %get3A_421 : vector<16xi32> to vector<16xi32>
      %swap3A_423 = arith.index_cast %mul3A_419 : i32 to index
      %swap3A_424 = tpu.vector_load %arg8[%swap3A_423] {strides = array<i32>} : memref<80xi32, #tpu.memory_space<vmem>>, vector<16xi32>,
      %swap3A_425 = vector.shape_cast %swap3A_424 : vector<16xi32> to vector<16xi32>
      %swap3A_426 = vector.shape_cast %get3A_422 : vector<16xi32> to vector<16xi32>
      tpu.vector_store %arg8[%swap3A_423], %swap3A_426 {strides = array<i32>} : memref<80xi32, #tpu.memory_space<vmem>>, vector<16xi32>,
      %scan3A_427 = arith.constant 2 : i32
      %mul3A_428 = arith.constant 16 : i32
      %mul3A_429 = arith.muli %scan3A_427, %mul3A_428 : i32
      %get3A_430 = arith.index_cast %mul3A_429 : i32 to index
      %get3A_431 = tpu.vector_load %arg7[%get3A_430] {strides = array<i32>} : memref<80xi32, #tpu.memory_space<vmem>>, vector<16xi32>,
      %get3A_432 = vector.shape_cast %get3A_431 : vector<16xi32> to vector<16xi32>
      %swap3A_433 = arith.index_cast %mul3A_429 : i32 to index
      %swap3A_434 = tpu.vector_load %arg8[%swap3A_433] {strides = array<i32>} : memref<80xi32, #tpu.memory_space<vmem>>, vector<16xi32>,
      %swap3A_435 = vector.shape_cast %swap3A_434 : vector<16xi32> to vector<16xi32>
      %swap3A_436 = vector.shape_cast %get3A_432 : vector<16xi32> to vector<16xi32>
      tpu.vector_store %arg8[%swap3A_433], %swap3A_436 {strides = array<i32>} : memref<80xi32, #tpu.memory_space<vmem>>, vector<16xi32>,
      %scan3A_437 = arith.constant 3 : i32
      %mul3A_438 = arith.constant 16 : i32
      %mul3A_439 = arith.muli %scan3A_437, %mul3A_438 : i32
      %get3A_440 = arith.index_cast %mul3A_439 : i32 to index
      %get3A_441 = tpu.vector_load %arg7[%get3A_440] {strides = array<i32>} : memref<80xi32, #tpu.memory_space<vmem>>, vector<16xi32>,
      %get3A_442 = vector.shape_cast %get3A_441 : vector<16xi32> to vector<16xi32>
      %swap3A_443 = arith.index_cast %mul3A_439 : i32 to index
      %swap3A_444 = tpu.vector_load %arg8[%swap3A_443] {strides = array<i32>} : memref<80xi32, #tpu.memory_space<vmem>>, vector<16xi32>,
      %swap3A_445 = vector.shape_cast %swap3A_444 : vector<16xi32> to vector<16xi32>
      %swap3A_446 = vector.shape_cast %get3A_442 : vector<16xi32> to vector<16xi32>
      tpu.vector_store %arg8[%swap3A_443], %swap3A_446 {strides = array<i32>} : memref<80xi32, #tpu.memory_space<vmem>>, vector<16xi32>,
      %scan3A_447 = arith.constant 4 : i32
      %mul3A_448 = arith.constant 16 : i32
      %mul3A_449 = arith.muli %scan3A_447, %mul3A_448 : i32
      %get3A_450 = arith.index_cast %mul3A_449 : i32 to index
      %get3A_451 = tpu.vector_load %arg7[%get3A_450] {strides = array<i32>} : memref<80xi32, #tpu.memory_space<vmem>>, vector<16xi32>,
      %get3A_452 = vector.shape_cast %get3A_451 : vector<16xi32> to vector<16xi32>
      %swap3A_453 = arith.index_cast %mul3A_449 : i32 to index
      %swap3A_454 = tpu.vector_load %arg8[%swap3A_453] {strides = array<i32>} : memref<80xi32, #tpu.memory_space<vmem>>, vector<16xi32>,
      %swap3A_455 = vector.shape_cast %swap3A_454 : vector<16xi32> to vector<16xi32>
      %swap3A_456 = vector.shape_cast %get3A_452 : vector<16xi32> to vector<16xi32>
      tpu.vector_store %arg8[%swap3A_453], %swap3A_456 {strides = array<i32>} : memref<80xi32, #tpu.memory_space<vmem>>, vector<16xi32>,
      %scan3A_457 = arith.constant 5 : i32
      %dma_start3A_458 = arith.constant 0 : i32
      %dma_start3A_459 = arith.constant 0 : i32
      %dma_start3A_460 = tpu.memref_slice %arg18[%dma_start3A_458, %dma_start3A_459] : memref<10240x80xf32, #tpu.memory_space<vmem_shared>> -> memref<10240x80xf32, #tpu.memory_space<vmem_shared>>
      tpu.enqueue_indirect_dma source(%arg11 : memref<80x80xf32, #tpu.memory_space<vmem>>) target(%dma_start3A_460 : memref<10240x80xf32, #tpu.memory_space<vmem_shared>>) offsets(%arg8 : memref<80xi32, #tpu.memory_space<vmem>>) semaphore(%arg23 : memref<!tpu.dma_semaphore, #tpu.memory_space<semaphore_mem>>) {add = true}
      %add3A_461 = arith.constant 2 : i32
      %add3A_462 = arith.addi %mul3A_384, %add3A_461 : i32
      %lt3A_463 = arith.constant 250 : i32
      %lt3A_464 = arith.cmpi slt, %add3A_462, %lt3A_463 : i32
      %convert_element_type3A_465 = arith.extui %lt3A_464 : i1 to i32
      %cond3A_466 = arith.constant 0 : i32
      %cond3A_467 = arith.cmpi ne, %convert_element_type3A_465, %cond3A_466 : i32
      scf.if %cond3A_467 {
        %add3A_558 = arith.constant 2 : i32
        %add3A_559 = arith.addi %mul3A_384, %add3A_558 : i32
        %mul3A_560 = arith.constant 80 : i32
        %mul3A_561 = arith.muli %add3A_559, %mul3A_560 : i32
        %add3A_562 = arith.addi %mul3A_48, %mul3A_561 : i32
        %jit3A_563 = arith.constant 6400 : i32
        %eq3A_564 = arith.constant 0 : i32
        %eq3A_565 = arith.cmpi eq, %jit3A_563, %eq3A_564 : i32
        %jit3A_566 = arith.constant 1 : i32
        %select_n3A_567 = arith.select %eq3A_565, %jit3A_566, %jit3A_563 : i32
        %rem3A_568 = arith.remsi %add3A_562, %select_n3A_567 : i32
        %ne3A_569 = arith.constant 0 : i32
        %ne3A_570 = arith.cmpi ne, %rem3A_568, %ne3A_569 : i32
        %lt3A_571 = arith.constant 0 : i32
        %lt3A_572 = arith.cmpi slt, %rem3A_568, %lt3A_571 : i32
        %lt3A_573 = arith.constant 0 : i32
        %lt3A_574 = arith.cmpi slt, %select_n3A_567, %lt3A_573 : i32
        %ne3A_575 = arith.xori %lt3A_572, %lt3A_574 : i1
        %and3A_576 = arith.andi %ne3A_575, %ne3A_570 : i1
        %add3A_577 = arith.addi %rem3A_568, %select_n3A_567 : i32
        %select_n3A_578 = arith.select %and3A_576, %add3A_577, %rem3A_568 : i32
        %mul3A_579 = arith.constant 160000 : i32
        %mul3A_580 = arith.muli %arg0, %mul3A_579 : i32
        %jit3A_581 = arith.constant 6400 : i32
        %div3A_582 = arith.divsi %add3A_562, %jit3A_581 : i32
        %sign3A_583 = arith.constant 0 : i32
        %sign3A_584 = arith.cmpi sgt, %add3A_562, %sign3A_583 : i32
        %sign3A_585 = arith.extui %sign3A_584 : i1 to i32
        %sign3A_586 = arith.constant 0 : i32
        %sign3A_587 = arith.cmpi slt, %add3A_562, %sign3A_586 : i32
        %sign3A_588 = arith.extui %sign3A_587 : i1 to i32
        %sign3A_589 = arith.subi %sign3A_585, %sign3A_588 : i32
        %sign3A_590 = arith.constant 0 : i32
        %sign3A_591 = arith.cmpi sgt, %jit3A_581, %sign3A_590 : i32
        %sign3A_592 = arith.extui %sign3A_591 : i1 to i32
        %sign3A_593 = arith.constant 0 : i32
        %sign3A_594 = arith.cmpi slt, %jit3A_581, %sign3A_593 : i32
        %sign3A_595 = arith.extui %sign3A_594 : i1 to i32
        %sign3A_596 = arith.subi %sign3A_592, %sign3A_595 : i32
        %ne3A_597 = arith.cmpi ne, %sign3A_589, %sign3A_596 : i32
        %rem3A_598 = arith.remsi %add3A_562, %jit3A_581 : i32
        %ne3A_599 = arith.constant 0 : i32
        %ne3A_600 = arith.cmpi ne, %rem3A_598, %ne3A_599 : i32
        %and3A_601 = arith.andi %ne3A_597, %ne3A_600 : i1
        %sub3A_602 = arith.constant 1 : i32
        %sub3A_603 = arith.subi %div3A_582, %sub3A_602 : i32
        %select_n3A_604 = arith.select %and3A_601, %sub3A_603, %div3A_582 : i32
        %mul3A_605 = arith.constant 3200 : i32
        %mul3A_606 = arith.muli %select_n3A_604, %mul3A_605 : i32
        %add3A_607 = arith.addi %mul3A_580, %mul3A_606 : i32
        %jit3A_608 = arith.constant 3200 : i32
        %eq3A_609 = arith.constant 0 : i32
        %eq3A_610 = arith.cmpi eq, %jit3A_608, %eq3A_609 : i32
        %jit3A_611 = arith.constant 1 : i32
        %select_n3A_612 = arith.select %eq3A_610, %jit3A_611, %jit3A_608 : i32
        %rem3A_613 = arith.remsi %select_n3A_578, %select_n3A_612 : i32
        %ne3A_614 = arith.constant 0 : i32
        %ne3A_615 = arith.cmpi ne, %rem3A_613, %ne3A_614 : i32
        %lt3A_616 = arith.constant 0 : i32
        %lt3A_617 = arith.cmpi slt, %rem3A_613, %lt3A_616 : i32
        %lt3A_618 = arith.constant 0 : i32
        %lt3A_619 = arith.cmpi slt, %select_n3A_612, %lt3A_618 : i32
        %ne3A_620 = arith.xori %lt3A_617, %lt3A_619 : i1
        %and3A_621 = arith.andi %ne3A_620, %ne3A_615 : i1
        %add3A_622 = arith.addi %rem3A_613, %select_n3A_612 : i32
        %select_n3A_623 = arith.select %and3A_621, %add3A_622, %rem3A_613 : i32
        %add3A_624 = arith.addi %add3A_607, %select_n3A_623 : i32
        %jit3A_625 = arith.constant 3200 : i32
        %div3A_626 = arith.divsi %select_n3A_578, %jit3A_625 : i32
        %sign3A_627 = arith.constant 0 : i32
        %sign3A_628 = arith.cmpi sgt, %select_n3A_578, %sign3A_627 : i32
        %sign3A_629 = arith.extui %sign3A_628 : i1 to i32
        %sign3A_630 = arith.constant 0 : i32
        %sign3A_631 = arith.cmpi slt, %select_n3A_578, %sign3A_630 : i32
        %sign3A_632 = arith.extui %sign3A_631 : i1 to i32
        %sign3A_633 = arith.subi %sign3A_629, %sign3A_632 : i32
        %sign3A_634 = arith.constant 0 : i32
        %sign3A_635 = arith.cmpi sgt, %jit3A_625, %sign3A_634 : i32
        %sign3A_636 = arith.extui %sign3A_635 : i1 to i32
        %sign3A_637 = arith.constant 0 : i32
        %sign3A_638 = arith.cmpi slt, %jit3A_625, %sign3A_637 : i32
        %sign3A_639 = arith.extui %sign3A_638 : i1 to i32
        %sign3A_640 = arith.subi %sign3A_636, %sign3A_639 : i32
        %ne3A_641 = arith.cmpi ne, %sign3A_633, %sign3A_640 : i32
        %rem3A_642 = arith.remsi %select_n3A_578, %jit3A_625 : i32
        %ne3A_643 = arith.constant 0 : i32
        %ne3A_644 = arith.cmpi ne, %rem3A_642, %ne3A_643 : i32
        %and3A_645 = arith.andi %ne3A_641, %ne3A_644 : i1
        %sub3A_646 = arith.constant 1 : i32
        %sub3A_647 = arith.subi %div3A_626, %sub3A_646 : i32
        %select_n3A_648 = arith.select %and3A_645, %sub3A_647, %div3A_626 : i32
        %dma_start3A_649 = arith.constant 0 : i32
        %dma_start3A_650 = tpu.memref_slice %arg2[%dma_start3A_649, %add3A_562] : memref<2x320000xi32, #tpu.memory_space<hbm>> -> memref<1x80xi32, #tpu.memory_space<hbm>>
        %dma_start3A_651 = tpu.memref_squeeze %dma_start3A_650 : memref<1x80xi32, #tpu.memory_space<hbm>> -> memref<80xi32, #tpu.memory_space<hbm>>
        %dma_start3A_652 = tpu.memref_slice %arg2[%dma_start3A_649, %add3A_562] : memref<2x320000xi32, #tpu.memory_space<hbm>> -> memref<1x80xi32, #tpu.memory_space<hbm>>
        %dma_start3A_653 = tpu.memref_squeeze %dma_start3A_652 : memref<1x80xi32, #tpu.memory_space<hbm>> -> memref<80xi32, #tpu.memory_space<hbm>>
        tpu.enqueue_dma source(%dma_start3A_653 : memref<80xi32, #tpu.memory_space<hbm>>) target(%arg6 : memref<80xi32, #tpu.memory_space<vmem>>) target_semaphore(%arg19 : memref<!tpu.dma_semaphore, #tpu.memory_space<semaphore_mem>>)
        %dma_start3A_654 = arith.constant 1 : i32
        %dma_start3A_655 = tpu.memref_slice %arg2[%dma_start3A_654, %add3A_562] : memref<2x320000xi32, #tpu.memory_space<hbm>> -> memref<1x80xi32, #tpu.memory_space<hbm>>
        %dma_start3A_656 = tpu.memref_squeeze %dma_start3A_655 : memref<1x80xi32, #tpu.memory_space<hbm>> -> memref<80xi32, #tpu.memory_space<hbm>>
        %dma_start3A_657 = tpu.memref_slice %arg2[%dma_start3A_654, %add3A_562] : memref<2x320000xi32, #tpu.memory_space<hbm>> -> memref<1x80xi32, #tpu.memory_space<hbm>>
        %dma_start3A_658 = tpu.memref_squeeze %dma_start3A_657 : memref<1x80xi32, #tpu.memory_space<hbm>> -> memref<80xi32, #tpu.memory_space<hbm>>
        tpu.enqueue_dma source(%dma_start3A_658 : memref<80xi32, #tpu.memory_space<hbm>>) target(%arg7 : memref<80xi32, #tpu.memory_space<vmem>>) target_semaphore(%arg19 : memref<!tpu.dma_semaphore, #tpu.memory_space<semaphore_mem>>)
        %mul3A_659 = arith.constant 64 : i32
        %mul3A_660 = arith.muli %select_n3A_648, %mul3A_659 : i32
        %dma_start3A_661 = tpu.memref_slice %arg3[%add3A_624, %mul3A_660] : memref<320000x128xf32, #tpu.memory_space<hbm>> -> memref<80x64xf32, #tpu.memory_space<hbm>>
        %dma_start3A_662 = tpu.memref_slice %arg3[%add3A_624, %mul3A_660] : memref<320000x128xf32, #tpu.memory_space<hbm>> -> memref<80x64xf32, #tpu.memory_space<hbm>>
        tpu.enqueue_dma source(%dma_start3A_662 : memref<80x64xf32, #tpu.memory_space<hbm>>) target(%arg9 : memref<80x64xf32, #tpu.memory_space<vmem>>) target_semaphore(%arg19 : memref<!tpu.dma_semaphore, #tpu.memory_space<semaphore_mem>>)
      } else {
      }
      %mul3A_468 = arith.constant 2 : i32
      %mul3A_469 = arith.muli %mul3A_468, %scan3A_382 : i32
      %add3A_470 = arith.constant 1 : i32
      %add3A_471 = arith.addi %mul3A_469, %add3A_470 : i32
      %dma_wait3A_472 = arith.constant 0 : i32
      %dma_wait3A_473 = arith.constant 0 : i32
      %dma_wait3A_474 = tpu.memref_slice %arg4[%dma_wait3A_472, %dma_wait3A_473] : memref<20000x64xf32, #tpu.memory_space<hbm>> -> memref<80x64xf32, #tpu.memory_space<hbm>>
      %dma_wait3A_475 = arith.constant 0 : i32
      %dma_wait3A_476 = arith.constant 0 : i32
      %dma_wait3A_477 = tpu.memref_slice %arg4[%dma_wait3A_475, %dma_wait3A_476] : memref<20000x64xf32, #tpu.memory_space<hbm>> -> memref<80x64xf32, #tpu.memory_space<hbm>>
      tpu.wait_dma2 semaphore(%arg22 : memref<!tpu.dma_semaphore, #tpu.memory_space<semaphore_mem>>) src(%dma_wait3A_477 : memref<80x64xf32, #tpu.memory_space<hbm>>) dst(%arg16 : memref<80x64xf32, #tpu.memory_space<vmem>>)
      %add3A_478 = arith.constant 1 : i32
      %add3A_479 = arith.addi %add3A_471, %add3A_478 : i32
      %lt3A_480 = arith.constant 250 : i32
      %lt3A_481 = arith.cmpi slt, %add3A_479, %lt3A_480 : i32
      %convert_element_type3A_482 = arith.extui %lt3A_481 : i1 to i32
      %cond3A_483 = arith.constant 0 : i32
      %cond3A_484 = arith.cmpi ne, %convert_element_type3A_482, %cond3A_483 : i32
      scf.if %cond3A_484 {
        %dma_wait3A_558 = arith.constant 0 : i32
        %dma_wait3A_559 = arith.constant 0 : i32
        %dma_wait3A_560 = tpu.memref_slice %arg2[%dma_wait3A_558, %dma_wait3A_559] : memref<2x320000xi32, #tpu.memory_space<hbm>> -> memref<1x80xi32, #tpu.memory_space<hbm>>
        %dma_wait3A_561 = tpu.memref_squeeze %dma_wait3A_560 : memref<1x80xi32, #tpu.memory_space<hbm>> -> memref<80xi32, #tpu.memory_space<hbm>>
        %dma_wait3A_562 = arith.constant 0 : i32
        %dma_wait3A_563 = tpu.memref_slice %arg2[%dma_wait3A_558, %dma_wait3A_562] : memref<2x320000xi32, #tpu.memory_space<hbm>> -> memref<1x80xi32, #tpu.memory_space<hbm>>
        %dma_wait3A_564 = tpu.memref_squeeze %dma_wait3A_563 : memref<1x80xi32, #tpu.memory_space<hbm>> -> memref<80xi32, #tpu.memory_space<hbm>>
        tpu.wait_dma2 semaphore(%arg19 : memref<!tpu.dma_semaphore, #tpu.memory_space<semaphore_mem>>) src(%dma_wait3A_564 : memref<80xi32, #tpu.memory_space<hbm>>) dst(%arg6 : memref<80xi32, #tpu.memory_space<vmem>>)
        %dma_wait3A_565 = arith.constant 1 : i32
        %dma_wait3A_566 = arith.constant 0 : i32
        %dma_wait3A_567 = tpu.memref_slice %arg2[%dma_wait3A_565, %dma_wait3A_566] : memref<2x320000xi32, #tpu.memory_space<hbm>> -> memref<1x80xi32, #tpu.memory_space<hbm>>
        %dma_wait3A_568 = tpu.memref_squeeze %dma_wait3A_567 : memref<1x80xi32, #tpu.memory_space<hbm>> -> memref<80xi32, #tpu.memory_space<hbm>>
        %dma_wait3A_569 = arith.constant 0 : i32
        %dma_wait3A_570 = tpu.memref_slice %arg2[%dma_wait3A_565, %dma_wait3A_569] : memref<2x320000xi32, #tpu.memory_space<hbm>> -> memref<1x80xi32, #tpu.memory_space<hbm>>
        %dma_wait3A_571 = tpu.memref_squeeze %dma_wait3A_570 : memref<1x80xi32, #tpu.memory_space<hbm>> -> memref<80xi32, #tpu.memory_space<hbm>>
        tpu.wait_dma2 semaphore(%arg19 : memref<!tpu.dma_semaphore, #tpu.memory_space<semaphore_mem>>) src(%dma_wait3A_571 : memref<80xi32, #tpu.memory_space<hbm>>) dst(%arg7 : memref<80xi32, #tpu.memory_space<vmem>>)
        %dma_wait3A_572 = arith.constant 0 : i32
        %dma_wait3A_573 = arith.constant 0 : i32
        %dma_wait3A_574 = tpu.memref_slice %arg3[%dma_wait3A_572, %dma_wait3A_573] : memref<320000x128xf32, #tpu.memory_space<hbm>> -> memref<80x64xf32, #tpu.memory_space<hbm>>
        %dma_wait3A_575 = arith.constant 0 : i32
        %dma_wait3A_576 = arith.constant 0 : i32
        %dma_wait3A_577 = tpu.memref_slice %arg3[%dma_wait3A_575, %dma_wait3A_576] : memref<320000x128xf32, #tpu.memory_space<hbm>> -> memref<80x64xf32, #tpu.memory_space<hbm>>
        tpu.wait_dma2 semaphore(%arg19 : memref<!tpu.dma_semaphore, #tpu.memory_space<semaphore_mem>>) src(%dma_wait3A_577 : memref<80x64xf32, #tpu.memory_space<hbm>>) dst(%arg9 : memref<80x64xf32, #tpu.memory_space<vmem>>)
        %scan3A_578 = arith.constant 0 : i32
        %scan3A_579 = arith.constant 0 : i32
        %mul3A_580 = arith.constant 16 : i32
        %mul3A_581 = arith.muli %scan3A_579, %mul3A_580 : i32
        %get3A_582 = arith.index_cast %mul3A_581 : i32 to index
        %get3A_583 = tpu.vector_load %arg6[%get3A_582] {strides = array<i32>} : memref<80xi32, #tpu.memory_space<vmem>>, vector<16xi32>,
        %get3A_584 = vector.shape_cast %get3A_583 : vector<16xi32> to vector<16xi32>
        %add3A_585 = vector.broadcast %mul3A_50 : i32 to vector<16xi32>
        %add3A_586 = arith.addi %get3A_584, %add3A_585 : vector<16xi32>
        %swap3A_587 = arith.index_cast %mul3A_581 : i32 to index
        %swap3A_588 = tpu.vector_load %arg6[%swap3A_587] {strides = array<i32>} : memref<80xi32, #tpu.memory_space<vmem>>, vector<16xi32>,
        %swap3A_589 = vector.shape_cast %swap3A_588 : vector<16xi32> to vector<16xi32>
        %swap3A_590 = vector.shape_cast %add3A_586 : vector<16xi32> to vector<16xi32>
        tpu.vector_store %arg6[%swap3A_587], %swap3A_590 {strides = array<i32>} : memref<80xi32, #tpu.memory_space<vmem>>, vector<16xi32>,
        %scan3A_591 = arith.constant 1 : i32
        %mul3A_592 = arith.constant 16 : i32
        %mul3A_593 = arith.muli %scan3A_591, %mul3A_592 : i32
        %get3A_594 = arith.index_cast %mul3A_593 : i32 to index
        %get3A_595 = tpu.vector_load %arg6[%get3A_594] {strides = array<i32>} : memref<80xi32, #tpu.memory_space<vmem>>, vector<16xi32>,
        %get3A_596 = vector.shape_cast %get3A_595 : vector<16xi32> to vector<16xi32>
        %add3A_597 = vector.broadcast %mul3A_50 : i32 to vector<16xi32>
        %add3A_598 = arith.addi %get3A_596, %add3A_597 : vector<16xi32>
        %swap3A_599 = arith.index_cast %mul3A_593 : i32 to index
        %swap3A_600 = tpu.vector_load %arg6[%swap3A_599] {strides = array<i32>} : memref<80xi32, #tpu.memory_space<vmem>>, vector<16xi32>,
        %swap3A_601 = vector.shape_cast %swap3A_600 : vector<16xi32> to vector<16xi32>
        %swap3A_602 = vector.shape_cast %add3A_598 : vector<16xi32> to vector<16xi32>
        tpu.vector_store %arg6[%swap3A_599], %swap3A_602 {strides = array<i32>} : memref<80xi32, #tpu.memory_space<vmem>>, vector<16xi32>,
        %scan3A_603 = arith.constant 2 : i32
        %mul3A_604 = arith.constant 16 : i32
        %mul3A_605 = arith.muli %scan3A_603, %mul3A_604 : i32
        %get3A_606 = arith.index_cast %mul3A_605 : i32 to index
        %get3A_607 = tpu.vector_load %arg6[%get3A_606] {strides = array<i32>} : memref<80xi32, #tpu.memory_space<vmem>>, vector<16xi32>,
        %get3A_608 = vector.shape_cast %get3A_607 : vector<16xi32> to vector<16xi32>
        %add3A_609 = vector.broadcast %mul3A_50 : i32 to vector<16xi32>
        %add3A_610 = arith.addi %get3A_608, %add3A_609 : vector<16xi32>
        %swap3A_611 = arith.index_cast %mul3A_605 : i32 to index
        %swap3A_612 = tpu.vector_load %arg6[%swap3A_611] {strides = array<i32>} : memref<80xi32, #tpu.memory_space<vmem>>, vector<16xi32>,
        %swap3A_613 = vector.shape_cast %swap3A_612 : vector<16xi32> to vector<16xi32>
        %swap3A_614 = vector.shape_cast %add3A_610 : vector<16xi32> to vector<16xi32>
        tpu.vector_store %arg6[%swap3A_611], %swap3A_614 {strides = array<i32>} : memref<80xi32, #tpu.memory_space<vmem>>, vector<16xi32>,
        %scan3A_615 = arith.constant 3 : i32
        %mul3A_616 = arith.constant 16 : i32
        %mul3A_617 = arith.muli %scan3A_615, %mul3A_616 : i32
        %get3A_618 = arith.index_cast %mul3A_617 : i32 to index
        %get3A_619 = tpu.vector_load %arg6[%get3A_618] {strides = array<i32>} : memref<80xi32, #tpu.memory_space<vmem>>, vector<16xi32>,
        %get3A_620 = vector.shape_cast %get3A_619 : vector<16xi32> to vector<16xi32>
        %add3A_621 = vector.broadcast %mul3A_50 : i32 to vector<16xi32>
        %add3A_622 = arith.addi %get3A_620, %add3A_621 : vector<16xi32>
        %swap3A_623 = arith.index_cast %mul3A_617 : i32 to index
        %swap3A_624 = tpu.vector_load %arg6[%swap3A_623] {strides = array<i32>} : memref<80xi32, #tpu.memory_space<vmem>>, vector<16xi32>,
        %swap3A_625 = vector.shape_cast %swap3A_624 : vector<16xi32> to vector<16xi32>
        %swap3A_626 = vector.shape_cast %add3A_622 : vector<16xi32> to vector<16xi32>
        tpu.vector_store %arg6[%swap3A_623], %swap3A_626 {strides = array<i32>} : memref<80xi32, #tpu.memory_space<vmem>>, vector<16xi32>,
        %scan3A_627 = arith.constant 4 : i32
        %mul3A_628 = arith.constant 16 : i32
        %mul3A_629 = arith.muli %scan3A_627, %mul3A_628 : i32
        %get3A_630 = arith.index_cast %mul3A_629 : i32 to index
        %get3A_631 = tpu.vector_load %arg6[%get3A_630] {strides = array<i32>} : memref<80xi32, #tpu.memory_space<vmem>>, vector<16xi32>,
        %get3A_632 = vector.shape_cast %get3A_631 : vector<16xi32> to vector<16xi32>
        %add3A_633 = vector.broadcast %mul3A_50 : i32 to vector<16xi32>
        %add3A_634 = arith.addi %get3A_632, %add3A_633 : vector<16xi32>
        %swap3A_635 = arith.index_cast %mul3A_629 : i32 to index
        %swap3A_636 = tpu.vector_load %arg6[%swap3A_635] {strides = array<i32>} : memref<80xi32, #tpu.memory_space<vmem>>, vector<16xi32>,
        %swap3A_637 = vector.shape_cast %swap3A_636 : vector<16xi32> to vector<16xi32>
        %swap3A_638 = vector.shape_cast %add3A_634 : vector<16xi32> to vector<16xi32>
        tpu.vector_store %arg6[%swap3A_635], %swap3A_638 {strides = array<i32>} : memref<80xi32, #tpu.memory_space<vmem>>, vector<16xi32>,
        %scan3A_639 = arith.constant 5 : i32
        %dma_start3A_640 = arith.constant 0 : i32
        %dma_start3A_641 = arith.constant 0 : i32
        %dma_start3A_642 = tpu.memref_slice %arg4[%dma_start3A_640, %dma_start3A_641] : memref<20000x64xf32, #tpu.memory_space<hbm>> -> memref<20000x64xf32, #tpu.memory_space<hbm>>
        tpu.enqueue_indirect_dma source(%dma_start3A_642 : memref<20000x64xf32, #tpu.memory_space<hbm>>) target(%arg10 : memref<80x64xf32, #tpu.memory_space<vmem>>) offsets(%arg6 : memref<80xi32, #tpu.memory_space<vmem>>) semaphore(%arg21 : memref<!tpu.dma_semaphore, #tpu.memory_space<semaphore_mem>>)
      } else {
      }
      %ge3A_485 = arith.constant 2 : i32
      %ge3A_486 = arith.cmpi sge, %add3A_471, %ge3A_485 : i32
      %convert_element_type3A_487 = arith.extui %ge3A_486 : i1 to i32
      %cond3A_488 = arith.constant 0 : i32
      %cond3A_489 = arith.cmpi ne, %convert_element_type3A_487, %cond3A_488 : i32
      scf.if %cond3A_489 {
        %dma_wait3A_558 = arith.constant 0 : i32
        %dma_wait3A_559 = arith.constant 0 : i32
        %dma_wait3A_560 = tpu.memref_slice %arg18[%dma_wait3A_558, %dma_wait3A_559] : memref<10240x80xf32, #tpu.memory_space<vmem_shared>> -> memref<80x80xf32, #tpu.memory_space<vmem_shared>>
        %dma_wait3A_561 = arith.constant 0 : i32
        %dma_wait3A_562 = arith.constant 0 : i32
        %dma_wait3A_563 = tpu.memref_slice %arg18[%dma_wait3A_561, %dma_wait3A_562] : memref<10240x80xf32, #tpu.memory_space<vmem_shared>> -> memref<80x80xf32, #tpu.memory_space<vmem_shared>>
        tpu.wait_dma2 semaphore(%arg24 : memref<!tpu.dma_semaphore, #tpu.memory_space<semaphore_mem>>) src(%arg17 : memref<80x80xf32, #tpu.memory_space<vmem>>) dst(%dma_wait3A_563 : memref<80x80xf32, #tpu.memory_space<vmem_shared>>)
      } else {
      }
      %scan3A_490 = arith.constant 0 : i32
      %scan3A_491 = arith.constant 0 : i32
      %scan3A_492 = arith.constant 80 : i32
      %scan3A_493 = arith.addi %scan3A_491, %scan3A_492 : i32
      %scan3A_494 = arith.constant 4 : i32
      scf.for %scan3A_558 = %scan3A_491 to %scan3A_493 step %scan3A_494  : i32 {
        %get3A_559 = arith.index_cast %scan3A_558 : i32 to index
        %get3A_560 = arith.constant 0 : index
        %get3A_561 = tpu.vector_load %arg16[%get3A_559, %get3A_560] {strides = array<i32>} : memref<80x64xf32, #tpu.memory_space<vmem>>, vector<1x16xf32>,
        %get3A_562 = vector.shape_cast %get3A_561 : vector<1x16xf32> to vector<16xf32>
        %get3A_563 = arith.index_cast %scan3A_558 : i32 to index
        %get3A_564 = arith.constant 0 : index
        %get3A_565 = tpu.vector_load %arg15[%get3A_563, %get3A_564] {strides = array<i32>} : memref<80x64xf32, #tpu.memory_space<vmem>>, vector<1x16xf32>,
        %get3A_566 = vector.shape_cast %get3A_565 : vector<1x16xf32> to vector<16xf32>
        %add3A_567 = arith.addf %get3A_562, %get3A_566 : vector<16xf32>
        %max3A = arith.constant 0.000000e+00 : f32
        %max3A_568 = vector.broadcast %max3A : f32 to vector<16xf32>
        %max3A_569 = arith.maximumf %add3A_567, %max3A_568 : vector<16xf32>
        %swap3A_570 = arith.index_cast %scan3A_558 : i32 to index
        %swap3A_571 = arith.constant 0 : index
        %swap3A_572 = tpu.vector_load %arg17[%swap3A_570, %swap3A_571] {strides = array<i32>} : memref<80x80xf32, #tpu.memory_space<vmem>>, vector<1x16xf32>,
        %swap3A_573 = vector.shape_cast %swap3A_572 : vector<1x16xf32> to vector<16xf32>
        %swap3A_574 = vector.shape_cast %max3A_569 : vector<16xf32> to vector<1x16xf32>
        tpu.vector_store %arg17[%swap3A_570, %swap3A_571], %swap3A_574 {strides = array<i32>} : memref<80x80xf32, #tpu.memory_space<vmem>>, vector<1x16xf32>,
        %get3A_575 = arith.index_cast %scan3A_558 : i32 to index
        %get3A_576 = arith.constant 16 : index
        %get3A_577 = tpu.vector_load %arg16[%get3A_575, %get3A_576] {strides = array<i32>} : memref<80x64xf32, #tpu.memory_space<vmem>>, vector<1x16xf32>,
        %get3A_578 = vector.shape_cast %get3A_577 : vector<1x16xf32> to vector<16xf32>
        %get3A_579 = arith.index_cast %scan3A_558 : i32 to index
        %get3A_580 = arith.constant 16 : index
        %get3A_581 = tpu.vector_load %arg15[%get3A_579, %get3A_580] {strides = array<i32>} : memref<80x64xf32, #tpu.memory_space<vmem>>, vector<1x16xf32>,
        %get3A_582 = vector.shape_cast %get3A_581 : vector<1x16xf32> to vector<16xf32>
        %add3A_583 = arith.addf %get3A_578, %get3A_582 : vector<16xf32>
        %max3A_584 = arith.constant 0.000000e+00 : f32
        %max3A_585 = vector.broadcast %max3A_584 : f32 to vector<16xf32>
        %max3A_586 = arith.maximumf %add3A_583, %max3A_585 : vector<16xf32>
        %swap3A_587 = arith.index_cast %scan3A_558 : i32 to index
        %swap3A_588 = arith.constant 16 : index
        %swap3A_589 = tpu.vector_load %arg17[%swap3A_587, %swap3A_588] {strides = array<i32>} : memref<80x80xf32, #tpu.memory_space<vmem>>, vector<1x16xf32>,
        %swap3A_590 = vector.shape_cast %swap3A_589 : vector<1x16xf32> to vector<16xf32>
        %swap3A_591 = vector.shape_cast %max3A_586 : vector<16xf32> to vector<1x16xf32>
        tpu.vector_store %arg17[%swap3A_587, %swap3A_588], %swap3A_591 {strides = array<i32>} : memref<80x80xf32, #tpu.memory_space<vmem>>, vector<1x16xf32>,
        %get3A_592 = arith.index_cast %scan3A_558 : i32 to index
        %get3A_593 = arith.constant 32 : index
        %get3A_594 = tpu.vector_load %arg16[%get3A_592, %get3A_593] {strides = array<i32>} : memref<80x64xf32, #tpu.memory_space<vmem>>, vector<1x16xf32>,
        %get3A_595 = vector.shape_cast %get3A_594 : vector<1x16xf32> to vector<16xf32>
        %get3A_596 = arith.index_cast %scan3A_558 : i32 to index
        %get3A_597 = arith.constant 32 : index
        %get3A_598 = tpu.vector_load %arg15[%get3A_596, %get3A_597] {strides = array<i32>} : memref<80x64xf32, #tpu.memory_space<vmem>>, vector<1x16xf32>,
        %get3A_599 = vector.shape_cast %get3A_598 : vector<1x16xf32> to vector<16xf32>
        %add3A_600 = arith.addf %get3A_595, %get3A_599 : vector<16xf32>
        %max3A_601 = arith.constant 0.000000e+00 : f32
        %max3A_602 = vector.broadcast %max3A_601 : f32 to vector<16xf32>
        %max3A_603 = arith.maximumf %add3A_600, %max3A_602 : vector<16xf32>
        %swap3A_604 = arith.index_cast %scan3A_558 : i32 to index
        %swap3A_605 = arith.constant 32 : index
        %swap3A_606 = tpu.vector_load %arg17[%swap3A_604, %swap3A_605] {strides = array<i32>} : memref<80x80xf32, #tpu.memory_space<vmem>>, vector<1x16xf32>,
        %swap3A_607 = vector.shape_cast %swap3A_606 : vector<1x16xf32> to vector<16xf32>
        %swap3A_608 = vector.shape_cast %max3A_603 : vector<16xf32> to vector<1x16xf32>
        tpu.vector_store %arg17[%swap3A_604, %swap3A_605], %swap3A_608 {strides = array<i32>} : memref<80x80xf32, #tpu.memory_space<vmem>>, vector<1x16xf32>,
        %get3A_609 = arith.index_cast %scan3A_558 : i32 to index
        %get3A_610 = arith.constant 48 : index
        %get3A_611 = tpu.vector_load %arg16[%get3A_609, %get3A_610] {strides = array<i32>} : memref<80x64xf32, #tpu.memory_space<vmem>>, vector<1x16xf32>,
        %get3A_612 = vector.shape_cast %get3A_611 : vector<1x16xf32> to vector<16xf32>
        %get3A_613 = arith.index_cast %scan3A_558 : i32 to index
        %get3A_614 = arith.constant 48 : index
        %get3A_615 = tpu.vector_load %arg15[%get3A_613, %get3A_614] {strides = array<i32>} : memref<80x64xf32, #tpu.memory_space<vmem>>, vector<1x16xf32>,
        %get3A_616 = vector.shape_cast %get3A_615 : vector<1x16xf32> to vector<16xf32>
        %add3A_617 = arith.addf %get3A_612, %get3A_616 : vector<16xf32>
        %max3A_618 = arith.constant 0.000000e+00 : f32
        %max3A_619 = vector.broadcast %max3A_618 : f32 to vector<16xf32>
        %max3A_620 = arith.maximumf %add3A_617, %max3A_619 : vector<16xf32>
        %swap3A_621 = arith.index_cast %scan3A_558 : i32 to index
        %swap3A_622 = arith.constant 48 : index
        %swap3A_623 = tpu.vector_load %arg17[%swap3A_621, %swap3A_622] {strides = array<i32>} : memref<80x80xf32, #tpu.memory_space<vmem>>, vector<1x16xf32>,
        %swap3A_624 = vector.shape_cast %swap3A_623 : vector<1x16xf32> to vector<16xf32>
        %swap3A_625 = vector.shape_cast %max3A_620 : vector<16xf32> to vector<1x16xf32>
        tpu.vector_store %arg17[%swap3A_621, %swap3A_622], %swap3A_625 {strides = array<i32>} : memref<80x80xf32, #tpu.memory_space<vmem>>, vector<1x16xf32>,
        %scan3A_626 = arith.constant 1 : i32
        %scan3A_627 = arith.addi %scan3A_558, %scan3A_626 : i32
        %get3A_628 = arith.index_cast %scan3A_627 : i32 to index
        %get3A_629 = arith.constant 0 : index
        %get3A_630 = tpu.vector_load %arg16[%get3A_628, %get3A_629] {strides = array<i32>} : memref<80x64xf32, #tpu.memory_space<vmem>>, vector<1x16xf32>,
        %get3A_631 = vector.shape_cast %get3A_630 : vector<1x16xf32> to vector<16xf32>
        %get3A_632 = arith.index_cast %scan3A_627 : i32 to index
        %get3A_633 = arith.constant 0 : index
        %get3A_634 = tpu.vector_load %arg15[%get3A_632, %get3A_633] {strides = array<i32>} : memref<80x64xf32, #tpu.memory_space<vmem>>, vector<1x16xf32>,
        %get3A_635 = vector.shape_cast %get3A_634 : vector<1x16xf32> to vector<16xf32>
        %add3A_636 = arith.addf %get3A_631, %get3A_635 : vector<16xf32>
        %max3A_637 = arith.constant 0.000000e+00 : f32
        %max3A_638 = vector.broadcast %max3A_637 : f32 to vector<16xf32>
        %max3A_639 = arith.maximumf %add3A_636, %max3A_638 : vector<16xf32>
        %swap3A_640 = arith.index_cast %scan3A_627 : i32 to index
        %swap3A_641 = arith.constant 0 : index
        %swap3A_642 = tpu.vector_load %arg17[%swap3A_640, %swap3A_641] {strides = array<i32>} : memref<80x80xf32, #tpu.memory_space<vmem>>, vector<1x16xf32>,
        %swap3A_643 = vector.shape_cast %swap3A_642 : vector<1x16xf32> to vector<16xf32>
        %swap3A_644 = vector.shape_cast %max3A_639 : vector<16xf32> to vector<1x16xf32>
        tpu.vector_store %arg17[%swap3A_640, %swap3A_641], %swap3A_644 {strides = array<i32>} : memref<80x80xf32, #tpu.memory_space<vmem>>, vector<1x16xf32>,
        %get3A_645 = arith.index_cast %scan3A_627 : i32 to index
        %get3A_646 = arith.constant 16 : index
        %get3A_647 = tpu.vector_load %arg16[%get3A_645, %get3A_646] {strides = array<i32>} : memref<80x64xf32, #tpu.memory_space<vmem>>, vector<1x16xf32>,
        %get3A_648 = vector.shape_cast %get3A_647 : vector<1x16xf32> to vector<16xf32>
        %get3A_649 = arith.index_cast %scan3A_627 : i32 to index
        %get3A_650 = arith.constant 16 : index
        %get3A_651 = tpu.vector_load %arg15[%get3A_649, %get3A_650] {strides = array<i32>} : memref<80x64xf32, #tpu.memory_space<vmem>>, vector<1x16xf32>,
        %get3A_652 = vector.shape_cast %get3A_651 : vector<1x16xf32> to vector<16xf32>
        %add3A_653 = arith.addf %get3A_648, %get3A_652 : vector<16xf32>
        %max3A_654 = arith.constant 0.000000e+00 : f32
        %max3A_655 = vector.broadcast %max3A_654 : f32 to vector<16xf32>
        %max3A_656 = arith.maximumf %add3A_653, %max3A_655 : vector<16xf32>
        %swap3A_657 = arith.index_cast %scan3A_627 : i32 to index
        %swap3A_658 = arith.constant 16 : index
        %swap3A_659 = tpu.vector_load %arg17[%swap3A_657, %swap3A_658] {strides = array<i32>} : memref<80x80xf32, #tpu.memory_space<vmem>>, vector<1x16xf32>,
        %swap3A_660 = vector.shape_cast %swap3A_659 : vector<1x16xf32> to vector<16xf32>
        %swap3A_661 = vector.shape_cast %max3A_656 : vector<16xf32> to vector<1x16xf32>
        tpu.vector_store %arg17[%swap3A_657, %swap3A_658], %swap3A_661 {strides = array<i32>} : memref<80x80xf32, #tpu.memory_space<vmem>>, vector<1x16xf32>,
        %get3A_662 = arith.index_cast %scan3A_627 : i32 to index
        %get3A_663 = arith.constant 32 : index
        %get3A_664 = tpu.vector_load %arg16[%get3A_662, %get3A_663] {strides = array<i32>} : memref<80x64xf32, #tpu.memory_space<vmem>>, vector<1x16xf32>,
        %get3A_665 = vector.shape_cast %get3A_664 : vector<1x16xf32> to vector<16xf32>
        %get3A_666 = arith.index_cast %scan3A_627 : i32 to index
        %get3A_667 = arith.constant 32 : index
        %get3A_668 = tpu.vector_load %arg15[%get3A_666, %get3A_667] {strides = array<i32>} : memref<80x64xf32, #tpu.memory_space<vmem>>, vector<1x16xf32>,
        %get3A_669 = vector.shape_cast %get3A_668 : vector<1x16xf32> to vector<16xf32>
        %add3A_670 = arith.addf %get3A_665, %get3A_669 : vector<16xf32>
        %max3A_671 = arith.constant 0.000000e+00 : f32
        %max3A_672 = vector.broadcast %max3A_671 : f32 to vector<16xf32>
        %max3A_673 = arith.maximumf %add3A_670, %max3A_672 : vector<16xf32>
        %swap3A_674 = arith.index_cast %scan3A_627 : i32 to index
        %swap3A_675 = arith.constant 32 : index
        %swap3A_676 = tpu.vector_load %arg17[%swap3A_674, %swap3A_675] {strides = array<i32>} : memref<80x80xf32, #tpu.memory_space<vmem>>, vector<1x16xf32>,
        %swap3A_677 = vector.shape_cast %swap3A_676 : vector<1x16xf32> to vector<16xf32>
        %swap3A_678 = vector.shape_cast %max3A_673 : vector<16xf32> to vector<1x16xf32>
        tpu.vector_store %arg17[%swap3A_674, %swap3A_675], %swap3A_678 {strides = array<i32>} : memref<80x80xf32, #tpu.memory_space<vmem>>, vector<1x16xf32>,
        %get3A_679 = arith.index_cast %scan3A_627 : i32 to index
        %get3A_680 = arith.constant 48 : index
        %get3A_681 = tpu.vector_load %arg16[%get3A_679, %get3A_680] {strides = array<i32>} : memref<80x64xf32, #tpu.memory_space<vmem>>, vector<1x16xf32>,
        %get3A_682 = vector.shape_cast %get3A_681 : vector<1x16xf32> to vector<16xf32>
        %get3A_683 = arith.index_cast %scan3A_627 : i32 to index
        %get3A_684 = arith.constant 48 : index
        %get3A_685 = tpu.vector_load %arg15[%get3A_683, %get3A_684] {strides = array<i32>} : memref<80x64xf32, #tpu.memory_space<vmem>>, vector<1x16xf32>,
        %get3A_686 = vector.shape_cast %get3A_685 : vector<1x16xf32> to vector<16xf32>
        %add3A_687 = arith.addf %get3A_682, %get3A_686 : vector<16xf32>
        %max3A_688 = arith.constant 0.000000e+00 : f32
        %max3A_689 = vector.broadcast %max3A_688 : f32 to vector<16xf32>
        %max3A_690 = arith.maximumf %add3A_687, %max3A_689 : vector<16xf32>
        %swap3A_691 = arith.index_cast %scan3A_627 : i32 to index
        %swap3A_692 = arith.constant 48 : index
        %swap3A_693 = tpu.vector_load %arg17[%swap3A_691, %swap3A_692] {strides = array<i32>} : memref<80x80xf32, #tpu.memory_space<vmem>>, vector<1x16xf32>,
        %swap3A_694 = vector.shape_cast %swap3A_693 : vector<1x16xf32> to vector<16xf32>
        %swap3A_695 = vector.shape_cast %max3A_690 : vector<16xf32> to vector<1x16xf32>
        tpu.vector_store %arg17[%swap3A_691, %swap3A_692], %swap3A_695 {strides = array<i32>} : memref<80x80xf32, #tpu.memory_space<vmem>>, vector<1x16xf32>,
        %scan3A_696 = arith.constant 2 : i32
        %scan3A_697 = arith.addi %scan3A_558, %scan3A_696 : i32
        %get3A_698 = arith.index_cast %scan3A_697 : i32 to index
        %get3A_699 = arith.constant 0 : index
        %get3A_700 = tpu.vector_load %arg16[%get3A_698, %get3A_699] {strides = array<i32>} : memref<80x64xf32, #tpu.memory_space<vmem>>, vector<1x16xf32>,
        %get3A_701 = vector.shape_cast %get3A_700 : vector<1x16xf32> to vector<16xf32>
        %get3A_702 = arith.index_cast %scan3A_697 : i32 to index
        %get3A_703 = arith.constant 0 : index
        %get3A_704 = tpu.vector_load %arg15[%get3A_702, %get3A_703] {strides = array<i32>} : memref<80x64xf32, #tpu.memory_space<vmem>>, vector<1x16xf32>,
        %get3A_705 = vector.shape_cast %get3A_704 : vector<1x16xf32> to vector<16xf32>
        %add3A_706 = arith.addf %get3A_701, %get3A_705 : vector<16xf32>
        %max3A_707 = arith.constant 0.000000e+00 : f32
        %max3A_708 = vector.broadcast %max3A_707 : f32 to vector<16xf32>
        %max3A_709 = arith.maximumf %add3A_706, %max3A_708 : vector<16xf32>
        %swap3A_710 = arith.index_cast %scan3A_697 : i32 to index
        %swap3A_711 = arith.constant 0 : index
        %swap3A_712 = tpu.vector_load %arg17[%swap3A_710, %swap3A_711] {strides = array<i32>} : memref<80x80xf32, #tpu.memory_space<vmem>>, vector<1x16xf32>,
        %swap3A_713 = vector.shape_cast %swap3A_712 : vector<1x16xf32> to vector<16xf32>
        %swap3A_714 = vector.shape_cast %max3A_709 : vector<16xf32> to vector<1x16xf32>
        tpu.vector_store %arg17[%swap3A_710, %swap3A_711], %swap3A_714 {strides = array<i32>} : memref<80x80xf32, #tpu.memory_space<vmem>>, vector<1x16xf32>,
        %get3A_715 = arith.index_cast %scan3A_697 : i32 to index
        %get3A_716 = arith.constant 16 : index
        %get3A_717 = tpu.vector_load %arg16[%get3A_715, %get3A_716] {strides = array<i32>} : memref<80x64xf32, #tpu.memory_space<vmem>>, vector<1x16xf32>,
        %get3A_718 = vector.shape_cast %get3A_717 : vector<1x16xf32> to vector<16xf32>
        %get3A_719 = arith.index_cast %scan3A_697 : i32 to index
        %get3A_720 = arith.constant 16 : index
        %get3A_721 = tpu.vector_load %arg15[%get3A_719, %get3A_720] {strides = array<i32>} : memref<80x64xf32, #tpu.memory_space<vmem>>, vector<1x16xf32>,
        %get3A_722 = vector.shape_cast %get3A_721 : vector<1x16xf32> to vector<16xf32>
        %add3A_723 = arith.addf %get3A_718, %get3A_722 : vector<16xf32>
        %max3A_724 = arith.constant 0.000000e+00 : f32
        %max3A_725 = vector.broadcast %max3A_724 : f32 to vector<16xf32>
        %max3A_726 = arith.maximumf %add3A_723, %max3A_725 : vector<16xf32>
        %swap3A_727 = arith.index_cast %scan3A_697 : i32 to index
        %swap3A_728 = arith.constant 16 : index
        %swap3A_729 = tpu.vector_load %arg17[%swap3A_727, %swap3A_728] {strides = array<i32>} : memref<80x80xf32, #tpu.memory_space<vmem>>, vector<1x16xf32>,
        %swap3A_730 = vector.shape_cast %swap3A_729 : vector<1x16xf32> to vector<16xf32>
        %swap3A_731 = vector.shape_cast %max3A_726 : vector<16xf32> to vector<1x16xf32>
        tpu.vector_store %arg17[%swap3A_727, %swap3A_728], %swap3A_731 {strides = array<i32>} : memref<80x80xf32, #tpu.memory_space<vmem>>, vector<1x16xf32>,
        %get3A_732 = arith.index_cast %scan3A_697 : i32 to index
        %get3A_733 = arith.constant 32 : index
        %get3A_734 = tpu.vector_load %arg16[%get3A_732, %get3A_733] {strides = array<i32>} : memref<80x64xf32, #tpu.memory_space<vmem>>, vector<1x16xf32>,
        %get3A_735 = vector.shape_cast %get3A_734 : vector<1x16xf32> to vector<16xf32>
        %get3A_736 = arith.index_cast %scan3A_697 : i32 to index
        %get3A_737 = arith.constant 32 : index
        %get3A_738 = tpu.vector_load %arg15[%get3A_736, %get3A_737] {strides = array<i32>} : memref<80x64xf32, #tpu.memory_space<vmem>>, vector<1x16xf32>,
        %get3A_739 = vector.shape_cast %get3A_738 : vector<1x16xf32> to vector<16xf32>
        %add3A_740 = arith.addf %get3A_735, %get3A_739 : vector<16xf32>
        %max3A_741 = arith.constant 0.000000e+00 : f32
        %max3A_742 = vector.broadcast %max3A_741 : f32 to vector<16xf32>
        %max3A_743 = arith.maximumf %add3A_740, %max3A_742 : vector<16xf32>
        %swap3A_744 = arith.index_cast %scan3A_697 : i32 to index
        %swap3A_745 = arith.constant 32 : index
        %swap3A_746 = tpu.vector_load %arg17[%swap3A_744, %swap3A_745] {strides = array<i32>} : memref<80x80xf32, #tpu.memory_space<vmem>>, vector<1x16xf32>,
        %swap3A_747 = vector.shape_cast %swap3A_746 : vector<1x16xf32> to vector<16xf32>
        %swap3A_748 = vector.shape_cast %max3A_743 : vector<16xf32> to vector<1x16xf32>
        tpu.vector_store %arg17[%swap3A_744, %swap3A_745], %swap3A_748 {strides = array<i32>} : memref<80x80xf32, #tpu.memory_space<vmem>>, vector<1x16xf32>,
        %get3A_749 = arith.index_cast %scan3A_697 : i32 to index
        %get3A_750 = arith.constant 48 : index
        %get3A_751 = tpu.vector_load %arg16[%get3A_749, %get3A_750] {strides = array<i32>} : memref<80x64xf32, #tpu.memory_space<vmem>>, vector<1x16xf32>,
        %get3A_752 = vector.shape_cast %get3A_751 : vector<1x16xf32> to vector<16xf32>
        %get3A_753 = arith.index_cast %scan3A_697 : i32 to index
        %get3A_754 = arith.constant 48 : index
        %get3A_755 = tpu.vector_load %arg15[%get3A_753, %get3A_754] {strides = array<i32>} : memref<80x64xf32, #tpu.memory_space<vmem>>, vector<1x16xf32>,
        %get3A_756 = vector.shape_cast %get3A_755 : vector<1x16xf32> to vector<16xf32>
        %add3A_757 = arith.addf %get3A_752, %get3A_756 : vector<16xf32>
        %max3A_758 = arith.constant 0.000000e+00 : f32
        %max3A_759 = vector.broadcast %max3A_758 : f32 to vector<16xf32>
        %max3A_760 = arith.maximumf %add3A_757, %max3A_759 : vector<16xf32>
        %swap3A_761 = arith.index_cast %scan3A_697 : i32 to index
        %swap3A_762 = arith.constant 48 : index
        %swap3A_763 = tpu.vector_load %arg17[%swap3A_761, %swap3A_762] {strides = array<i32>} : memref<80x80xf32, #tpu.memory_space<vmem>>, vector<1x16xf32>,
        %swap3A_764 = vector.shape_cast %swap3A_763 : vector<1x16xf32> to vector<16xf32>
        %swap3A_765 = vector.shape_cast %max3A_760 : vector<16xf32> to vector<1x16xf32>
        tpu.vector_store %arg17[%swap3A_761, %swap3A_762], %swap3A_765 {strides = array<i32>} : memref<80x80xf32, #tpu.memory_space<vmem>>, vector<1x16xf32>,
        %scan3A_766 = arith.constant 3 : i32
        %scan3A_767 = arith.addi %scan3A_558, %scan3A_766 : i32
        %get3A_768 = arith.index_cast %scan3A_767 : i32 to index
        %get3A_769 = arith.constant 0 : index
        %get3A_770 = tpu.vector_load %arg16[%get3A_768, %get3A_769] {strides = array<i32>} : memref<80x64xf32, #tpu.memory_space<vmem>>, vector<1x16xf32>,
        %get3A_771 = vector.shape_cast %get3A_770 : vector<1x16xf32> to vector<16xf32>
        %get3A_772 = arith.index_cast %scan3A_767 : i32 to index
        %get3A_773 = arith.constant 0 : index
        %get3A_774 = tpu.vector_load %arg15[%get3A_772, %get3A_773] {strides = array<i32>} : memref<80x64xf32, #tpu.memory_space<vmem>>, vector<1x16xf32>,
        %get3A_775 = vector.shape_cast %get3A_774 : vector<1x16xf32> to vector<16xf32>
        %add3A_776 = arith.addf %get3A_771, %get3A_775 : vector<16xf32>
        %max3A_777 = arith.constant 0.000000e+00 : f32
        %max3A_778 = vector.broadcast %max3A_777 : f32 to vector<16xf32>
        %max3A_779 = arith.maximumf %add3A_776, %max3A_778 : vector<16xf32>
        %swap3A_780 = arith.index_cast %scan3A_767 : i32 to index
        %swap3A_781 = arith.constant 0 : index
        %swap3A_782 = tpu.vector_load %arg17[%swap3A_780, %swap3A_781] {strides = array<i32>} : memref<80x80xf32, #tpu.memory_space<vmem>>, vector<1x16xf32>,
        %swap3A_783 = vector.shape_cast %swap3A_782 : vector<1x16xf32> to vector<16xf32>
        %swap3A_784 = vector.shape_cast %max3A_779 : vector<16xf32> to vector<1x16xf32>
        tpu.vector_store %arg17[%swap3A_780, %swap3A_781], %swap3A_784 {strides = array<i32>} : memref<80x80xf32, #tpu.memory_space<vmem>>, vector<1x16xf32>,
        %get3A_785 = arith.index_cast %scan3A_767 : i32 to index
        %get3A_786 = arith.constant 16 : index
        %get3A_787 = tpu.vector_load %arg16[%get3A_785, %get3A_786] {strides = array<i32>} : memref<80x64xf32, #tpu.memory_space<vmem>>, vector<1x16xf32>,
        %get3A_788 = vector.shape_cast %get3A_787 : vector<1x16xf32> to vector<16xf32>
        %get3A_789 = arith.index_cast %scan3A_767 : i32 to index
        %get3A_790 = arith.constant 16 : index
        %get3A_791 = tpu.vector_load %arg15[%get3A_789, %get3A_790] {strides = array<i32>} : memref<80x64xf32, #tpu.memory_space<vmem>>, vector<1x16xf32>,
        %get3A_792 = vector.shape_cast %get3A_791 : vector<1x16xf32> to vector<16xf32>
        %add3A_793 = arith.addf %get3A_788, %get3A_792 : vector<16xf32>
        %max3A_794 = arith.constant 0.000000e+00 : f32
        %max3A_795 = vector.broadcast %max3A_794 : f32 to vector<16xf32>
        %max3A_796 = arith.maximumf %add3A_793, %max3A_795 : vector<16xf32>
        %swap3A_797 = arith.index_cast %scan3A_767 : i32 to index
        %swap3A_798 = arith.constant 16 : index
        %swap3A_799 = tpu.vector_load %arg17[%swap3A_797, %swap3A_798] {strides = array<i32>} : memref<80x80xf32, #tpu.memory_space<vmem>>, vector<1x16xf32>,
        %swap3A_800 = vector.shape_cast %swap3A_799 : vector<1x16xf32> to vector<16xf32>
        %swap3A_801 = vector.shape_cast %max3A_796 : vector<16xf32> to vector<1x16xf32>
        tpu.vector_store %arg17[%swap3A_797, %swap3A_798], %swap3A_801 {strides = array<i32>} : memref<80x80xf32, #tpu.memory_space<vmem>>, vector<1x16xf32>,
        %get3A_802 = arith.index_cast %scan3A_767 : i32 to index
        %get3A_803 = arith.constant 32 : index
        %get3A_804 = tpu.vector_load %arg16[%get3A_802, %get3A_803] {strides = array<i32>} : memref<80x64xf32, #tpu.memory_space<vmem>>, vector<1x16xf32>,
        %get3A_805 = vector.shape_cast %get3A_804 : vector<1x16xf32> to vector<16xf32>
        %get3A_806 = arith.index_cast %scan3A_767 : i32 to index
        %get3A_807 = arith.constant 32 : index
        %get3A_808 = tpu.vector_load %arg15[%get3A_806, %get3A_807] {strides = array<i32>} : memref<80x64xf32, #tpu.memory_space<vmem>>, vector<1x16xf32>,
        %get3A_809 = vector.shape_cast %get3A_808 : vector<1x16xf32> to vector<16xf32>
        %add3A_810 = arith.addf %get3A_805, %get3A_809 : vector<16xf32>
        %max3A_811 = arith.constant 0.000000e+00 : f32
        %max3A_812 = vector.broadcast %max3A_811 : f32 to vector<16xf32>
        %max3A_813 = arith.maximumf %add3A_810, %max3A_812 : vector<16xf32>
        %swap3A_814 = arith.index_cast %scan3A_767 : i32 to index
        %swap3A_815 = arith.constant 32 : index
        %swap3A_816 = tpu.vector_load %arg17[%swap3A_814, %swap3A_815] {strides = array<i32>} : memref<80x80xf32, #tpu.memory_space<vmem>>, vector<1x16xf32>,
        %swap3A_817 = vector.shape_cast %swap3A_816 : vector<1x16xf32> to vector<16xf32>
        %swap3A_818 = vector.shape_cast %max3A_813 : vector<16xf32> to vector<1x16xf32>
        tpu.vector_store %arg17[%swap3A_814, %swap3A_815], %swap3A_818 {strides = array<i32>} : memref<80x80xf32, #tpu.memory_space<vmem>>, vector<1x16xf32>,
        %get3A_819 = arith.index_cast %scan3A_767 : i32 to index
        %get3A_820 = arith.constant 48 : index
        %get3A_821 = tpu.vector_load %arg16[%get3A_819, %get3A_820] {strides = array<i32>} : memref<80x64xf32, #tpu.memory_space<vmem>>, vector<1x16xf32>,
        %get3A_822 = vector.shape_cast %get3A_821 : vector<1x16xf32> to vector<16xf32>
        %get3A_823 = arith.index_cast %scan3A_767 : i32 to index
        %get3A_824 = arith.constant 48 : index
        %get3A_825 = tpu.vector_load %arg15[%get3A_823, %get3A_824] {strides = array<i32>} : memref<80x64xf32, #tpu.memory_space<vmem>>, vector<1x16xf32>,
        %get3A_826 = vector.shape_cast %get3A_825 : vector<1x16xf32> to vector<16xf32>
        %add3A_827 = arith.addf %get3A_822, %get3A_826 : vector<16xf32>
        %max3A_828 = arith.constant 0.000000e+00 : f32
        %max3A_829 = vector.broadcast %max3A_828 : f32 to vector<16xf32>
        %max3A_830 = arith.maximumf %add3A_827, %max3A_829 : vector<16xf32>
        %swap3A_831 = arith.index_cast %scan3A_767 : i32 to index
        %swap3A_832 = arith.constant 48 : index
        %swap3A_833 = tpu.vector_load %arg17[%swap3A_831, %swap3A_832] {strides = array<i32>} : memref<80x80xf32, #tpu.memory_space<vmem>>, vector<1x16xf32>,
        %swap3A_834 = vector.shape_cast %swap3A_833 : vector<1x16xf32> to vector<16xf32>
        %swap3A_835 = vector.shape_cast %max3A_830 : vector<16xf32> to vector<1x16xf32>
        tpu.vector_store %arg17[%swap3A_831, %swap3A_832], %swap3A_835 {strides = array<i32>} : memref<80x80xf32, #tpu.memory_space<vmem>>, vector<1x16xf32>,
      }
      %scan3A_495 = arith.constant 80 : i32
      %scan3A_496 = arith.constant 0 : i32
      %scan3A_497 = arith.constant 0 : i32
      %mul3A_498 = arith.constant 16 : i32
      %mul3A_499 = arith.muli %scan3A_497, %mul3A_498 : i32
      %get3A_500 = arith.index_cast %mul3A_499 : i32 to index
      %get3A_501 = tpu.vector_load %arg13[%get3A_500] {strides = array<i32>} : memref<80xi32, #tpu.memory_space<vmem>>, vector<16xi32>,
      %get3A_502 = vector.shape_cast %get3A_501 : vector<16xi32> to vector<16xi32>
      %swap3A_503 = arith.index_cast %mul3A_499 : i32 to index
      %swap3A_504 = tpu.vector_load %arg14[%swap3A_503] {strides = array<i32>} : memref<80xi32, #tpu.memory_space<vmem>>, vector<16xi32>,
      %swap3A_505 = vector.shape_cast %swap3A_504 : vector<16xi32> to vector<16xi32>
      %swap3A_506 = vector.shape_cast %get3A_502 : vector<16xi32> to vector<16xi32>
      tpu.vector_store %arg14[%swap3A_503], %swap3A_506 {strides = array<i32>} : memref<80xi32, #tpu.memory_space<vmem>>, vector<16xi32>,
      %scan3A_507 = arith.constant 1 : i32
      %mul3A_508 = arith.constant 16 : i32
      %mul3A_509 = arith.muli %scan3A_507, %mul3A_508 : i32
      %get3A_510 = arith.index_cast %mul3A_509 : i32 to index
      %get3A_511 = tpu.vector_load %arg13[%get3A_510] {strides = array<i32>} : memref<80xi32, #tpu.memory_space<vmem>>, vector<16xi32>,
      %get3A_512 = vector.shape_cast %get3A_511 : vector<16xi32> to vector<16xi32>
      %swap3A_513 = arith.index_cast %mul3A_509 : i32 to index
      %swap3A_514 = tpu.vector_load %arg14[%swap3A_513] {strides = array<i32>} : memref<80xi32, #tpu.memory_space<vmem>>, vector<16xi32>,
      %swap3A_515 = vector.shape_cast %swap3A_514 : vector<16xi32> to vector<16xi32>
      %swap3A_516 = vector.shape_cast %get3A_512 : vector<16xi32> to vector<16xi32>
      tpu.vector_store %arg14[%swap3A_513], %swap3A_516 {strides = array<i32>} : memref<80xi32, #tpu.memory_space<vmem>>, vector<16xi32>,
      %scan3A_517 = arith.constant 2 : i32
      %mul3A_518 = arith.constant 16 : i32
      %mul3A_519 = arith.muli %scan3A_517, %mul3A_518 : i32
      %get3A_520 = arith.index_cast %mul3A_519 : i32 to index
      %get3A_521 = tpu.vector_load %arg13[%get3A_520] {strides = array<i32>} : memref<80xi32, #tpu.memory_space<vmem>>, vector<16xi32>,
      %get3A_522 = vector.shape_cast %get3A_521 : vector<16xi32> to vector<16xi32>
      %swap3A_523 = arith.index_cast %mul3A_519 : i32 to index
      %swap3A_524 = tpu.vector_load %arg14[%swap3A_523] {strides = array<i32>} : memref<80xi32, #tpu.memory_space<vmem>>, vector<16xi32>,
      %swap3A_525 = vector.shape_cast %swap3A_524 : vector<16xi32> to vector<16xi32>
      %swap3A_526 = vector.shape_cast %get3A_522 : vector<16xi32> to vector<16xi32>
      tpu.vector_store %arg14[%swap3A_523], %swap3A_526 {strides = array<i32>} : memref<80xi32, #tpu.memory_space<vmem>>, vector<16xi32>,
      %scan3A_527 = arith.constant 3 : i32
      %mul3A_528 = arith.constant 16 : i32
      %mul3A_529 = arith.muli %scan3A_527, %mul3A_528 : i32
      %get3A_530 = arith.index_cast %mul3A_529 : i32 to index
      %get3A_531 = tpu.vector_load %arg13[%get3A_530] {strides = array<i32>} : memref<80xi32, #tpu.memory_space<vmem>>, vector<16xi32>,
      %get3A_532 = vector.shape_cast %get3A_531 : vector<16xi32> to vector<16xi32>
      %swap3A_533 = arith.index_cast %mul3A_529 : i32 to index
      %swap3A_534 = tpu.vector_load %arg14[%swap3A_533] {strides = array<i32>} : memref<80xi32, #tpu.memory_space<vmem>>, vector<16xi32>,
      %swap3A_535 = vector.shape_cast %swap3A_534 : vector<16xi32> to vector<16xi32>
      %swap3A_536 = vector.shape_cast %get3A_532 : vector<16xi32> to vector<16xi32>
      tpu.vector_store %arg14[%swap3A_533], %swap3A_536 {strides = array<i32>} : memref<80xi32, #tpu.memory_space<vmem>>, vector<16xi32>,
      %scan3A_537 = arith.constant 4 : i32
      %mul3A_538 = arith.constant 16 : i32
      %mul3A_539 = arith.muli %scan3A_537, %mul3A_538 : i32
      %get3A_540 = arith.index_cast %mul3A_539 : i32 to index
      %get3A_541 = tpu.vector_load %arg13[%get3A_540] {strides = array<i32>} : memref<80xi32, #tpu.memory_space<vmem>>, vector<16xi32>,
      %get3A_542 = vector.shape_cast %get3A_541 : vector<16xi32> to vector<16xi32>
      %swap3A_543 = arith.index_cast %mul3A_539 : i32 to index
      %swap3A_544 = tpu.vector_load %arg14[%swap3A_543] {strides = array<i32>} : memref<80xi32, #tpu.memory_space<vmem>>, vector<16xi32>,
      %swap3A_545 = vector.shape_cast %swap3A_544 : vector<16xi32> to vector<16xi32>
      %swap3A_546 = vector.shape_cast %get3A_542 : vector<16xi32> to vector<16xi32>
      tpu.vector_store %arg14[%swap3A_543], %swap3A_546 {strides = array<i32>} : memref<80xi32, #tpu.memory_space<vmem>>, vector<16xi32>,
      %scan3A_547 = arith.constant 5 : i32
      %dma_start3A_548 = arith.constant 0 : i32
      %dma_start3A_549 = arith.constant 0 : i32
      %dma_start3A_550 = tpu.memref_slice %arg18[%dma_start3A_548, %dma_start3A_549] : memref<10240x80xf32, #tpu.memory_space<vmem_shared>> -> memref<10240x80xf32, #tpu.memory_space<vmem_shared>>
      tpu.enqueue_indirect_dma source(%arg17 : memref<80x80xf32, #tpu.memory_space<vmem>>) target(%dma_start3A_550 : memref<10240x80xf32, #tpu.memory_space<vmem_shared>>) offsets(%arg14 : memref<80xi32, #tpu.memory_space<vmem>>) semaphore(%arg24 : memref<!tpu.dma_semaphore, #tpu.memory_space<semaphore_mem>>) {add = true}
      %add3A_551 = arith.constant 2 : i32
      %add3A_552 = arith.addi %add3A_471, %add3A_551 : i32
      %lt3A_553 = arith.constant 250 : i32
      %lt3A_554 = arith.cmpi slt, %add3A_552, %lt3A_553 : i32
      %convert_element_type3A_555 = arith.extui %lt3A_554 : i1 to i32
      %cond3A_556 = arith.constant 0 : i32
      %cond3A_557 = arith.cmpi ne, %convert_element_type3A_555, %cond3A_556 : i32
      scf.if %cond3A_557 {
        %add3A_558 = arith.constant 2 : i32
        %add3A_559 = arith.addi %add3A_471, %add3A_558 : i32
        %mul3A_560 = arith.constant 80 : i32
        %mul3A_561 = arith.muli %add3A_559, %mul3A_560 : i32
        %add3A_562 = arith.addi %mul3A_48, %mul3A_561 : i32
        %jit3A_563 = arith.constant 6400 : i32
        %eq3A_564 = arith.constant 0 : i32
        %eq3A_565 = arith.cmpi eq, %jit3A_563, %eq3A_564 : i32
        %jit3A_566 = arith.constant 1 : i32
        %select_n3A_567 = arith.select %eq3A_565, %jit3A_566, %jit3A_563 : i32
        %rem3A_568 = arith.remsi %add3A_562, %select_n3A_567 : i32
        %ne3A_569 = arith.constant 0 : i32
        %ne3A_570 = arith.cmpi ne, %rem3A_568, %ne3A_569 : i32
        %lt3A_571 = arith.constant 0 : i32
        %lt3A_572 = arith.cmpi slt, %rem3A_568, %lt3A_571 : i32
        %lt3A_573 = arith.constant 0 : i32
        %lt3A_574 = arith.cmpi slt, %select_n3A_567, %lt3A_573 : i32
        %ne3A_575 = arith.xori %lt3A_572, %lt3A_574 : i1
        %and3A_576 = arith.andi %ne3A_575, %ne3A_570 : i1
        %add3A_577 = arith.addi %rem3A_568, %select_n3A_567 : i32
        %select_n3A_578 = arith.select %and3A_576, %add3A_577, %rem3A_568 : i32
        %mul3A_579 = arith.constant 160000 : i32
        %mul3A_580 = arith.muli %arg0, %mul3A_579 : i32
        %jit3A_581 = arith.constant 6400 : i32
        %div3A_582 = arith.divsi %add3A_562, %jit3A_581 : i32
        %sign3A_583 = arith.constant 0 : i32
        %sign3A_584 = arith.cmpi sgt, %add3A_562, %sign3A_583 : i32
        %sign3A_585 = arith.extui %sign3A_584 : i1 to i32
        %sign3A_586 = arith.constant 0 : i32
        %sign3A_587 = arith.cmpi slt, %add3A_562, %sign3A_586 : i32
        %sign3A_588 = arith.extui %sign3A_587 : i1 to i32
        %sign3A_589 = arith.subi %sign3A_585, %sign3A_588 : i32
        %sign3A_590 = arith.constant 0 : i32
        %sign3A_591 = arith.cmpi sgt, %jit3A_581, %sign3A_590 : i32
        %sign3A_592 = arith.extui %sign3A_591 : i1 to i32
        %sign3A_593 = arith.constant 0 : i32
        %sign3A_594 = arith.cmpi slt, %jit3A_581, %sign3A_593 : i32
        %sign3A_595 = arith.extui %sign3A_594 : i1 to i32
        %sign3A_596 = arith.subi %sign3A_592, %sign3A_595 : i32
        %ne3A_597 = arith.cmpi ne, %sign3A_589, %sign3A_596 : i32
        %rem3A_598 = arith.remsi %add3A_562, %jit3A_581 : i32
        %ne3A_599 = arith.constant 0 : i32
        %ne3A_600 = arith.cmpi ne, %rem3A_598, %ne3A_599 : i32
        %and3A_601 = arith.andi %ne3A_597, %ne3A_600 : i1
        %sub3A_602 = arith.constant 1 : i32
        %sub3A_603 = arith.subi %div3A_582, %sub3A_602 : i32
        %select_n3A_604 = arith.select %and3A_601, %sub3A_603, %div3A_582 : i32
        %mul3A_605 = arith.constant 3200 : i32
        %mul3A_606 = arith.muli %select_n3A_604, %mul3A_605 : i32
        %add3A_607 = arith.addi %mul3A_580, %mul3A_606 : i32
        %jit3A_608 = arith.constant 3200 : i32
        %eq3A_609 = arith.constant 0 : i32
        %eq3A_610 = arith.cmpi eq, %jit3A_608, %eq3A_609 : i32
        %jit3A_611 = arith.constant 1 : i32
        %select_n3A_612 = arith.select %eq3A_610, %jit3A_611, %jit3A_608 : i32
        %rem3A_613 = arith.remsi %select_n3A_578, %select_n3A_612 : i32
        %ne3A_614 = arith.constant 0 : i32
        %ne3A_615 = arith.cmpi ne, %rem3A_613, %ne3A_614 : i32
        %lt3A_616 = arith.constant 0 : i32
        %lt3A_617 = arith.cmpi slt, %rem3A_613, %lt3A_616 : i32
        %lt3A_618 = arith.constant 0 : i32
        %lt3A_619 = arith.cmpi slt, %select_n3A_612, %lt3A_618 : i32
        %ne3A_620 = arith.xori %lt3A_617, %lt3A_619 : i1
        %and3A_621 = arith.andi %ne3A_620, %ne3A_615 : i1
        %add3A_622 = arith.addi %rem3A_613, %select_n3A_612 : i32
        %select_n3A_623 = arith.select %and3A_621, %add3A_622, %rem3A_613 : i32
        %add3A_624 = arith.addi %add3A_607, %select_n3A_623 : i32
        %jit3A_625 = arith.constant 3200 : i32
        %div3A_626 = arith.divsi %select_n3A_578, %jit3A_625 : i32
        %sign3A_627 = arith.constant 0 : i32
        %sign3A_628 = arith.cmpi sgt, %select_n3A_578, %sign3A_627 : i32
        %sign3A_629 = arith.extui %sign3A_628 : i1 to i32
        %sign3A_630 = arith.constant 0 : i32
        %sign3A_631 = arith.cmpi slt, %select_n3A_578, %sign3A_630 : i32
        %sign3A_632 = arith.extui %sign3A_631 : i1 to i32
        %sign3A_633 = arith.subi %sign3A_629, %sign3A_632 : i32
        %sign3A_634 = arith.constant 0 : i32
        %sign3A_635 = arith.cmpi sgt, %jit3A_625, %sign3A_634 : i32
        %sign3A_636 = arith.extui %sign3A_635 : i1 to i32
        %sign3A_637 = arith.constant 0 : i32
        %sign3A_638 = arith.cmpi slt, %jit3A_625, %sign3A_637 : i32
        %sign3A_639 = arith.extui %sign3A_638 : i1 to i32
        %sign3A_640 = arith.subi %sign3A_636, %sign3A_639 : i32
        %ne3A_641 = arith.cmpi ne, %sign3A_633, %sign3A_640 : i32
        %rem3A_642 = arith.remsi %select_n3A_578, %jit3A_625 : i32
        %ne3A_643 = arith.constant 0 : i32
        %ne3A_644 = arith.cmpi ne, %rem3A_642, %ne3A_643 : i32
        %and3A_645 = arith.andi %ne3A_641, %ne3A_644 : i1
        %sub3A_646 = arith.constant 1 : i32
        %sub3A_647 = arith.subi %div3A_626, %sub3A_646 : i32
        %select_n3A_648 = arith.select %and3A_645, %sub3A_647, %div3A_626 : i32
        %dma_start3A_649 = arith.constant 0 : i32
        %dma_start3A_650 = tpu.memref_slice %arg2[%dma_start3A_649, %add3A_562] : memref<2x320000xi32, #tpu.memory_space<hbm>> -> memref<1x80xi32, #tpu.memory_space<hbm>>
        %dma_start3A_651 = tpu.memref_squeeze %dma_start3A_650 : memref<1x80xi32, #tpu.memory_space<hbm>> -> memref<80xi32, #tpu.memory_space<hbm>>
        %dma_start3A_652 = tpu.memref_slice %arg2[%dma_start3A_649, %add3A_562] : memref<2x320000xi32, #tpu.memory_space<hbm>> -> memref<1x80xi32, #tpu.memory_space<hbm>>
        %dma_start3A_653 = tpu.memref_squeeze %dma_start3A_652 : memref<1x80xi32, #tpu.memory_space<hbm>> -> memref<80xi32, #tpu.memory_space<hbm>>
        tpu.enqueue_dma source(%dma_start3A_653 : memref<80xi32, #tpu.memory_space<hbm>>) target(%arg12 : memref<80xi32, #tpu.memory_space<vmem>>) target_semaphore(%arg20 : memref<!tpu.dma_semaphore, #tpu.memory_space<semaphore_mem>>)
        %dma_start3A_654 = arith.constant 1 : i32
        %dma_start3A_655 = tpu.memref_slice %arg2[%dma_start3A_654, %add3A_562] : memref<2x320000xi32, #tpu.memory_space<hbm>> -> memref<1x80xi32, #tpu.memory_space<hbm>>
        %dma_start3A_656 = tpu.memref_squeeze %dma_start3A_655 : memref<1x80xi32, #tpu.memory_space<hbm>> -> memref<80xi32, #tpu.memory_space<hbm>>
        %dma_start3A_657 = tpu.memref_slice %arg2[%dma_start3A_654, %add3A_562] : memref<2x320000xi32, #tpu.memory_space<hbm>> -> memref<1x80xi32, #tpu.memory_space<hbm>>
        %dma_start3A_658 = tpu.memref_squeeze %dma_start3A_657 : memref<1x80xi32, #tpu.memory_space<hbm>> -> memref<80xi32, #tpu.memory_space<hbm>>
        tpu.enqueue_dma source(%dma_start3A_658 : memref<80xi32, #tpu.memory_space<hbm>>) target(%arg13 : memref<80xi32, #tpu.memory_space<vmem>>) target_semaphore(%arg20 : memref<!tpu.dma_semaphore, #tpu.memory_space<semaphore_mem>>)
        %mul3A_659 = arith.constant 64 : i32
        %mul3A_660 = arith.muli %select_n3A_648, %mul3A_659 : i32
        %dma_start3A_661 = tpu.memref_slice %arg3[%add3A_624, %mul3A_660] : memref<320000x128xf32, #tpu.memory_space<hbm>> -> memref<80x64xf32, #tpu.memory_space<hbm>>
        %dma_start3A_662 = tpu.memref_slice %arg3[%add3A_624, %mul3A_660] : memref<320000x128xf32, #tpu.memory_space<hbm>> -> memref<80x64xf32, #tpu.memory_space<hbm>>
        tpu.enqueue_dma source(%dma_start3A_662 : memref<80x64xf32, #tpu.memory_space<hbm>>) target(%arg15 : memref<80x64xf32, #tpu.memory_space<vmem>>) target_semaphore(%arg20 : memref<!tpu.dma_semaphore, #tpu.memory_space<semaphore_mem>>)
      } else {
      }
    }
    %scan3A_336 = arith.constant 125 : i32
    %dma_wait3A_337 = arith.constant 0 : i32
    %dma_wait3A_338 = arith.constant 0 : i32
    %dma_wait3A_339 = tpu.memref_slice %arg18[%dma_wait3A_337, %dma_wait3A_338] : memref<10240x80xf32, #tpu.memory_space<vmem_shared>> -> memref<80x80xf32, #tpu.memory_space<vmem_shared>>
    %dma_wait3A_340 = arith.constant 0 : i32
    %dma_wait3A_341 = arith.constant 0 : i32
    %dma_wait3A_342 = tpu.memref_slice %arg18[%dma_wait3A_340, %dma_wait3A_341] : memref<10240x80xf32, #tpu.memory_space<vmem_shared>> -> memref<80x80xf32, #tpu.memory_space<vmem_shared>>
    tpu.wait_dma2 semaphore(%arg23 : memref<!tpu.dma_semaphore, #tpu.memory_space<semaphore_mem>>) src(%arg11 : memref<80x80xf32, #tpu.memory_space<vmem>>) dst(%dma_wait3A_342 : memref<80x80xf32, #tpu.memory_space<vmem_shared>>)
    %dma_wait3A_343 = arith.constant 0 : i32
    %dma_wait3A_344 = arith.constant 0 : i32
    %dma_wait3A_345 = tpu.memref_slice %arg18[%dma_wait3A_343, %dma_wait3A_344] : memref<10240x80xf32, #tpu.memory_space<vmem_shared>> -> memref<80x80xf32, #tpu.memory_space<vmem_shared>>
    %dma_wait3A_346 = arith.constant 0 : i32
    %dma_wait3A_347 = arith.constant 0 : i32
    %dma_wait3A_348 = tpu.memref_slice %arg18[%dma_wait3A_346, %dma_wait3A_347] : memref<10240x80xf32, #tpu.memory_space<vmem_shared>> -> memref<80x80xf32, #tpu.memory_space<vmem_shared>>
    tpu.wait_dma2 semaphore(%arg24 : memref<!tpu.dma_semaphore, #tpu.memory_space<semaphore_mem>>) src(%arg17 : memref<80x80xf32, #tpu.memory_space<vmem>>) dst(%dma_wait3A_348 : memref<80x80xf32, #tpu.memory_space<vmem_shared>>)
    %barrier3A_349 = arith.constant 0 : index
    tpu.barrier barrier_id(%barrier3A_349)
    %mul3A_350 = arith.constant 640 : i32
    %mul3A_351 = arith.muli %arg1, %mul3A_350 : i32
    %add3A_352 = arith.constant 0 : i32
    %add3A_353 = arith.addi %mul3A_351, %add3A_352 : i32
    "tpu.region"() ({
      %run_scoped3A = tpu.sem_alloc : memref<!tpu.dma_semaphore, #tpu.memory_space<semaphore_mem>>
      %dma_start3A_382 = arith.constant 0 : i32
      %dma_start3A_383 = tpu.memref_slice %arg18[%add3A_353, %dma_start3A_382] : memref<10240x80xf32, #tpu.memory_space<vmem_shared>> -> memref<80x80xf32, #tpu.memory_space<vmem_shared>>
      %dma_start3A_384 = arith.constant 0 : i32
      %dma_start3A_385 = tpu.memref_slice %arg18[%add3A_353, %dma_start3A_384] : memref<10240x80xf32, #tpu.memory_space<vmem_shared>> -> memref<80x80xf32, #tpu.memory_space<vmem_shared>>
      tpu.enqueue_dma source(%dma_start3A_385 : memref<80x80xf32, #tpu.memory_space<vmem_shared>>) target(%arg11 : memref<80x80xf32, #tpu.memory_space<vmem>>) target_semaphore(%run_scoped3A : memref<!tpu.dma_semaphore, #tpu.memory_space<semaphore_mem>>)
      %dma_wait3A_386 = arith.constant 0 : i32
      %dma_wait3A_387 = tpu.memref_slice %arg18[%add3A_353, %dma_wait3A_386] : memref<10240x80xf32, #tpu.memory_space<vmem_shared>> -> memref<80x80xf32, #tpu.memory_space<vmem_shared>>
      %dma_wait3A_388 = arith.constant 0 : i32
      %dma_wait3A_389 = tpu.memref_slice %arg18[%add3A_353, %dma_wait3A_388] : memref<10240x80xf32, #tpu.memory_space<vmem_shared>> -> memref<80x80xf32, #tpu.memory_space<vmem_shared>>
      tpu.wait_dma2 semaphore(%run_scoped3A : memref<!tpu.dma_semaphore, #tpu.memory_space<semaphore_mem>>) src(%dma_wait3A_389 : memref<80x80xf32, #tpu.memory_space<vmem_shared>>) dst(%arg11 : memref<80x80xf32, #tpu.memory_space<vmem>>)
      tpu.yield
    }) : () -> ()
    "tpu.region"() ({
      %run_scoped3A = tpu.sem_alloc : memref<!tpu.dma_semaphore, #tpu.memory_space<semaphore_mem>>
      %dma_start3A_382 = arith.constant 0 : i32
      %dma_start3A_383 = tpu.memref_slice %arg5[%arg0, %add3A_353, %dma_start3A_382] : memref<2x10240x80xf32, #tpu.memory_space<hbm>> -> memref<1x80x80xf32, #tpu.memory_space<hbm>>
      %dma_start3A_384 = tpu.memref_squeeze %dma_start3A_383 : memref<1x80x80xf32, #tpu.memory_space<hbm>> -> memref<80x80xf32, #tpu.memory_space<hbm>>
      %dma_start3A_385 = arith.constant 0 : i32
      %dma_start3A_386 = tpu.memref_slice %arg5[%arg0, %add3A_353, %dma_start3A_385] : memref<2x10240x80xf32, #tpu.memory_space<hbm>> -> memref<1x80x80xf32, #tpu.memory_space<hbm>>
      %dma_start3A_387 = tpu.memref_squeeze %dma_start3A_386 : memref<1x80x80xf32, #tpu.memory_space<hbm>> -> memref<80x80xf32, #tpu.memory_space<hbm>>
      tpu.enqueue_dma source(%arg11 : memref<80x80xf32, #tpu.memory_space<vmem>>) target(%dma_start3A_387 : memref<80x80xf32, #tpu.memory_space<hbm>>) target_semaphore(%run_scoped3A : memref<!tpu.dma_semaphore, #tpu.memory_space<semaphore_mem>>)
      %dma_wait3A_388 = arith.constant 0 : i32
      %dma_wait3A_389 = tpu.memref_slice %arg5[%arg0, %add3A_353, %dma_wait3A_388] : memref<2x10240x80xf32, #tpu.memory_space<hbm>> -> memref<1x80x80xf32, #tpu.memory_space<hbm>>
      %dma_wait3A_390 = tpu.memref_squeeze %dma_wait3A_389 : memref<1x80x80xf32, #tpu.memory_space<hbm>> -> memref<80x80xf32, #tpu.memory_space<hbm>>
      %dma_wait3A_391 = arith.constant 0 : i32
      %dma_wait3A_392 = tpu.memref_slice %arg5[%arg0, %add3A_353, %dma_wait3A_391] : memref<2x10240x80xf32, #tpu.memory_space<hbm>> -> memref<1x80x80xf32, #tpu.memory_space<hbm>>
      %dma_wait3A_393 = tpu.memref_squeeze %dma_wait3A_392 : memref<1x80x80xf32, #tpu.memory_space<hbm>> -> memref<80x80xf32, #tpu.memory_space<hbm>>
      tpu.wait_dma2 semaphore(%run_scoped3A : memref<!tpu.dma_semaphore, #tpu.memory_space<semaphore_mem>>) src(%arg11 : memref<80x80xf32, #tpu.memory_space<vmem>>) dst(%dma_wait3A_393 : memref<80x80xf32, #tpu.memory_space<hbm>>)
      tpu.yield
    }) : () -> ()
    %mul3A_354 = arith.constant 640 : i32
    %mul3A_355 = arith.muli %arg1, %mul3A_354 : i32
    %add3A_356 = arith.constant 80 : i32
    %add3A_357 = arith.addi %mul3A_355, %add3A_356 : i32
    "tpu.region"() ({
      %run_scoped3A = tpu.sem_alloc : memref<!tpu.dma_semaphore, #tpu.memory_space<semaphore_mem>>
      %dma_start3A_382 = arith.constant 0 : i32
      %dma_start3A_383 = tpu.memref_slice %arg18[%add3A_357, %dma_start3A_382] : memref<10240x80xf32, #tpu.memory_space<vmem_shared>> -> memref<80x80xf32, #tpu.memory_space<vmem_shared>>
      %dma_start3A_384 = arith.constant 0 : i32
      %dma_start3A_385 = tpu.memref_slice %arg18[%add3A_357, %dma_start3A_384] : memref<10240x80xf32, #tpu.memory_space<vmem_shared>> -> memref<80x80xf32, #tpu.memory_space<vmem_shared>>
      tpu.enqueue_dma source(%dma_start3A_385 : memref<80x80xf32, #tpu.memory_space<vmem_shared>>) target(%arg11 : memref<80x80xf32, #tpu.memory_space<vmem>>) target_semaphore(%run_scoped3A : memref<!tpu.dma_semaphore, #tpu.memory_space<semaphore_mem>>)
      %dma_wait3A_386 = arith.constant 0 : i32
      %dma_wait3A_387 = tpu.memref_slice %arg18[%add3A_357, %dma_wait3A_386] : memref<10240x80xf32, #tpu.memory_space<vmem_shared>> -> memref<80x80xf32, #tpu.memory_space<vmem_shared>>
      %dma_wait3A_388 = arith.constant 0 : i32
      %dma_wait3A_389 = tpu.memref_slice %arg18[%add3A_357, %dma_wait3A_388] : memref<10240x80xf32, #tpu.memory_space<vmem_shared>> -> memref<80x80xf32, #tpu.memory_space<vmem_shared>>
      tpu.wait_dma2 semaphore(%run_scoped3A : memref<!tpu.dma_semaphore, #tpu.memory_space<semaphore_mem>>) src(%dma_wait3A_389 : memref<80x80xf32, #tpu.memory_space<vmem_shared>>) dst(%arg11 : memref<80x80xf32, #tpu.memory_space<vmem>>)
      tpu.yield
    }) : () -> ()
    "tpu.region"() ({
      %run_scoped3A = tpu.sem_alloc : memref<!tpu.dma_semaphore, #tpu.memory_space<semaphore_mem>>
      %dma_start3A_382 = arith.constant 0 : i32
      %dma_start3A_383 = tpu.memref_slice %arg5[%arg0, %add3A_357, %dma_start3A_382] : memref<2x10240x80xf32, #tpu.memory_space<hbm>> -> memref<1x80x80xf32, #tpu.memory_space<hbm>>
      %dma_start3A_384 = tpu.memref_squeeze %dma_start3A_383 : memref<1x80x80xf32, #tpu.memory_space<hbm>> -> memref<80x80xf32, #tpu.memory_space<hbm>>
      %dma_start3A_385 = arith.constant 0 : i32
      %dma_start3A_386 = tpu.memref_slice %arg5[%arg0, %add3A_357, %dma_start3A_385] : memref<2x10240x80xf32, #tpu.memory_space<hbm>> -> memref<1x80x80xf32, #tpu.memory_space<hbm>>
      %dma_start3A_387 = tpu.memref_squeeze %dma_start3A_386 : memref<1x80x80xf32, #tpu.memory_space<hbm>> -> memref<80x80xf32, #tpu.memory_space<hbm>>
      tpu.enqueue_dma source(%arg11 : memref<80x80xf32, #tpu.memory_space<vmem>>) target(%dma_start3A_387 : memref<80x80xf32, #tpu.memory_space<hbm>>) target_semaphore(%run_scoped3A : memref<!tpu.dma_semaphore, #tpu.memory_space<semaphore_mem>>)
      %dma_wait3A_388 = arith.constant 0 : i32
      %dma_wait3A_389 = tpu.memref_slice %arg5[%arg0, %add3A_357, %dma_wait3A_388] : memref<2x10240x80xf32, #tpu.memory_space<hbm>> -> memref<1x80x80xf32, #tpu.memory_space<hbm>>
      %dma_wait3A_390 = tpu.memref_squeeze %dma_wait3A_389 : memref<1x80x80xf32, #tpu.memory_space<hbm>> -> memref<80x80xf32, #tpu.memory_space<hbm>>
      %dma_wait3A_391 = arith.constant 0 : i32
      %dma_wait3A_392 = tpu.memref_slice %arg5[%arg0, %add3A_357, %dma_wait3A_391] : memref<2x10240x80xf32, #tpu.memory_space<hbm>> -> memref<1x80x80xf32, #tpu.memory_space<hbm>>
      %dma_wait3A_393 = tpu.memref_squeeze %dma_wait3A_392 : memref<1x80x80xf32, #tpu.memory_space<hbm>> -> memref<80x80xf32, #tpu.memory_space<hbm>>
      tpu.wait_dma2 semaphore(%run_scoped3A : memref<!tpu.dma_semaphore, #tpu.memory_space<semaphore_mem>>) src(%arg11 : memref<80x80xf32, #tpu.memory_space<vmem>>) dst(%dma_wait3A_393 : memref<80x80xf32, #tpu.memory_space<hbm>>)
      tpu.yield
    }) : () -> ()
    %mul3A_358 = arith.constant 640 : i32
    %mul3A_359 = arith.muli %arg1, %mul3A_358 : i32
    %add3A_360 = arith.constant 160 : i32
    %add3A_361 = arith.addi %mul3A_359, %add3A_360 : i32
    "tpu.region"() ({
      %run_scoped3A = tpu.sem_alloc : memref<!tpu.dma_semaphore, #tpu.memory_space<semaphore_mem>>
      %dma_start3A_382 = arith.constant 0 : i32
      %dma_start3A_383 = tpu.memref_slice %arg18[%add3A_361, %dma_start3A_382] : memref<10240x80xf32, #tpu.memory_space<vmem_shared>> -> memref<80x80xf32, #tpu.memory_space<vmem_shared>>
      %dma_start3A_384 = arith.constant 0 : i32
      %dma_start3A_385 = tpu.memref_slice %arg18[%add3A_361, %dma_start3A_384] : memref<10240x80xf32, #tpu.memory_space<vmem_shared>> -> memref<80x80xf32, #tpu.memory_space<vmem_shared>>
      tpu.enqueue_dma source(%dma_start3A_385 : memref<80x80xf32, #tpu.memory_space<vmem_shared>>) target(%arg11 : memref<80x80xf32, #tpu.memory_space<vmem>>) target_semaphore(%run_scoped3A : memref<!tpu.dma_semaphore, #tpu.memory_space<semaphore_mem>>)
      %dma_wait3A_386 = arith.constant 0 : i32
      %dma_wait3A_387 = tpu.memref_slice %arg18[%add3A_361, %dma_wait3A_386] : memref<10240x80xf32, #tpu.memory_space<vmem_shared>> -> memref<80x80xf32, #tpu.memory_space<vmem_shared>>
      %dma_wait3A_388 = arith.constant 0 : i32
      %dma_wait3A_389 = tpu.memref_slice %arg18[%add3A_361, %dma_wait3A_388] : memref<10240x80xf32, #tpu.memory_space<vmem_shared>> -> memref<80x80xf32, #tpu.memory_space<vmem_shared>>
      tpu.wait_dma2 semaphore(%run_scoped3A : memref<!tpu.dma_semaphore, #tpu.memory_space<semaphore_mem>>) src(%dma_wait3A_389 : memref<80x80xf32, #tpu.memory_space<vmem_shared>>) dst(%arg11 : memref<80x80xf32, #tpu.memory_space<vmem>>)
      tpu.yield
    }) : () -> ()
    "tpu.region"() ({
      %run_scoped3A = tpu.sem_alloc : memref<!tpu.dma_semaphore, #tpu.memory_space<semaphore_mem>>
      %dma_start3A_382 = arith.constant 0 : i32
      %dma_start3A_383 = tpu.memref_slice %arg5[%arg0, %add3A_361, %dma_start3A_382] : memref<2x10240x80xf32, #tpu.memory_space<hbm>> -> memref<1x80x80xf32, #tpu.memory_space<hbm>>
      %dma_start3A_384 = tpu.memref_squeeze %dma_start3A_383 : memref<1x80x80xf32, #tpu.memory_space<hbm>> -> memref<80x80xf32, #tpu.memory_space<hbm>>
      %dma_start3A_385 = arith.constant 0 : i32
      %dma_start3A_386 = tpu.memref_slice %arg5[%arg0, %add3A_361, %dma_start3A_385] : memref<2x10240x80xf32, #tpu.memory_space<hbm>> -> memref<1x80x80xf32, #tpu.memory_space<hbm>>
      %dma_start3A_387 = tpu.memref_squeeze %dma_start3A_386 : memref<1x80x80xf32, #tpu.memory_space<hbm>> -> memref<80x80xf32, #tpu.memory_space<hbm>>
      tpu.enqueue_dma source(%arg11 : memref<80x80xf32, #tpu.memory_space<vmem>>) target(%dma_start3A_387 : memref<80x80xf32, #tpu.memory_space<hbm>>) target_semaphore(%run_scoped3A : memref<!tpu.dma_semaphore, #tpu.memory_space<semaphore_mem>>)
      %dma_wait3A_388 = arith.constant 0 : i32
      %dma_wait3A_389 = tpu.memref_slice %arg5[%arg0, %add3A_361, %dma_wait3A_388] : memref<2x10240x80xf32, #tpu.memory_space<hbm>> -> memref<1x80x80xf32, #tpu.memory_space<hbm>>
      %dma_wait3A_390 = tpu.memref_squeeze %dma_wait3A_389 : memref<1x80x80xf32, #tpu.memory_space<hbm>> -> memref<80x80xf32, #tpu.memory_space<hbm>>
      %dma_wait3A_391 = arith.constant 0 : i32
      %dma_wait3A_392 = tpu.memref_slice %arg5[%arg0, %add3A_361, %dma_wait3A_391] : memref<2x10240x80xf32, #tpu.memory_space<hbm>> -> memref<1x80x80xf32, #tpu.memory_space<hbm>>
      %dma_wait3A_393 = tpu.memref_squeeze %dma_wait3A_392 : memref<1x80x80xf32, #tpu.memory_space<hbm>> -> memref<80x80xf32, #tpu.memory_space<hbm>>
      tpu.wait_dma2 semaphore(%run_scoped3A : memref<!tpu.dma_semaphore, #tpu.memory_space<semaphore_mem>>) src(%arg11 : memref<80x80xf32, #tpu.memory_space<vmem>>) dst(%dma_wait3A_393 : memref<80x80xf32, #tpu.memory_space<hbm>>)
      tpu.yield
    }) : () -> ()
    %mul3A_362 = arith.constant 640 : i32
    %mul3A_363 = arith.muli %arg1, %mul3A_362 : i32
    %add3A_364 = arith.constant 240 : i32
    %add3A_365 = arith.addi %mul3A_363, %add3A_364 : i32
    "tpu.region"() ({
      %run_scoped3A = tpu.sem_alloc : memref<!tpu.dma_semaphore, #tpu.memory_space<semaphore_mem>>
      %dma_start3A_382 = arith.constant 0 : i32
      %dma_start3A_383 = tpu.memref_slice %arg18[%add3A_365, %dma_start3A_382] : memref<10240x80xf32, #tpu.memory_space<vmem_shared>> -> memref<80x80xf32, #tpu.memory_space<vmem_shared>>
      %dma_start3A_384 = arith.constant 0 : i32
      %dma_start3A_385 = tpu.memref_slice %arg18[%add3A_365, %dma_start3A_384] : memref<10240x80xf32, #tpu.memory_space<vmem_shared>> -> memref<80x80xf32, #tpu.memory_space<vmem_shared>>
      tpu.enqueue_dma source(%dma_start3A_385 : memref<80x80xf32, #tpu.memory_space<vmem_shared>>) target(%arg11 : memref<80x80xf32, #tpu.memory_space<vmem>>) target_semaphore(%run_scoped3A : memref<!tpu.dma_semaphore, #tpu.memory_space<semaphore_mem>>)
      %dma_wait3A_386 = arith.constant 0 : i32
      %dma_wait3A_387 = tpu.memref_slice %arg18[%add3A_365, %dma_wait3A_386] : memref<10240x80xf32, #tpu.memory_space<vmem_shared>> -> memref<80x80xf32, #tpu.memory_space<vmem_shared>>
      %dma_wait3A_388 = arith.constant 0 : i32
      %dma_wait3A_389 = tpu.memref_slice %arg18[%add3A_365, %dma_wait3A_388] : memref<10240x80xf32, #tpu.memory_space<vmem_shared>> -> memref<80x80xf32, #tpu.memory_space<vmem_shared>>
      tpu.wait_dma2 semaphore(%run_scoped3A : memref<!tpu.dma_semaphore, #tpu.memory_space<semaphore_mem>>) src(%dma_wait3A_389 : memref<80x80xf32, #tpu.memory_space<vmem_shared>>) dst(%arg11 : memref<80x80xf32, #tpu.memory_space<vmem>>)
      tpu.yield
    }) : () -> ()
    "tpu.region"() ({
      %run_scoped3A = tpu.sem_alloc : memref<!tpu.dma_semaphore, #tpu.memory_space<semaphore_mem>>
      %dma_start3A_382 = arith.constant 0 : i32
      %dma_start3A_383 = tpu.memref_slice %arg5[%arg0, %add3A_365, %dma_start3A_382] : memref<2x10240x80xf32, #tpu.memory_space<hbm>> -> memref<1x80x80xf32, #tpu.memory_space<hbm>>
      %dma_start3A_384 = tpu.memref_squeeze %dma_start3A_383 : memref<1x80x80xf32, #tpu.memory_space<hbm>> -> memref<80x80xf32, #tpu.memory_space<hbm>>
      %dma_start3A_385 = arith.constant 0 : i32
      %dma_start3A_386 = tpu.memref_slice %arg5[%arg0, %add3A_365, %dma_start3A_385] : memref<2x10240x80xf32, #tpu.memory_space<hbm>> -> memref<1x80x80xf32, #tpu.memory_space<hbm>>
      %dma_start3A_387 = tpu.memref_squeeze %dma_start3A_386 : memref<1x80x80xf32, #tpu.memory_space<hbm>> -> memref<80x80xf32, #tpu.memory_space<hbm>>
      tpu.enqueue_dma source(%arg11 : memref<80x80xf32, #tpu.memory_space<vmem>>) target(%dma_start3A_387 : memref<80x80xf32, #tpu.memory_space<hbm>>) target_semaphore(%run_scoped3A : memref<!tpu.dma_semaphore, #tpu.memory_space<semaphore_mem>>)
      %dma_wait3A_388 = arith.constant 0 : i32
      %dma_wait3A_389 = tpu.memref_slice %arg5[%arg0, %add3A_365, %dma_wait3A_388] : memref<2x10240x80xf32, #tpu.memory_space<hbm>> -> memref<1x80x80xf32, #tpu.memory_space<hbm>>
      %dma_wait3A_390 = tpu.memref_squeeze %dma_wait3A_389 : memref<1x80x80xf32, #tpu.memory_space<hbm>> -> memref<80x80xf32, #tpu.memory_space<hbm>>
      %dma_wait3A_391 = arith.constant 0 : i32
      %dma_wait3A_392 = tpu.memref_slice %arg5[%arg0, %add3A_365, %dma_wait3A_391] : memref<2x10240x80xf32, #tpu.memory_space<hbm>> -> memref<1x80x80xf32, #tpu.memory_space<hbm>>
      %dma_wait3A_393 = tpu.memref_squeeze %dma_wait3A_392 : memref<1x80x80xf32, #tpu.memory_space<hbm>> -> memref<80x80xf32, #tpu.memory_space<hbm>>
      tpu.wait_dma2 semaphore(%run_scoped3A : memref<!tpu.dma_semaphore, #tpu.memory_space<semaphore_mem>>) src(%arg11 : memref<80x80xf32, #tpu.memory_space<vmem>>) dst(%dma_wait3A_393 : memref<80x80xf32, #tpu.memory_space<hbm>>)
      tpu.yield
    }) : () -> ()
    %mul3A_366 = arith.constant 640 : i32
    %mul3A_367 = arith.muli %arg1, %mul3A_366 : i32
    %add3A_368 = arith.constant 320 : i32
    %add3A_369 = arith.addi %mul3A_367, %add3A_368 : i32
    "tpu.region"() ({
      %run_scoped3A = tpu.sem_alloc : memref<!tpu.dma_semaphore, #tpu.memory_space<semaphore_mem>>
      %dma_start3A_382 = arith.constant 0 : i32
      %dma_start3A_383 = tpu.memref_slice %arg18[%add3A_369, %dma_start3A_382] : memref<10240x80xf32, #tpu.memory_space<vmem_shared>> -> memref<80x80xf32, #tpu.memory_space<vmem_shared>>
      %dma_start3A_384 = arith.constant 0 : i32
      %dma_start3A_385 = tpu.memref_slice %arg18[%add3A_369, %dma_start3A_384] : memref<10240x80xf32, #tpu.memory_space<vmem_shared>> -> memref<80x80xf32, #tpu.memory_space<vmem_shared>>
      tpu.enqueue_dma source(%dma_start3A_385 : memref<80x80xf32, #tpu.memory_space<vmem_shared>>) target(%arg11 : memref<80x80xf32, #tpu.memory_space<vmem>>) target_semaphore(%run_scoped3A : memref<!tpu.dma_semaphore, #tpu.memory_space<semaphore_mem>>)
      %dma_wait3A_386 = arith.constant 0 : i32
      %dma_wait3A_387 = tpu.memref_slice %arg18[%add3A_369, %dma_wait3A_386] : memref<10240x80xf32, #tpu.memory_space<vmem_shared>> -> memref<80x80xf32, #tpu.memory_space<vmem_shared>>
      %dma_wait3A_388 = arith.constant 0 : i32
      %dma_wait3A_389 = tpu.memref_slice %arg18[%add3A_369, %dma_wait3A_388] : memref<10240x80xf32, #tpu.memory_space<vmem_shared>> -> memref<80x80xf32, #tpu.memory_space<vmem_shared>>
      tpu.wait_dma2 semaphore(%run_scoped3A : memref<!tpu.dma_semaphore, #tpu.memory_space<semaphore_mem>>) src(%dma_wait3A_389 : memref<80x80xf32, #tpu.memory_space<vmem_shared>>) dst(%arg11 : memref<80x80xf32, #tpu.memory_space<vmem>>)
      tpu.yield
    }) : () -> ()
    "tpu.region"() ({
      %run_scoped3A = tpu.sem_alloc : memref<!tpu.dma_semaphore, #tpu.memory_space<semaphore_mem>>
      %dma_start3A_382 = arith.constant 0 : i32
      %dma_start3A_383 = tpu.memref_slice %arg5[%arg0, %add3A_369, %dma_start3A_382] : memref<2x10240x80xf32, #tpu.memory_space<hbm>> -> memref<1x80x80xf32, #tpu.memory_space<hbm>>
      %dma_start3A_384 = tpu.memref_squeeze %dma_start3A_383 : memref<1x80x80xf32, #tpu.memory_space<hbm>> -> memref<80x80xf32, #tpu.memory_space<hbm>>
      %dma_start3A_385 = arith.constant 0 : i32
      %dma_start3A_386 = tpu.memref_slice %arg5[%arg0, %add3A_369, %dma_start3A_385] : memref<2x10240x80xf32, #tpu.memory_space<hbm>> -> memref<1x80x80xf32, #tpu.memory_space<hbm>>
      %dma_start3A_387 = tpu.memref_squeeze %dma_start3A_386 : memref<1x80x80xf32, #tpu.memory_space<hbm>> -> memref<80x80xf32, #tpu.memory_space<hbm>>
      tpu.enqueue_dma source(%arg11 : memref<80x80xf32, #tpu.memory_space<vmem>>) target(%dma_start3A_387 : memref<80x80xf32, #tpu.memory_space<hbm>>) target_semaphore(%run_scoped3A : memref<!tpu.dma_semaphore, #tpu.memory_space<semaphore_mem>>)
      %dma_wait3A_388 = arith.constant 0 : i32
      %dma_wait3A_389 = tpu.memref_slice %arg5[%arg0, %add3A_369, %dma_wait3A_388] : memref<2x10240x80xf32, #tpu.memory_space<hbm>> -> memref<1x80x80xf32, #tpu.memory_space<hbm>>
      %dma_wait3A_390 = tpu.memref_squeeze %dma_wait3A_389 : memref<1x80x80xf32, #tpu.memory_space<hbm>> -> memref<80x80xf32, #tpu.memory_space<hbm>>
      %dma_wait3A_391 = arith.constant 0 : i32
      %dma_wait3A_392 = tpu.memref_slice %arg5[%arg0, %add3A_369, %dma_wait3A_391] : memref<2x10240x80xf32, #tpu.memory_space<hbm>> -> memref<1x80x80xf32, #tpu.memory_space<hbm>>
      %dma_wait3A_393 = tpu.memref_squeeze %dma_wait3A_392 : memref<1x80x80xf32, #tpu.memory_space<hbm>> -> memref<80x80xf32, #tpu.memory_space<hbm>>
      tpu.wait_dma2 semaphore(%run_scoped3A : memref<!tpu.dma_semaphore, #tpu.memory_space<semaphore_mem>>) src(%arg11 : memref<80x80xf32, #tpu.memory_space<vmem>>) dst(%dma_wait3A_393 : memref<80x80xf32, #tpu.memory_space<hbm>>)
      tpu.yield
    }) : () -> ()
    %mul3A_370 = arith.constant 640 : i32
    %mul3A_371 = arith.muli %arg1, %mul3A_370 : i32
    %add3A_372 = arith.constant 400 : i32
    %add3A_373 = arith.addi %mul3A_371, %add3A_372 : i32
    "tpu.region"() ({
      %run_scoped3A = tpu.sem_alloc : memref<!tpu.dma_semaphore, #tpu.memory_space<semaphore_mem>>
      %dma_start3A_382 = arith.constant 0 : i32
      %dma_start3A_383 = tpu.memref_slice %arg18[%add3A_373, %dma_start3A_382] : memref<10240x80xf32, #tpu.memory_space<vmem_shared>> -> memref<80x80xf32, #tpu.memory_space<vmem_shared>>
      %dma_start3A_384 = arith.constant 0 : i32
      %dma_start3A_385 = tpu.memref_slice %arg18[%add3A_373, %dma_start3A_384] : memref<10240x80xf32, #tpu.memory_space<vmem_shared>> -> memref<80x80xf32, #tpu.memory_space<vmem_shared>>
      tpu.enqueue_dma source(%dma_start3A_385 : memref<80x80xf32, #tpu.memory_space<vmem_shared>>) target(%arg11 : memref<80x80xf32, #tpu.memory_space<vmem>>) target_semaphore(%run_scoped3A : memref<!tpu.dma_semaphore, #tpu.memory_space<semaphore_mem>>)
      %dma_wait3A_386 = arith.constant 0 : i32
      %dma_wait3A_387 = tpu.memref_slice %arg18[%add3A_373, %dma_wait3A_386] : memref<10240x80xf32, #tpu.memory_space<vmem_shared>> -> memref<80x80xf32, #tpu.memory_space<vmem_shared>>
      %dma_wait3A_388 = arith.constant 0 : i32
      %dma_wait3A_389 = tpu.memref_slice %arg18[%add3A_373, %dma_wait3A_388] : memref<10240x80xf32, #tpu.memory_space<vmem_shared>> -> memref<80x80xf32, #tpu.memory_space<vmem_shared>>
      tpu.wait_dma2 semaphore(%run_scoped3A : memref<!tpu.dma_semaphore, #tpu.memory_space<semaphore_mem>>) src(%dma_wait3A_389 : memref<80x80xf32, #tpu.memory_space<vmem_shared>>) dst(%arg11 : memref<80x80xf32, #tpu.memory_space<vmem>>)
      tpu.yield
    }) : () -> ()
    "tpu.region"() ({
      %run_scoped3A = tpu.sem_alloc : memref<!tpu.dma_semaphore, #tpu.memory_space<semaphore_mem>>
      %dma_start3A_382 = arith.constant 0 : i32
      %dma_start3A_383 = tpu.memref_slice %arg5[%arg0, %add3A_373, %dma_start3A_382] : memref<2x10240x80xf32, #tpu.memory_space<hbm>> -> memref<1x80x80xf32, #tpu.memory_space<hbm>>
      %dma_start3A_384 = tpu.memref_squeeze %dma_start3A_383 : memref<1x80x80xf32, #tpu.memory_space<hbm>> -> memref<80x80xf32, #tpu.memory_space<hbm>>
      %dma_start3A_385 = arith.constant 0 : i32
      %dma_start3A_386 = tpu.memref_slice %arg5[%arg0, %add3A_373, %dma_start3A_385] : memref<2x10240x80xf32, #tpu.memory_space<hbm>> -> memref<1x80x80xf32, #tpu.memory_space<hbm>>
      %dma_start3A_387 = tpu.memref_squeeze %dma_start3A_386 : memref<1x80x80xf32, #tpu.memory_space<hbm>> -> memref<80x80xf32, #tpu.memory_space<hbm>>
      tpu.enqueue_dma source(%arg11 : memref<80x80xf32, #tpu.memory_space<vmem>>) target(%dma_start3A_387 : memref<80x80xf32, #tpu.memory_space<hbm>>) target_semaphore(%run_scoped3A : memref<!tpu.dma_semaphore, #tpu.memory_space<semaphore_mem>>)
      %dma_wait3A_388 = arith.constant 0 : i32
      %dma_wait3A_389 = tpu.memref_slice %arg5[%arg0, %add3A_373, %dma_wait3A_388] : memref<2x10240x80xf32, #tpu.memory_space<hbm>> -> memref<1x80x80xf32, #tpu.memory_space<hbm>>
      %dma_wait3A_390 = tpu.memref_squeeze %dma_wait3A_389 : memref<1x80x80xf32, #tpu.memory_space<hbm>> -> memref<80x80xf32, #tpu.memory_space<hbm>>
      %dma_wait3A_391 = arith.constant 0 : i32
      %dma_wait3A_392 = tpu.memref_slice %arg5[%arg0, %add3A_373, %dma_wait3A_391] : memref<2x10240x80xf32, #tpu.memory_space<hbm>> -> memref<1x80x80xf32, #tpu.memory_space<hbm>>
      %dma_wait3A_393 = tpu.memref_squeeze %dma_wait3A_392 : memref<1x80x80xf32, #tpu.memory_space<hbm>> -> memref<80x80xf32, #tpu.memory_space<hbm>>
      tpu.wait_dma2 semaphore(%run_scoped3A : memref<!tpu.dma_semaphore, #tpu.memory_space<semaphore_mem>>) src(%arg11 : memref<80x80xf32, #tpu.memory_space<vmem>>) dst(%dma_wait3A_393 : memref<80x80xf32, #tpu.memory_space<hbm>>)
      tpu.yield
    }) : () -> ()
    %mul3A_374 = arith.constant 640 : i32
    %mul3A_375 = arith.muli %arg1, %mul3A_374 : i32
    %add3A_376 = arith.constant 480 : i32
    %add3A_377 = arith.addi %mul3A_375, %add3A_376 : i32
    "tpu.region"() ({
      %run_scoped3A = tpu.sem_alloc : memref<!tpu.dma_semaphore, #tpu.memory_space<semaphore_mem>>
      %dma_start3A_382 = arith.constant 0 : i32
      %dma_start3A_383 = tpu.memref_slice %arg18[%add3A_377, %dma_start3A_382] : memref<10240x80xf32, #tpu.memory_space<vmem_shared>> -> memref<80x80xf32, #tpu.memory_space<vmem_shared>>
      %dma_start3A_384 = arith.constant 0 : i32
      %dma_start3A_385 = tpu.memref_slice %arg18[%add3A_377, %dma_start3A_384] : memref<10240x80xf32, #tpu.memory_space<vmem_shared>> -> memref<80x80xf32, #tpu.memory_space<vmem_shared>>
      tpu.enqueue_dma source(%dma_start3A_385 : memref<80x80xf32, #tpu.memory_space<vmem_shared>>) target(%arg11 : memref<80x80xf32, #tpu.memory_space<vmem>>) target_semaphore(%run_scoped3A : memref<!tpu.dma_semaphore, #tpu.memory_space<semaphore_mem>>)
      %dma_wait3A_386 = arith.constant 0 : i32
      %dma_wait3A_387 = tpu.memref_slice %arg18[%add3A_377, %dma_wait3A_386] : memref<10240x80xf32, #tpu.memory_space<vmem_shared>> -> memref<80x80xf32, #tpu.memory_space<vmem_shared>>
      %dma_wait3A_388 = arith.constant 0 : i32
      %dma_wait3A_389 = tpu.memref_slice %arg18[%add3A_377, %dma_wait3A_388] : memref<10240x80xf32, #tpu.memory_space<vmem_shared>> -> memref<80x80xf32, #tpu.memory_space<vmem_shared>>
      tpu.wait_dma2 semaphore(%run_scoped3A : memref<!tpu.dma_semaphore, #tpu.memory_space<semaphore_mem>>) src(%dma_wait3A_389 : memref<80x80xf32, #tpu.memory_space<vmem_shared>>) dst(%arg11 : memref<80x80xf32, #tpu.memory_space<vmem>>)
      tpu.yield
    }) : () -> ()
    "tpu.region"() ({
      %run_scoped3A = tpu.sem_alloc : memref<!tpu.dma_semaphore, #tpu.memory_space<semaphore_mem>>
      %dma_start3A_382 = arith.constant 0 : i32
      %dma_start3A_383 = tpu.memref_slice %arg5[%arg0, %add3A_377, %dma_start3A_382] : memref<2x10240x80xf32, #tpu.memory_space<hbm>> -> memref<1x80x80xf32, #tpu.memory_space<hbm>>
      %dma_start3A_384 = tpu.memref_squeeze %dma_start3A_383 : memref<1x80x80xf32, #tpu.memory_space<hbm>> -> memref<80x80xf32, #tpu.memory_space<hbm>>
      %dma_start3A_385 = arith.constant 0 : i32
      %dma_start3A_386 = tpu.memref_slice %arg5[%arg0, %add3A_377, %dma_start3A_385] : memref<2x10240x80xf32, #tpu.memory_space<hbm>> -> memref<1x80x80xf32, #tpu.memory_space<hbm>>
      %dma_start3A_387 = tpu.memref_squeeze %dma_start3A_386 : memref<1x80x80xf32, #tpu.memory_space<hbm>> -> memref<80x80xf32, #tpu.memory_space<hbm>>
      tpu.enqueue_dma source(%arg11 : memref<80x80xf32, #tpu.memory_space<vmem>>) target(%dma_start3A_387 : memref<80x80xf32, #tpu.memory_space<hbm>>) target_semaphore(%run_scoped3A : memref<!tpu.dma_semaphore, #tpu.memory_space<semaphore_mem>>)
      %dma_wait3A_388 = arith.constant 0 : i32
      %dma_wait3A_389 = tpu.memref_slice %arg5[%arg0, %add3A_377, %dma_wait3A_388] : memref<2x10240x80xf32, #tpu.memory_space<hbm>> -> memref<1x80x80xf32, #tpu.memory_space<hbm>>
      %dma_wait3A_390 = tpu.memref_squeeze %dma_wait3A_389 : memref<1x80x80xf32, #tpu.memory_space<hbm>> -> memref<80x80xf32, #tpu.memory_space<hbm>>
      %dma_wait3A_391 = arith.constant 0 : i32
      %dma_wait3A_392 = tpu.memref_slice %arg5[%arg0, %add3A_377, %dma_wait3A_391] : memref<2x10240x80xf32, #tpu.memory_space<hbm>> -> memref<1x80x80xf32, #tpu.memory_space<hbm>>
      %dma_wait3A_393 = tpu.memref_squeeze %dma_wait3A_392 : memref<1x80x80xf32, #tpu.memory_space<hbm>> -> memref<80x80xf32, #tpu.memory_space<hbm>>
      tpu.wait_dma2 semaphore(%run_scoped3A : memref<!tpu.dma_semaphore, #tpu.memory_space<semaphore_mem>>) src(%arg11 : memref<80x80xf32, #tpu.memory_space<vmem>>) dst(%dma_wait3A_393 : memref<80x80xf32, #tpu.memory_space<hbm>>)
      tpu.yield
    }) : () -> ()
    %mul3A_378 = arith.constant 640 : i32
    %mul3A_379 = arith.muli %arg1, %mul3A_378 : i32
    %add3A_380 = arith.constant 560 : i32
    %add3A_381 = arith.addi %mul3A_379, %add3A_380 : i32
    "tpu.region"() ({
      %run_scoped3A = tpu.sem_alloc : memref<!tpu.dma_semaphore, #tpu.memory_space<semaphore_mem>>
      %dma_start3A_382 = arith.constant 0 : i32
      %dma_start3A_383 = tpu.memref_slice %arg18[%add3A_381, %dma_start3A_382] : memref<10240x80xf32, #tpu.memory_space<vmem_shared>> -> memref<80x80xf32, #tpu.memory_space<vmem_shared>>
      %dma_start3A_384 = arith.constant 0 : i32
      %dma_start3A_385 = tpu.memref_slice %arg18[%add3A_381, %dma_start3A_384] : memref<10240x80xf32, #tpu.memory_space<vmem_shared>> -> memref<80x80xf32, #tpu.memory_space<vmem_shared>>
      tpu.enqueue_dma source(%dma_start3A_385 : memref<80x80xf32, #tpu.memory_space<vmem_shared>>) target(%arg11 : memref<80x80xf32, #tpu.memory_space<vmem>>) target_semaphore(%run_scoped3A : memref<!tpu.dma_semaphore, #tpu.memory_space<semaphore_mem>>)
      %dma_wait3A_386 = arith.constant 0 : i32
      %dma_wait3A_387 = tpu.memref_slice %arg18[%add3A_381, %dma_wait3A_386] : memref<10240x80xf32, #tpu.memory_space<vmem_shared>> -> memref<80x80xf32, #tpu.memory_space<vmem_shared>>
      %dma_wait3A_388 = arith.constant 0 : i32
      %dma_wait3A_389 = tpu.memref_slice %arg18[%add3A_381, %dma_wait3A_388] : memref<10240x80xf32, #tpu.memory_space<vmem_shared>> -> memref<80x80xf32, #tpu.memory_space<vmem_shared>>
      tpu.wait_dma2 semaphore(%run_scoped3A : memref<!tpu.dma_semaphore, #tpu.memory_space<semaphore_mem>>) src(%dma_wait3A_389 : memref<80x80xf32, #tpu.memory_space<vmem_shared>>) dst(%arg11 : memref<80x80xf32, #tpu.memory_space<vmem>>)
      tpu.yield
    }) : () -> ()
    "tpu.region"() ({
      %run_scoped3A = tpu.sem_alloc : memref<!tpu.dma_semaphore, #tpu.memory_space<semaphore_mem>>
      %dma_start3A_382 = arith.constant 0 : i32
      %dma_start3A_383 = tpu.memref_slice %arg5[%arg0, %add3A_381, %dma_start3A_382] : memref<2x10240x80xf32, #tpu.memory_space<hbm>> -> memref<1x80x80xf32, #tpu.memory_space<hbm>>
      %dma_start3A_384 = tpu.memref_squeeze %dma_start3A_383 : memref<1x80x80xf32, #tpu.memory_space<hbm>> -> memref<80x80xf32, #tpu.memory_space<hbm>>
      %dma_start3A_385 = arith.constant 0 : i32
      %dma_start3A_386 = tpu.memref_slice %arg5[%arg0, %add3A_381, %dma_start3A_385] : memref<2x10240x80xf32, #tpu.memory_space<hbm>> -> memref<1x80x80xf32, #tpu.memory_space<hbm>>
      %dma_start3A_387 = tpu.memref_squeeze %dma_start3A_386 : memref<1x80x80xf32, #tpu.memory_space<hbm>> -> memref<80x80xf32, #tpu.memory_space<hbm>>
      tpu.enqueue_dma source(%arg11 : memref<80x80xf32, #tpu.memory_space<vmem>>) target(%dma_start3A_387 : memref<80x80xf32, #tpu.memory_space<hbm>>) target_semaphore(%run_scoped3A : memref<!tpu.dma_semaphore, #tpu.memory_space<semaphore_mem>>)
      %dma_wait3A_388 = arith.constant 0 : i32
      %dma_wait3A_389 = tpu.memref_slice %arg5[%arg0, %add3A_381, %dma_wait3A_388] : memref<2x10240x80xf32, #tpu.memory_space<hbm>> -> memref<1x80x80xf32, #tpu.memory_space<hbm>>
      %dma_wait3A_390 = tpu.memref_squeeze %dma_wait3A_389 : memref<1x80x80xf32, #tpu.memory_space<hbm>> -> memref<80x80xf32, #tpu.memory_space<hbm>>
      %dma_wait3A_391 = arith.constant 0 : i32
      %dma_wait3A_392 = tpu.memref_slice %arg5[%arg0, %add3A_381, %dma_wait3A_391] : memref<2x10240x80xf32, #tpu.memory_space<hbm>> -> memref<1x80x80xf32, #tpu.memory_space<hbm>>
      %dma_wait3A_393 = tpu.memref_squeeze %dma_wait3A_392 : memref<1x80x80xf32, #tpu.memory_space<hbm>> -> memref<80x80xf32, #tpu.memory_space<hbm>>
      tpu.wait_dma2 semaphore(%run_scoped3A : memref<!tpu.dma_semaphore, #tpu.memory_space<semaphore_mem>>) src(%arg11 : memref<80x80xf32, #tpu.memory_space<vmem>>) dst(%dma_wait3A_393 : memref<80x80xf32, #tpu.memory_space<hbm>>)
      tpu.yield
    }) : () -> ()
    return
  }
}

module attributes {stable_mosaic.version = 14 : i64} {
  func.func @_xw_body(%arg0: i32, %arg1: i32, %arg2: memref<2000x128xf32, #tpu.memory_space<vmem>>, %arg3: memref<1x128x64xf32, #tpu.memory_space<vmem>>, %arg4: memref<2000x64xf32, #tpu.memory_space<vmem>>) attributes {dimension_semantics = [#tpu.dimension_semantics<arbitrary>, #tpu.dimension_semantics<arbitrary>], iteration_bounds = array<i64: 2, 5>, scalar_prefetch = 0 : i64, scratch_operands = 0 : i64, tpu.core_type = #tpu.core_type<tc>, window_params = [{transform_indices = @transform_0, window_bounds = array<i64: 2000, 128>}, {transform_indices = @transform_1, window_bounds = array<i64: 1, 128, 64>}, {transform_indices = @transform_2, window_bounds = array<i64: 2000, 64>}]} {
    %get3A = arith.constant 0 : index
    %get3A_0 = arith.constant 0 : index
    %get3A_1 = vector.load %arg2[%get3A, %get3A_0] : memref<2000x128xf32, #tpu.memory_space<vmem>>, vector<2000x128xf32>
    %get3A_2 = arith.constant 0 : index
    %get3A_3 = arith.constant 0 : index
    %get3A_4 = arith.constant 0 : index
    %get3A_5 = vector.load %arg3[%get3A_2, %get3A_3, %get3A_4] : memref<1x128x64xf32, #tpu.memory_space<vmem>>, vector<1x128x64xf32>
    %get3A_6 = vector.shape_cast %get3A_5 : vector<1x128x64xf32> to vector<128x64xf32>
    %dot_general3A = arith.constant dense<0.000000e+00> : vector<2000x64xf32>
    %dot_general3A_7 = tpu.matmul %get3A_1, %get3A_6, %dot_general3A {dimension_numbers = #tpu.dot_dimension_numbers<[1], [0], [0], [1], [0, 0, 1, 1], [], []>, transpose_lhs_hint = false} : vector<2000x128xf32>, vector<128x64xf32>, vector<2000x64xf32> -> vector<2000x64xf32>
    %swap3A = arith.constant 0 : index
    %swap3A_8 = arith.constant 0 : index
    %swap3A_9 = vector.load %arg4[%swap3A, %swap3A_8] : memref<2000x64xf32, #tpu.memory_space<vmem>>, vector<2000x64xf32>
    tpu.vector_store %arg4[%swap3A, %swap3A_8], %dot_general3A_7 {strides = array<i32>} : memref<2000x64xf32, #tpu.memory_space<vmem>>, vector<2000x64xf32>,
    return
  }
  func.func @transform_0(%arg0: i32, %arg1: i32) -> (i32, i32) {
    %c0_i32 = arith.constant 0 : i32
    %c0_i32_0 = arith.constant 0 : i32
    return %arg1, %c0_i32 : i32, i32
  }
  func.func @transform_1(%arg0: i32, %arg1: i32) -> (i32, i32, i32) {
    %c0_i32 = arith.constant 0 : i32
    %c0_i32_0 = arith.constant 0 : i32
    %c0_i32_1 = arith.constant 0 : i32
    return %arg0, %c0_i32, %c0_i32_0 : i32, i32, i32
  }
  func.func @transform_2(%arg0: i32, %arg1: i32) -> (i32, i32) {
    %mul3A = arith.constant 5 : i32
    %mul3A_0 = arith.muli %arg0, %mul3A : i32
    %add3A = arith.addi %mul3A_0, %arg1 : i32
    %c0_i32 = arith.constant 0 : i32
    %c0_i32_1 = arith.constant 0 : i32
    return %add3A, %c0_i32 : i32, i32
  }
}

module attributes {stable_mosaic.version = 14 : i64} {
  func.func @_ew_body(%arg0: i32, %arg1: i32, %arg2: memref<16x6400xf32, #tpu.memory_space<vmem>>, %arg3: memref<1x16x64xf32, #tpu.memory_space<vmem>>, %arg4: memref<1x1x64xf32, #tpu.memory_space<vmem>>, %arg5: memref<3200x128xf32, #tpu.memory_space<vmem>>) attributes {dimension_semantics = [#tpu.dimension_semantics<arbitrary>, #tpu.dimension_semantics<arbitrary>], iteration_bounds = array<i64: 2, 50>, scalar_prefetch = 0 : i64, scratch_operands = 0 : i64, tpu.core_type = #tpu.core_type<tc>, window_params = [{transform_indices = @transform_0, window_bounds = array<i64: 16, 6400>}, {transform_indices = @transform_1, window_bounds = array<i64: 1, 16, 64>}, {transform_indices = @transform_2, window_bounds = array<i64: 1, 1, 64>}, {transform_indices = @transform_3, window_bounds = array<i64: 3200, 128>}]} {
    %get3A = arith.constant 0 : index
    %get3A_0 = arith.constant 0 : index
    %get3A_1 = vector.load %arg2[%get3A, %get3A_0] : memref<16x6400xf32, #tpu.memory_space<vmem>>, vector<16x6400xf32>
    %get3A_2 = arith.constant 0 : index
    %get3A_3 = arith.constant 0 : index
    %get3A_4 = arith.constant 0 : index
    %get3A_5 = vector.load %arg3[%get3A_2, %get3A_3, %get3A_4] : memref<1x16x64xf32, #tpu.memory_space<vmem>>, vector<1x16x64xf32>
    %get3A_6 = vector.shape_cast %get3A_5 : vector<1x16x64xf32> to vector<16x64xf32>
    %dot_general3A = arith.constant dense<0.000000e+00> : vector<6400x64xf32>
    %dot_general3A_7 = tpu.matmul %get3A_1, %get3A_6, %dot_general3A {dimension_numbers = #tpu.dot_dimension_numbers<[0], [0], [1], [1], [0, 1, 1, 1], [], []>, transpose_lhs_hint = false} : vector<16x6400xf32>, vector<16x64xf32>, vector<6400x64xf32> -> vector<6400x64xf32>
    %get3A_8 = arith.constant 0 : index
    %get3A_9 = arith.constant 0 : index
    %get3A_10 = arith.constant 0 : index
    %get3A_11 = vector.load %arg4[%get3A_8, %get3A_9, %get3A_10] : memref<1x1x64xf32, #tpu.memory_space<vmem>>, vector<1x1x64xf32>
    %get3A_12 = vector.shape_cast %get3A_11 : vector<1x1x64xf32> to vector<1x64xf32>
    %add3A = vector.broadcast %get3A_12 : vector<1x64xf32> to vector<6400x64xf32>
    %add3A_13 = arith.addf %dot_general3A_7, %add3A : vector<6400x64xf32>
    %slice3A = vector.extract_strided_slice %add3A_13 {offsets = [0, 0], sizes = [3200, 64], strides = [1, 1]} : vector<6400x64xf32> to vector<3200x64xf32>
    %slice3A_14 = vector.extract_strided_slice %add3A_13 {offsets = [3200, 0], sizes = [3200, 64], strides = [1, 1]} : vector<6400x64xf32> to vector<3200x64xf32>
    %concatenate3A = tpu.concatenate %slice3A, %slice3A_14 in 1 : vector<3200x64xf32>, vector<3200x64xf32> -> vector<3200x128xf32>
    %swap3A = arith.constant 0 : index
    %swap3A_15 = arith.constant 0 : index
    %swap3A_16 = vector.load %arg5[%swap3A, %swap3A_15] : memref<3200x128xf32, #tpu.memory_space<vmem>>, vector<3200x128xf32>
    tpu.vector_store %arg5[%swap3A, %swap3A_15], %concatenate3A {strides = array<i32>} : memref<3200x128xf32, #tpu.memory_space<vmem>>, vector<3200x128xf32>,
    return
  }
  func.func @transform_0(%arg0: i32, %arg1: i32) -> (i32, i32) {
    %c0_i32 = arith.constant 0 : i32
    %c0_i32_0 = arith.constant 0 : i32
    return %c0_i32, %arg1 : i32, i32
  }
  func.func @transform_1(%arg0: i32, %arg1: i32) -> (i32, i32, i32) {
    %c0_i32 = arith.constant 0 : i32
    %c0_i32_0 = arith.constant 0 : i32
    %c0_i32_1 = arith.constant 0 : i32
    return %arg0, %c0_i32, %c0_i32_0 : i32, i32, i32
  }
  func.func @transform_2(%arg0: i32, %arg1: i32) -> (i32, i32, i32) {
    %c0_i32 = arith.constant 0 : i32
    %c0_i32_0 = arith.constant 0 : i32
    %c0_i32_1 = arith.constant 0 : i32
    return %arg0, %c0_i32, %c0_i32_0 : i32, i32, i32
  }
  func.func @transform_3(%arg0: i32, %arg1: i32) -> (i32, i32) {
    %mul3A = arith.constant 50 : i32
    %mul3A_0 = arith.muli %arg0, %mul3A : i32
    %add3A = arith.addi %mul3A_0, %arg1 : i32
    %c0_i32 = arith.constant 0 : i32
    %c0_i32_1 = arith.constant 0 : i32
    return %add3A, %c0_i32 : i32, i32
  }
}

module attributes {stable_mosaic.version = 14 : i64} {
  func.func @_node_body(%arg0: i32, %arg1: memref<1000x128xf32, #tpu.memory_space<vmem>>, %arg2: memref<2x1000x80xf32, #tpu.memory_space<vmem>>, %arg3: memref<1x1x1000xi32, #tpu.memory_space<vmem>>, %arg4: memref<64x16xf32, #tpu.memory_space<vmem>>, %arg5: memref<128x128xf32, #tpu.memory_space<vmem>>, %arg6: memref<1x128xf32, #tpu.memory_space<vmem>>, %arg7: memref<128x128xf32, #tpu.memory_space<vmem>>, %arg8: memref<128x128xf32, #tpu.memory_space<vmem>>, %arg9: memref<16x128xf32, #tpu.memory_space<vmem>>, %arg10: memref<1x128xf32, #tpu.memory_space<vmem>>, %arg11: memref<128x128xf32, #tpu.memory_space<vmem>>, %arg12: memref<1x128xf32, #tpu.memory_space<vmem>>, %arg13: memref<1000x128xf32, #tpu.memory_space<vmem>>) attributes {dimension_semantics = [#tpu.dimension_semantics<arbitrary>], iteration_bounds = array<i64: 10>, scalar_prefetch = 0 : i64, scratch_operands = 0 : i64, tpu.core_type = #tpu.core_type<tc>, window_params = [{transform_indices = @transform_0, window_bounds = array<i64: 1000, 128>}, {transform_indices = @transform_1, window_bounds = array<i64: 2, 1000, 80>}, {transform_indices = @transform_2, window_bounds = array<i64: 1, 1, 1000>}, {pipeline_mode = #tpu.pipeline_mode<synchronous>, transform_indices = @transform_3, window_bounds = array<i64: 64, 16>}, {pipeline_mode = #tpu.pipeline_mode<synchronous>, transform_indices = @transform_4, window_bounds = array<i64: 128, 128>}, {pipeline_mode = #tpu.pipeline_mode<synchronous>, transform_indices = @transform_5, window_bounds = array<i64: 1, 128>}, {pipeline_mode = #tpu.pipeline_mode<synchronous>, transform_indices = @transform_6, window_bounds = array<i64: 128, 128>}, {pipeline_mode = #tpu.pipeline_mode<synchronous>, transform_indices = @transform_7, window_bounds = array<i64: 128, 128>}, {pipeline_mode = #tpu.pipeline_mode<synchronous>, transform_indices = @transform_8, window_bounds = array<i64: 16, 128>}, {pipeline_mode = #tpu.pipeline_mode<synchronous>, transform_indices = @transform_9, window_bounds = array<i64: 1, 128>}, {pipeline_mode = #tpu.pipeline_mode<synchronous>, transform_indices = @transform_10, window_bounds = array<i64: 128, 128>}, {pipeline_mode = #tpu.pipeline_mode<synchronous>, transform_indices = @transform_11, window_bounds = array<i64: 1, 128>}, {transform_indices = @transform_12, window_bounds = array<i64: 1000, 128>}]} {
    %get3A = arith.constant 0 : index
    %get3A_0 = arith.constant 0 : index
    %get3A_1 = arith.constant 0 : index
    %get3A_2 = vector.load %arg2[%get3A, %get3A_0, %get3A_1] : memref<2x1000x80xf32, #tpu.memory_space<vmem>>, vector<1x1000x64xf32>
    %get3A_3 = vector.shape_cast %get3A_2 : vector<1x1000x64xf32> to vector<1000x64xf32>
    %get3A_4 = arith.constant 1 : index
    %get3A_5 = arith.constant 0 : index
    %get3A_6 = arith.constant 0 : index
    %get3A_7 = vector.load %arg2[%get3A_4, %get3A_5, %get3A_6] : memref<2x1000x80xf32, #tpu.memory_space<vmem>>, vector<1x1000x64xf32>
    %get3A_8 = vector.shape_cast %get3A_7 : vector<1x1000x64xf32> to vector<1000x64xf32>
    %concatenate3A = tpu.concatenate %get3A_3, %get3A_8 in 1 : vector<1000x64xf32>, vector<1000x64xf32> -> vector<1000x128xf32>
    %get3A_9 = arith.constant 0 : index
    %get3A_10 = arith.constant 0 : index
    %get3A_11 = arith.constant 64 : index
    %get3A_12 = vector.load %arg2[%get3A_9, %get3A_10, %get3A_11] : memref<2x1000x80xf32, #tpu.memory_space<vmem>>, vector<1x1000x16xf32>
    %get3A_13 = vector.shape_cast %get3A_12 : vector<1x1000x16xf32> to vector<1000x16xf32>
    %reduce_sum3A = arith.constant dense<0.000000e+00> : vector<1000xf32>
    %reduce_sum3A_14 = vector.multi_reduction <add>, %get3A_13, %reduce_sum3A [1] : vector<1000x16xf32> to vector<1000xf32>
    %max3A = arith.constant 1.000000e+00 : f32
    %max3A_15 = vector.broadcast %max3A : f32 to vector<1000xf32>
    %max3A_16 = arith.maximumf %reduce_sum3A_14, %max3A_15 : vector<1000xf32>
    %broadcast_in_dim3A = vector.shape_cast %max3A_16 : vector<1000xf32> to vector<1000x1xf32>
    %div3A = vector.broadcast %broadcast_in_dim3A : vector<1000x1xf32> to vector<1000x128xf32>
    %div3A_17 = arith.divf %concatenate3A, %div3A : vector<1000x128xf32>
    %get3A_18 = arith.constant 0 : index
    %get3A_19 = arith.constant 0 : index
    %get3A_20 = vector.load %arg5[%get3A_18, %get3A_19] : memref<128x128xf32, #tpu.memory_space<vmem>>, vector<128x128xf32>
    %dot_general3A = arith.constant dense<0.000000e+00> : vector<1000x128xf32>
    %dot_general3A_21 = tpu.matmul %div3A_17, %get3A_20, %dot_general3A {dimension_numbers = #tpu.dot_dimension_numbers<[1], [0], [0], [1], [0, 0, 1, 1], [], []>, transpose_lhs_hint = false} : vector<1000x128xf32>, vector<128x128xf32>, vector<1000x128xf32> -> vector<1000x128xf32>
    %get3A_22 = arith.constant 0 : index
    %get3A_23 = arith.constant 0 : index
    %get3A_24 = vector.load %arg6[%get3A_22, %get3A_23] : memref<1x128xf32, #tpu.memory_space<vmem>>, vector<1x128xf32>
    %gt3A = arith.constant 0.000000e+00 : f32
    %gt3A_25 = vector.broadcast %gt3A : f32 to vector<1000xf32>
    %gt3A_26 = arith.cmpf ogt, %reduce_sum3A_14, %gt3A_25 : vector<1000xf32>
    %convert_element_type3A = arith.extui %gt3A_26 : vector<1000xi1> to vector<1000xi32>
    %convert_element_type3A_27 = arith.sitofp %convert_element_type3A : vector<1000xi32> to vector<1000xf32>
    %broadcast_in_dim3A_28 = vector.shape_cast %convert_element_type3A_27 : vector<1000xf32> to vector<1000x1xf32>
    %mul3A = vector.broadcast %get3A_24 : vector<1x128xf32> to vector<1000x128xf32>
    %mul3A_29 = vector.broadcast %broadcast_in_dim3A_28 : vector<1000x1xf32> to vector<1000x128xf32>
    %mul3A_30 = arith.mulf %mul3A, %mul3A_29 : vector<1000x128xf32>
    %add3A = arith.addf %dot_general3A_21, %mul3A_30 : vector<1000x128xf32>
    %get3A_31 = arith.constant 0 : index
    %get3A_32 = arith.constant 0 : index
    %get3A_33 = arith.constant 0 : index
    %get3A_34 = vector.load %arg3[%get3A_31, %get3A_32, %get3A_33] : memref<1x1x1000xi32, #tpu.memory_space<vmem>>, vector<1x1x1000xi32>
    %get3A_35 = vector.shape_cast %get3A_34 : vector<1x1x1000xi32> to vector<1000xi32>
    %broadcast_in_dim3A_36 = vector.shape_cast %get3A_35 : vector<1000xi32> to vector<1000x1xi32>
    %iota3A = tpu.iota {dimensions = array<i32: 1>} : vector<1000x64xi32>
    %eq3A = vector.broadcast %broadcast_in_dim3A_36 : vector<1000x1xi32> to vector<1000x64xi32>
    %eq3A_37 = arith.cmpi eq, %eq3A, %iota3A : vector<1000x64xi32>
    %convert_element_type3A_38 = arith.extui %eq3A_37 : vector<1000x64xi1> to vector<1000x64xi32>
    %convert_element_type3A_39 = arith.sitofp %convert_element_type3A_38 : vector<1000x64xi32> to vector<1000x64xf32>
    %get3A_40 = arith.constant 0 : index
    %get3A_41 = arith.constant 0 : index
    %get3A_42 = vector.load %arg4[%get3A_40, %get3A_41] : memref<64x16xf32, #tpu.memory_space<vmem>>, vector<64x16xf32>
    %dot_general3A_43 = arith.constant dense<0.000000e+00> : vector<1000x16xf32>
    %dot_general3A_44 = tpu.matmul %convert_element_type3A_39, %get3A_42, %dot_general3A_43 {dimension_numbers = #tpu.dot_dimension_numbers<[1], [0], [0], [1], [0, 0, 1, 1], [], []>, transpose_lhs_hint = false} : vector<1000x64xf32>, vector<64x16xf32>, vector<1000x16xf32> -> vector<1000x16xf32>
    %get3A_45 = arith.constant 0 : index
    %get3A_46 = arith.constant 0 : index
    %get3A_47 = vector.load %arg1[%get3A_45, %get3A_46] : memref<1000x128xf32, #tpu.memory_space<vmem>>, vector<1000x128xf32>
    %get3A_48 = arith.constant 0 : index
    %get3A_49 = arith.constant 0 : index
    %get3A_50 = vector.load %arg7[%get3A_48, %get3A_49] : memref<128x128xf32, #tpu.memory_space<vmem>>, vector<128x128xf32>
    %dot_general3A_51 = arith.constant dense<0.000000e+00> : vector<1000x128xf32>
    %dot_general3A_52 = tpu.matmul %get3A_47, %get3A_50, %dot_general3A_51 {dimension_numbers = #tpu.dot_dimension_numbers<[1], [0], [0], [1], [0, 0, 1, 1], [], []>, transpose_lhs_hint = false} : vector<1000x128xf32>, vector<128x128xf32>, vector<1000x128xf32> -> vector<1000x128xf32>
    %get3A_53 = arith.constant 0 : index
    %get3A_54 = arith.constant 0 : index
    %get3A_55 = vector.load %arg8[%get3A_53, %get3A_54] : memref<128x128xf32, #tpu.memory_space<vmem>>, vector<128x128xf32>
    %dot_general3A_56 = arith.constant dense<0.000000e+00> : vector<1000x128xf32>
    %dot_general3A_57 = tpu.matmul %add3A, %get3A_55, %dot_general3A_56 {dimension_numbers = #tpu.dot_dimension_numbers<[1], [0], [0], [1], [0, 0, 1, 1], [], []>, transpose_lhs_hint = false} : vector<1000x128xf32>, vector<128x128xf32>, vector<1000x128xf32> -> vector<1000x128xf32>
    %add3A_58 = arith.addf %dot_general3A_52, %dot_general3A_57 : vector<1000x128xf32>
    %get3A_59 = arith.constant 0 : index
    %get3A_60 = arith.constant 0 : index
    %get3A_61 = vector.load %arg9[%get3A_59, %get3A_60] : memref<16x128xf32, #tpu.memory_space<vmem>>, vector<16x128xf32>
    %dot_general3A_62 = arith.constant dense<0.000000e+00> : vector<1000x128xf32>
    %dot_general3A_63 = tpu.matmul %dot_general3A_44, %get3A_61, %dot_general3A_62 {dimension_numbers = #tpu.dot_dimension_numbers<[1], [0], [0], [1], [0, 0, 1, 1], [], []>, transpose_lhs_hint = false} : vector<1000x16xf32>, vector<16x128xf32>, vector<1000x128xf32> -> vector<1000x128xf32>
    %add3A_64 = arith.addf %add3A_58, %dot_general3A_63 : vector<1000x128xf32>
    %get3A_65 = arith.constant 0 : index
    %get3A_66 = arith.constant 0 : index
    %get3A_67 = vector.load %arg10[%get3A_65, %get3A_66] : memref<1x128xf32, #tpu.memory_space<vmem>>, vector<1x128xf32>
    %add3A_68 = vector.broadcast %get3A_67 : vector<1x128xf32> to vector<1000x128xf32>
    %add3A_69 = arith.addf %add3A_64, %add3A_68 : vector<1000x128xf32>
    %max3A_70 = arith.constant 0.000000e+00 : f32
    %max3A_71 = vector.broadcast %max3A_70 : f32 to vector<1000x128xf32>
    %max3A_72 = arith.maximumf %add3A_69, %max3A_71 : vector<1000x128xf32>
    %get3A_73 = arith.constant 0 : index
    %get3A_74 = arith.constant 0 : index
    %get3A_75 = vector.load %arg11[%get3A_73, %get3A_74] : memref<128x128xf32, #tpu.memory_space<vmem>>, vector<128x128xf32>
    %dot_general3A_76 = arith.constant dense<0.000000e+00> : vector<1000x128xf32>
    %dot_general3A_77 = tpu.matmul %max3A_72, %get3A_75, %dot_general3A_76 {dimension_numbers = #tpu.dot_dimension_numbers<[1], [0], [0], [1], [0, 0, 1, 1], [], []>, transpose_lhs_hint = false} : vector<1000x128xf32>, vector<128x128xf32>, vector<1000x128xf32> -> vector<1000x128xf32>
    %get3A_78 = arith.constant 0 : index
    %get3A_79 = arith.constant 0 : index
    %get3A_80 = vector.load %arg12[%get3A_78, %get3A_79] : memref<1x128xf32, #tpu.memory_space<vmem>>, vector<1x128xf32>
    %add3A_81 = vector.broadcast %get3A_80 : vector<1x128xf32> to vector<1000x128xf32>
    %add3A_82 = arith.addf %dot_general3A_77, %add3A_81 : vector<1000x128xf32>
    %swap3A = arith.constant 0 : index
    %swap3A_83 = arith.constant 0 : index
    %swap3A_84 = vector.load %arg13[%swap3A, %swap3A_83] : memref<1000x128xf32, #tpu.memory_space<vmem>>, vector<1000x128xf32>
    tpu.vector_store %arg13[%swap3A, %swap3A_83], %add3A_82 {strides = array<i32>} : memref<1000x128xf32, #tpu.memory_space<vmem>>, vector<1000x128xf32>,
    return
  }
  func.func @transform_0(%arg0: i32) -> (i32, i32) {
    %c0_i32 = arith.constant 0 : i32
    %c0_i32_0 = arith.constant 0 : i32
    return %arg0, %c0_i32 : i32, i32
  }
  func.func @transform_1(%arg0: i32) -> (i32, i32, i32) {
    %c0_i32 = arith.constant 0 : i32
    %c0_i32_0 = arith.constant 0 : i32
    %c0_i32_1 = arith.constant 0 : i32
    return %c0_i32, %arg0, %c0_i32_0 : i32, i32, i32
  }
  func.func @transform_2(%arg0: i32) -> (i32, i32, i32) {
    %c0_i32 = arith.constant 0 : i32
    %c0_i32_0 = arith.constant 0 : i32
    %c0_i32_1 = arith.constant 0 : i32
    return %arg0, %c0_i32, %c0_i32_0 : i32, i32, i32
  }
  func.func @transform_3(%arg0: i32) -> (i32, i32) {
    %c0_i32 = arith.constant 0 : i32
    %c0_i32_0 = arith.constant 0 : i32
    %c0_i32_1 = arith.constant 0 : i32
    return %c0_i32, %c0_i32_0 : i32, i32
  }
  func.func @transform_4(%arg0: i32) -> (i32, i32) {
    %c0_i32 = arith.constant 0 : i32
    %c0_i32_0 = arith.constant 0 : i32
    %c0_i32_1 = arith.constant 0 : i32
    return %c0_i32, %c0_i32_0 : i32, i32
  }
  func.func @transform_5(%arg0: i32) -> (i32, i32) {
    %c0_i32 = arith.constant 0 : i32
    %c0_i32_0 = arith.constant 0 : i32
    %c0_i32_1 = arith.constant 0 : i32
    return %c0_i32, %c0_i32_0 : i32, i32
  }
  func.func @transform_6(%arg0: i32) -> (i32, i32) {
    %c0_i32 = arith.constant 0 : i32
    %c0_i32_0 = arith.constant 0 : i32
    %c0_i32_1 = arith.constant 0 : i32
    return %c0_i32, %c0_i32_0 : i32, i32
  }
  func.func @transform_7(%arg0: i32) -> (i32, i32) {
    %c0_i32 = arith.constant 0 : i32
    %c0_i32_0 = arith.constant 0 : i32
    %c0_i32_1 = arith.constant 0 : i32
    return %c0_i32, %c0_i32_0 : i32, i32
  }
  func.func @transform_8(%arg0: i32) -> (i32, i32) {
    %c0_i32 = arith.constant 0 : i32
    %c0_i32_0 = arith.constant 0 : i32
    %c0_i32_1 = arith.constant 0 : i32
    return %c0_i32, %c0_i32_0 : i32, i32
  }
  func.func @transform_9(%arg0: i32) -> (i32, i32) {
    %c0_i32 = arith.constant 0 : i32
    %c0_i32_0 = arith.constant 0 : i32
    %c0_i32_1 = arith.constant 0 : i32
    return %c0_i32, %c0_i32_0 : i32, i32
  }
  func.func @transform_10(%arg0: i32) -> (i32, i32) {
    %c0_i32 = arith.constant 0 : i32
    %c0_i32_0 = arith.constant 0 : i32
    %c0_i32_1 = arith.constant 0 : i32
    return %c0_i32, %c0_i32_0 : i32, i32
  }
  func.func @transform_11(%arg0: i32) -> (i32, i32) {
    %c0_i32 = arith.constant 0 : i32
    %c0_i32_0 = arith.constant 0 : i32
    %c0_i32_1 = arith.constant 0 : i32
    return %c0_i32, %c0_i32_0 : i32, i32
  }
  func.func @transform_12(%arg0: i32) -> (i32, i32) {
    %c0_i32 = arith.constant 0 : i32
    %c0_i32_0 = arith.constant 0 : i32
    return %arg0, %c0_i32 : i32, i32
  }
}

</mosaic_0001>

<sc_bundles>
// kernel: kernel.6.cloned.1.call-start
scs
__scs_entry_jumppad:
0x0: {  	(pc) =	sbr.rel $0x88, $3  }
0x1: {  	(tag) =	ssettag $0x0;
	lr =	simm.s32 $0x1  }
0x2: {  	[smem:$0x3F94] =	sst lr;
	_ =	strace $0xD0000000  }
0x3: {  	_ = 	snop  }
0x4: {  	_ = 	snop  }
0x5: {  	_ = 	snop  }
0x6: {  	_ = 	snop  }
0x7: {  	_ = 	snop  }
__scs_overlays_trampoline_lowered:
0x8: {  	[smem:$0x3FA3] =	sst s0  }
0x9: {  	[smem:$0x3FA4] =	sst s1  }
0xa: {  	[smem:$0x3FA5] =	sst s2  }
0xb: {  	[smem:$0x3FA6] =	sst s3  }
0xc: {  	[smem:$0x3FA7] =	sst s4  }
0xd: {  	[smem:$0x3FA8] =	sst s5  }
0xe: {  	[smem:$0x3FA9] =	sst s6  }
0xf: {  	[smem:$0x3FAA] =	sst s7  }
0x10: {  	[smem:$0x3FAB] =	sst s8  }
0x11: {  	[smem:$0x3FAC] =	sst s9;
	s0 =	simm.s32 @!p0 $0x0  }
0x12: {  	s1 =	sld [smem:$0x3F92];
	s0 =	simm.s32 @p0 $0x1  }
0x13: {  	[smem:$0x3FAD] =	sst s0;
	s0 =	simm.s32 @!p1 $0x0  }
0x14: {  	s2 =	sld [smem:$0x3F91];
	s0 =	simm.s32 @p1 $0x1  }
0x15: {  	[smem:$0x3FAE] =	sst s0;
	s0 =	simm.s32 @!p2 $0x0  }
0x16: {  	s3 =	sld [smem:$0x3FDB];
	s0 =	simm.s32 @p2 $0x1  }
0x17: {  	s4 =	simm.s32 $0x1BF5;
	[smem:$0x3FB0] =	sst s0  }
0x18: {  	s0 =	sld [smem:$0x3F93];
	_ =	swait.ge [sflag:s4], $0x0  }
0x19: {  	s7 =	sld [smem:$0x3F94]  }
0x1a: {  	s8 =	sadd.s32 $0xFFFFE003, lr  }
0x1b: {  	s9 =	sadd.s32 $0xFFFFFEF7, lr;
	s5 =	simm.s32 $0xFFFFFFFF;
	p2 =	slt.u32 s8, $0xFFFFF086  }
0x1c: {  	p1 =	slt.u32 s9, $0xF7A;
	s5 =	simm.s32 @!p2 $0x0  }
0x1d: {  	s5 =	simm.s32 @p1 $0x1;
	p0 =	seq.s32 s7, s2  }
0x1e: {  	s7 =	smul.u32 @!p0 $0xF7A, s2;
	p2 =	seq.s32 @!p0 s5, $0x0  }
0x1f: {  	s9 =	smul.u32 $0xF7A, s1;
	s8 =	simm.s32 @!p0 $0x1BF5;
	p2 =	por !p2, p0  }
0x20: {  	[sflag:s8] =	ssyncset.s32 @!p0 $0xFFFFF086;
	s6 =	sadd.s32 @!p0 s3, s7;
	s7 =	simm.s32 @!p0 $0x108  }
0x21: {  	s3 =	sadd.s32 s3, s9;
	s6 =	sadd.s32 @!p0 $0x88, s6;
	s7 =	simm.s32 @p2 $0x1082  }
0x22: {  	[simem:s7], [sflag:s8] =	dma.local @!p0 [hbm:s6], $0xF7A  }
0x23: {  	s9 =	sor.u32 $0xD0000000, s2;
	s6 =	simm.s32 $0x108;
	_ =	swait.ge @!p0 [sflag:s8], $0x0  }
0x24: {  	s3 =	sadd.s32 $0x88, s3;
	s6 =	simm.s32 @!p1 $0x1082;
	[sflag:s4] =	ssyncset.s32 $0xFFFFF086  }
0x25: {  	[simem:s6], [sflag:s4] =	dma.local [hbm:s3], $0xF7A  }
0x26: {  	[smem:$0x3F94] =	sst s1;
	(tag) =	ssettag s2;
	_ =	strace s9  }
0x27: {  	s1 =	sld [smem:$0x3FA4]  }
0x28: {  	s2 =	sld [smem:$0x3FA5]  }
0x29: {  	s4 =	sld [smem:$0x3FA7]  }
0x2a: {  	p0 =	seq.s32 s5, $0x0;
	s5 =	sld [smem:$0x3FA8]  }
0x2b: {  	s6 =	sld [smem:$0x3FA9]  }
0x2c: {  	s7 =	sld [smem:$0x3FAA]  }
0x2d: {  	s3 =	simm.s32 $0x108;
	s8 =	sld [smem:$0x3FAB]  }
0x2e: {  	s3 =	simm.s32 @!p0 $0x1082;
	s9 =	sld [smem:$0x3FAC]  }
0x2f: {  	lr =	sadd.s32 s0, s3;
	s0 =	sld [smem:$0x3FA3]  }
0x30: {  	s3 =	sld [smem:$0x3FA6]  }
0x31: {  	[smem:$0x3FAF] =	sst s10  }
0x32: {  	s10 =	sld [smem:$0x3FAD];
	_ =	sdelay $0x3  }
0x33: {  	p0 =	seq.s32 s10, $0x1;
	s10 =	sld [smem:$0x3FAF];
	_ =	sdelay $0x3  }
0x34: {  	[smem:$0x3FAF] =	sst s10  }
0x35: {  	s10 =	sld [smem:$0x3FAE];
	_ =	sdelay $0x3  }
0x36: {  	p1 =	seq.s32 s10, $0x1;
	s10 =	sld [smem:$0x3FAF];
	_ =	sdelay $0x3  }
0x37: {  	[smem:$0x3FAF] =	sst s10  }
0x38: {  	s10 =	sld [smem:$0x3FB0]  }
0x39: {  	_ = 	snop;
	(pc) =	sbr.ind lr, $3  }
0x3a: {  	_ = 	snop  }
0x3b: {  	_ = 	snop  }
0x3c: {  	p2 =	seq.s32 s10, $0x1;
	s10 =	sld [smem:$0x3FAF]  }
0x3d: {  	_ =	shalt  }
0x3e: {  	_ =	shalt  }
0x3f: {  	_ =	shalt  }
0x40: {  	_ =	shalt  }
0x41: {  	_ =	shalt  }
0x42: {  	_ =	shalt  }
0x43: {  	_ =	shalt  }
0x44: {  	_ =	shalt  }
0x45: {  	_ =	shalt  }
0x46: {  	_ =	shalt  }
0x47: {  	_ =	shalt  }
0x48: {  	_ =	shalt  }
0x49: {  	_ =	shalt  }
0x4a: {  	_ =	shalt  }
0x4b: {  	_ =	shalt  }
0x4c: {  	_ =	shalt  }
0x4d: {  	_ =	shalt  }
0x4e: {  	_ =	shalt  }
0x4f: {  	_ =	shalt  }
0x50: {  	_ =	shalt  }
0x51: {  	_ =	shalt  }
0x52: {  	_ =	shalt  }
0x53: {  	_ =	shalt  }
0x54: {  	_ =	shalt  }
0x55: {  	_ =	shalt  }
0x56: {  	_ =	shalt  }
0x57: {  	_ =	shalt  }
0x58: {  	_ =	shalt  }
0x59: {  	_ =	shalt  }
0x5a: {  	_ =	shalt  }
0x5b: {  	_ =	shalt  }
0x5c: {  	_ =	shalt  }
0x5d: {  	_ =	shalt  }
0x5e: {  	_ =	shalt  }
0x5f: {  	_ =	shalt  }
0x60: {  	_ =	shalt  }
0x61: {  	_ =	shalt  }
0x62: {  	_ =	shalt  }
0x63: {  	_ =	shalt  }
0x64: {  	_ =	shalt  }
0x65: {  	_ =	shalt  }
0x66: {  	_ =	shalt  }
0x67: {  	_ =	shalt  }
0x68: {  	_ =	shalt  }
0x69: {  	_ =	shalt  }
0x6a: {  	_ =	shalt  }
0x6b: {  	_ =	shalt  }
0x6c: {  	_ =	shalt  }
0x6d: {  	_ =	shalt  }
0x6e: {  	_ =	shalt  }
0x6f: {  	_ =	shalt  }
0x70: {  	_ =	shalt  }
0x71: {  	_ =	shalt  }
0x72: {  	_ =	shalt  }
0x73: {  	_ =	shalt  }
0x74: {  	_ =	shalt  }
0x75: {  	_ =	shalt  }
0x76: {  	_ =	shalt  }
0x77: {  	_ =	shalt  }
0x78: {  	_ =	shalt  }
0x79: {  	_ =	shalt  }
0x7a: {  	_ =	shalt  }
0x7b: {  	_ =	shalt  }
0x7c: {  	_ =	shalt  }
0x7d: {  	_ =	shalt  }
0x7e: {  	_ =	shalt  }
0x7f: {  	_ =	shalt  }
0x80: {  	_ =	shalt  }
0x81: {  	_ =	shalt  }
0x82: {  	_ =	shalt  }
0x83: {  	_ =	shalt  }
0x84: {  	_ =	shalt  }
0x85: {  	_ =	shalt  }
0x86: {  	_ =	shalt  }
0x87: {  	_ =	shalt  }
.Lfunc_end0:
.L_simem_size_0:
called_computation_lowered:
.L_overlay_start_0:
0x88: {  	s2 =	sld [smem:$0x3FD9]  }
0x89: {  	s3 =	sld [smem:$0x3FFE];
	_ =	sdelay $0x1  }
0x8a: {  	s1 =	srdreg.scid  }
0x8b: {  	s0 =	sand.u32 $0x1, s1  }
0x8c: {  	s17 =	sshll.u32 s0, $0xA;
	s2 =	sadd.s32 s3, s2  }
0x8d: {  	s2 =	sadd.s32 s2, s17  }
0x8e: {  	[smem:$0x3FBB] =	sst s2  }
0x8f: {  	_ = 	snop  }
0x90: {  	s2 =	sld [smem:$0x3FD0];
	(tm) =	ssettm $0x1  }
0x91: {  	s18 =	sld [smem:$0x3FFB];
	_ =	sdelay $0x3  }
0x92: {  	_ =	strace s18  }
0x93: {  	s3 =	sld [smem:$0x3FFC];
	_ =	sdelay $0x3  }
0x94: {  	_ =	strace s3  }
0x95: {  	s3 =	sld [smem:$0x3FFD];
	_ =	sdelay $0x3  }
0x96: {  	_ =	strace s3  }
0x97: {  	_ =	strace $0x8FFFFFFF  }
0x98: {  	s19 =	sld [smem:$0x3FDB];
	_ =	sdelay $0x1  }
0x99: {  	s4 =	simm.s32 $_scs_section_size  }
0x9a: {  	s5 =	simm.s32 $_size__tile_overlayer_lowered;
	s6 =	simm.s32 $_tile_overlayer_lowered  }
0x9b: {  	s22 =	simm.s32 $0x1BFF;
	s21 =	sshll.u32 s6, $0x1;
	s3 =	sadd.s32 s4, s19  }
0x9c: {  	s7 =	simm.s32 $0x0;
	s20 =	sshll.u32 s5, $0x1;
	s5 =	sadd.s32 s21, s3  }
0x9d: {  	[timem:s7], [sflag:s22] =	dma.local [hbm:s5], s20  }
0x9e: {  	_ =	swait.ge [sflag:s22], s20  }
0x9f: {  	s4 =	ssub.s32 $0x0, s20;
	[sflag:s22] =	ssyncset.done $0x0  }
0xa0: {  	[sflag:s22] =	ssyncadd.s32 s4;
	_ =	sdelay $0x1  }
0xa1: {  	s23 =	simm.s32 $0x1B8B  }
0xa2: {  	_ =	swait.ge [sflag:s23], $0x1  }
0xa3: {  	[sflag:s23] =	ssyncset.done $0x0  }
0xa4: {  	s25 =	simm.s32 $0x1B8E;
	s24 =	sld [smem:$0x3FFE];
	[sflag:s23] =	ssyncadd.s32 $0xFFFFFFFF  }
0xa5: {  	s26 =	simm.s32 $execute0_lowered;
	[smem:$0x3FD2] =	sst s25  }
0xa6: {  	s5 =	sshll.u32 s26, $0x1;
	_ =	strace $0x80000046;
	[dreg:$0x1] =	wrdreg $0xFFFFFFFF  }
0xa7: {  	s28 =	simm.s32 $_size_execute0_lowered;
	s3 =	sadd.s32 s3, s5;
	[dreg:$0x0] =	wrdreg $0x0  }
0xa8: {  	s5 =	sshll.u32 s28, $0x1;
	[dreg:$0x2] =	wrdreg s3  }
0xa9: {  	[dreg:$0x3] =	wrdreg s5  }
0xaa: {  	[dreg:$0x4] =	wrdreg $0xC0  }
0xab: {  	_ =	task [dreg:s7], $0x5FFFF  }
0xac: {  	[dreg:$0x1] =	wrdreg $0xFFFFFFFF  }
0xad: {  	[dreg:$0x0] =	wrdreg $0x60  }
0xae: {  	[dreg:$0x2] =	wrdreg s24  }
0xaf: {  	[dreg:$0x3] =	wrdreg s2  }
0xb0: {  	[dreg:$0x4] =	wrdreg $0x83E00  }
0xb1: {  	[dreg:$0x5] =	wrdreg $0x9  }
0xb2: {  	_ =	task.clear_ibuf [dreg:s7], $0x6FFFF;
	_ =	strace $0x90000046  }
0xb3: {  	s29 =	simm.s32 $0x9;
	_ =	strace $0x80000048  }
0xb4: {  	_ =	swait.ge [sflag:s29], $0x1  }
0xb5: {  	[sflag:s29] =	ssyncadd.s32 $0xFFFFFFFF  }
0xb6: {  	_ =	strace $0x90000048  }
0xb7: {  	_ =	sfence  }
0xb8: {  	s30 =	sld [smem:$0x0];
	_ =	sdelay $0x2  }
0xb9: {  	s31 =	sshll.u32 s1, $0xD;
	s1 =	sshrl.u32 s1, $0x2  }
0xba: {  	s3 =	sand.u32 $0x4000, s31;
	s1 =	sadd.s32 s1, s30  }
0xbb: {  	s0 =	sor.u32 s3, s0;
	s1 =	sshll.u32 s1, $0x11  }
0xbc: {  	s0 =	sor.u32 s1, s0  }
0xbd: {  	s0 =	sadd.s32 $0x8F2B, s0  }
0xbe: {  	[sflag:s0] =	ssyncadd.remote.s32 $0x1  }
0xbf: {  	_ =	sfence.sel $0xFFFF  }
0xc0: {  	[dreg:$0x0] =	wrdreg $0xFFFFFFFF;
	(pc) =	sbr.abs _section_cstart, $3  }
0xc1: {  	[dreg:$0x1] =	wrdreg $0xFFFFFFFF  }
0xc2: {  	_ =	task.clear_ibuf [dreg:s7], $0x2FFFF;
	_ =	strace $0x9FFFFFFF  }
0xc3: {  	(tm) =	ssettm $0x7FFFFFFF  }
tec
execute0_lowered:
.L_overlay_start_1:
0x0: {  	(tag) =	ssettag $0x1  }
0x1: {  	s6 =	rddreg [dreg:$0x0]  }
0x2: {  	s1 =	rddreg [dreg:$0x1]  }
0x3: {  	s4 =	stileid.u32;
	s2 =	simm.s32 $0x0;
	s3 =	srdreg.scid  }
0x4: {  	s21 =	simm.s32 $0x40;
	s28 =	simm.s32 $0x42E0;
	s0 =	smul.u32 $0x4E20, s4  }
0x5: {  	s31 =	simm.s32 $0x3;
	s5 =	sand.u32 $0x1, s3;
	s8 =	smul.u32 $0xC800, s4  }
0x6: {  	[smem:$0x7FF] =	sst s2;
	s24 =	ssub.s32 $0x2, s5;
	s3 =	smul.u32 $0x27100, s5  }
0x7: {  	s9 =	sadd.s32 $0x4F7C00, s6;
	s10 =	smulhi.u32 $0x51EB851F, s0;
	s11 =	sshrl.u32 s24, $0x1  }
0x8: {  	s7 =	sadd.s32 $0x50, s0;
	s12 =	sadd.s32 $0x3200, s8;
	s16 =	sadd.s32 $0x4B00, s8  }
0x9: {  	s17 =	sadd.s32 $0x6400, s8;
	s13 =	smulhi.u32 $0x51EB851F, s7;
	s25 =	sshrl.u32 s10, $0xB  }
0xa: {  	s18 =	sadd.s32 $0x7D00, s8;
	s19 =	sadd.s32 $0x9600, s8;
	s14 =	smul.u32 $0x1900, s25  }
0xb: {  	s4 =	ssub.s32 s24, s11;
	s11 =	smul.u32 $0xC80, s25;
	s13 =	sshrl.u32 s13, $0xB  }
0xc: {  	s30 =	sadd.s32 $0xF0, s0;
	s10 =	sadd.s32 $0x1900, s8;
	s15 =	smul.u32 $0x1900, s13  }
0xd: {  	s13 =	smul.u32 $0xC80, s13;
	s14 =	ssub.s32 s0, s14;
	s11 =	sadd.s32 s3, s11  }
0xe: {  	s20 =	sadd.s32 $0xFFFFF380, s14;
	s15 =	ssub.s32 s7, s15;
	p0 =	sgt.u32 s14, $0xC7F  }
0xf: {  	s13 =	sadd.s32 s3, s13;
	s20 =	smin.u32 s14, s20;
	s26 =	sadd.s32 $0xFFFFF380, s15  }
0x10: {  	s21 =	simm.s32 @!p0 $0x0;
	p0 =	sgt.u32 s15, $0xC7F;
	s14 =	smin.u32 s15, s26  }
0x11: {  	s11 =	sadd.s32 s20, s11;
	s15 =	smul.u32 $0xC8000, s5;
	s13 =	sadd.s32 s14, s13  }
0x12: {  	s14 =	simm.s32 $0x40;
	s11 =	sshll.u32 s11, $0x7;
	s13 =	sshll.u32 s13, $0x7  }
0x13: {  	s14 =	simm.s32 @!p0 $0x0;
	s20 =	sor.u32 s21, s11;
	s21 =	sadd.s32 s15, s8  }
0x14: {  	s22 =	sadd.s32 s15, s10;
	s23 =	sadd.s32 s15, s12;
	s13 =	sor.u32 s14, s13  }
0x15: {  	s11 =	sshrl.u32 s21, $0x3;
	s24 =	sshrl.u32 s22, $0x3;
	s25 =	sshrl.u32 s23, $0x3  }
0x16: {  	s14 =	sadd.s32 s15, s16;
	s21 =	sadd.s32 s15, s17;
	s22 =	sadd.s32 s15, s18  }
0x17: {  	s11 =	sadd.s32 s9, s11;
	s26 =	sadd.s32 s9, s25;
	s23 =	sshrl.u32 s21, $0x3  }
0x18: {  	s21 =	sadd.s32 $0xAF00, s8;
	[dreg:$0x4] =	wrdreg s11;
	s11 =	sadd.s32 s9, s24  }
0x19: {  	[dreg:$0x6] =	wrdreg s26;
	s24 =	sshrl.u32 s22, $0x3;
	s26 =	sadd.s32 s15, s19  }
0x1a: {  	[dreg:$0x5] =	wrdreg s11;
	s11 =	sshrl.u32 s14, $0x3;
	s25 =	sadd.s32 s9, s24  }
0x1b: {  	s14 =	sshrl.u32 s26, $0x3;
	s11 =	sadd.s32 s9, s11;
	[dreg:$0x9] =	wrdreg s25  }
0x1c: {  	s15 =	sadd.s32 s15, s21;
	s14 =	sadd.s32 s9, s14;
	[dreg:$0x7] =	wrdreg s11  }
0x1d: {  	s15 =	sshrl.u32 s15, $0x3;
	s11 =	sadd.s32 s9, s23;
	[dreg:$0xa] =	wrdreg s14  }
0x1e: {  	s9 =	sadd.s32 s9, s15;
	s14 =	sadd.s32 $0x2200, s6;
	[dreg:$0x8] =	wrdreg s11  }
0x1f: {  	s15 =	sadd.s32 $0x15C00, s6;
	s6 =	simm.s32 $0x7;
	s11 =	rddreg [dreg:$0x2]  }
0x20: {  	[dreg:$0xb] =	wrdreg s9;
	s9 =	smul.u32 $0x2710, s5;
	s17 =	sadd.s32 s17, s11  }
0x21: {  	_ =	strace $0x80000047;
	s24 =	sadd.s32 s18, s11;
	[dreg:$0x10] =	wrdreg s17  }
0x22: {  	s22 =	sadd.s32 s8, s11;
	s25 =	sadd.s32 s19, s11;
	[dreg:$0x11] =	wrdreg s24  }
0x23: {  	s26 =	sadd.s32 s12, s11;
	s19 =	sadd.s32 $0xA0, s0;
	[dreg:$0x12] =	wrdreg s25  }
0x24: {  	s12 =	sshrl.u32 s20, $0x3;
	s20 =	smax.u32 s4, $0x1;
	[dreg:$0x18] =	wrdreg s19  }
0x25: {  	s23 =	sadd.s32 s10, s11;
	s29 =	sadd.s32 s16, s11;
	[dreg:$0x19] =	wrdreg s20  }
0x26: {  	s21 =	sadd.s32 s21, s11;
	s8 =	sshrl.u32 s0, $0x3;
	[dreg:$0xc] =	wrdreg s22  }
0x27: {  	s16 =	sshrl.u32 s7, $0x3;
	s18 =	sshrl.u32 s13, $0x3;
	[dreg:$0xd] =	wrdreg s23  }
0x28: {  	s0 =	simm.s32 $0x40;
	s7 =	simm.s32 $0x50;
	[dreg:$0xe] =	wrdreg s26  }
0x29: {  	s4 =	simm.s32 $0x56E0;
	s13 =	simm.s32 $0x0;
	[dreg:$0xf] =	wrdreg s29  }
0x2a: {  	s10 =	sadd.s32 s14, s8;
	s5 =	sadd.s32 s15, s12;
	[dreg:$0x13] =	wrdreg s21  }
0x2b: {  	s17 =	sadd.s32 s14, s16;
	s8 =	simm.s32 $0x80;
	[dreg:$0x15] =	wrdreg s5  }
0x2c: {  	s12 =	simm.s32 $0x1;
	s16 =	simm.s32 $0x4;
	[dreg:$0x16] =	wrdreg s17  }
.Ltmp0:
0x2d: {  	s5 =	sadd.s32 s15, s18;
	[dreg:$0x14] =	wrdreg s10;
	(pc) =	sbr.rel .LBB2_1-.Ltmp0, $4  }
0x2e: {  	s19 =	simm.s32 $0x6AE0;
	s24 =	sadd.s32 $0x9C40, s10;
	[dreg:$0x17] =	wrdreg s5  }
0x2f: {  	s25 =	sadd.s32 $0x9C4A, s10;
	s10 =	simm.s32 $0x2;
	[dreg:$0x1a] =	wrdreg s24  }
0x30: {  	v0 =	vimm.f32 $0.0e+00;
	vm0 =	vcmask $0x300;
	s17 =	simm.s32 $0x6;
	s18 =	simm.s32 $0x4290;
	[dreg:$0x1b] =	wrdreg s25  }
0x31: {  	v2 =	vsel vm0, $0x3F800000, v0;
	v1 =	vmov s9;
	s5 =	simm.s32 $0x28F0;
	s25 =	simm.s32 $0x41F0;
	s24 =	simm.s32 $0xA0  }
.LBB2_16:
0x32: {  	s9 =	simm.s32 $0x5  }
0x33: {  	_ =	swait.ge [sflag:s9], $0x1900  }
0x34: {  	[sflag:s9] =	ssyncset.done $0x0  }
0x35: {  	[sflag:s9] =	ssyncadd.s32 $0xFFFFE700  }
0x36: {  	_ =	swait.ge [sflag:s17], $0x1900  }
0x37: {  	[sflag:s17] =	ssyncset.done $0x0  }
0x38: {  	[sflag:s17] =	ssyncadd.s32 $0xFFFFE700  }
0x39: {  	[bflag:$0x0] =	sbarrier.arrive $0xFFFF  }
0x3a: {  	s22 =	rddreg [dreg:$0xc]  }
0x3b: {  	[tilespmem:s5], [sflag:$0x7] =	stream.linear.gather [spmem:s22], $0x1900, $0x38;
	[tilespmem:$0x14BE0] =	vst v63  }
0x3c: {  	_ =	swait.ge [sflag:s6], $0x1900  }
0x3d: {  	[sflag:s6] =	ssyncset.done $0x0  }
0x3e: {  	s26 =	rddreg [dreg:$0x4];
	[sflag:s6] =	ssyncadd.s32 $0xFFFFE700  }
0x3f: {  	[hbm4b:s26+s2] =	stream.linear.scatter [tilespmem:s5], [sflag:$0x7], $0x1900, $0x38;
	[tilespmem:$0x14BE0] =	vst v63  }
0x40: {  	_ =	swait.ge [sflag:s6], $0x1900  }
0x41: {  	[sflag:s6] =	ssyncset.done $0x0  }
0x42: {  	s23 =	rddreg [dreg:$0xd];
	[sflag:s6] =	ssyncadd.s32 $0xFFFFE700  }
0x43: {  	[tilespmem:s5], [sflag:$0x7] =	stream.linear.gather [spmem:s23], $0x1900, $0x38;
	[tilespmem:$0x14BE0] =	vst v63  }
0x44: {  	_ =	swait.ge [sflag:s6], $0x1900  }
0x45: {  	[sflag:s6] =	ssyncset.done $0x0  }
0x46: {  	s13 =	rddreg [dreg:$0x5];
	[sflag:s6] =	ssyncadd.s32 $0xFFFFE700  }
0x47: {  	[hbm4b:s13+s2] =	stream.linear.scatter [tilespmem:s5], [sflag:$0x7], $0x1900, $0x38;
	[tilespmem:$0x14BE0] =	vst v63  }
0x48: {  	_ =	swait.ge [sflag:s6], $0x1900  }
0x49: {  	[sflag:s6] =	ssyncset.done $0x0  }
0x4a: {  	s26 =	rddreg [dreg:$0xe];
	[sflag:s6] =	ssyncadd.s32 $0xFFFFE700  }
0x4b: {  	[tilespmem:s5], [sflag:$0x7] =	stream.linear.gather [spmem:s26], $0x1900, $0x38;
	[tilespmem:$0x14BE0] =	vst v63  }
0x4c: {  	_ =	swait.ge [sflag:s6], $0x1900  }
0x4d: {  	[sflag:s6] =	ssyncset.done $0x0  }
0x4e: {  	s20 =	rddreg [dreg:$0x6];
	[sflag:s6] =	ssyncadd.s32 $0xFFFFE700  }
0x4f: {  	[hbm4b:s20+s2] =	stream.linear.scatter [tilespmem:s5], [sflag:$0x7], $0x1900, $0x38;
	[tilespmem:$0x14BE0] =	vst v63  }
0x50: {  	_ =	swait.ge [sflag:s6], $0x1900  }
0x51: {  	[sflag:s6] =	ssyncset.done $0x0  }
0x52: {  	s29 =	rddreg [dreg:$0xf];
	[sflag:s6] =	ssyncadd.s32 $0xFFFFE700  }
0x53: {  	[tilespmem:s5], [sflag:$0x7] =	stream.linear.gather [spmem:s29], $0x1900, $0x38;
	[tilespmem:$0x14BE0] =	vst v63  }
0x54: {  	_ =	swait.ge [sflag:s6], $0x1900  }
0x55: {  	[sflag:s6] =	ssyncset.done $0x0  }
0x56: {  	s21 =	rddreg [dreg:$0x7];
	[sflag:s6] =	ssyncadd.s32 $0xFFFFE700  }
0x57: {  	[hbm4b:s21+s2] =	stream.linear.scatter [tilespmem:s5], [sflag:$0x7], $0x1900, $0x38;
	[tilespmem:$0x14BE0] =	vst v63  }
0x58: {  	_ =	swait.ge [sflag:s6], $0x1900  }
0x59: {  	[sflag:s6] =	ssyncset.done $0x0  }
0x5a: {  	s13 =	rddreg [dreg:$0x10];
	[sflag:s6] =	ssyncadd.s32 $0xFFFFE700  }
0x5b: {  	[tilespmem:s5], [sflag:$0x7] =	stream.linear.gather [spmem:s13], $0x1900, $0x38;
	[tilespmem:$0x14BE0] =	vst v63  }
0x5c: {  	_ =	swait.ge [sflag:s6], $0x1900  }
0x5d: {  	[sflag:s6] =	ssyncset.done $0x0  }
0x5e: {  	s20 =	rddreg [dreg:$0x8];
	[sflag:s6] =	ssyncadd.s32 $0xFFFFE700  }
0x5f: {  	[hbm4b:s20+s2] =	stream.linear.scatter [tilespmem:s5], [sflag:$0x7], $0x1900, $0x38;
	[tilespmem:$0x14BE0] =	vst v63  }
0x60: {  	_ =	swait.ge [sflag:s6], $0x1900  }
0x61: {  	[sflag:s6] =	ssyncset.done $0x0  }
0x62: {  	s21 =	rddreg [dreg:$0x11];
	[sflag:s6] =	ssyncadd.s32 $0xFFFFE700  }
0x63: {  	[tilespmem:s5], [sflag:$0x7] =	stream.linear.gather [spmem:s21], $0x1900, $0x38;
	[tilespmem:$0x14BE0] =	vst v63  }
0x64: {  	_ =	swait.ge [sflag:s6], $0x1900  }
0x65: {  	[sflag:s6] =	ssyncset.done $0x0  }
0x66: {  	s13 =	rddreg [dreg:$0x9];
	[sflag:s6] =	ssyncadd.s32 $0xFFFFE700  }
0x67: {  	[hbm4b:s13+s2] =	stream.linear.scatter [tilespmem:s5], [sflag:$0x7], $0x1900, $0x38;
	[tilespmem:$0x14BE0] =	vst v63  }
0x68: {  	_ =	swait.ge [sflag:s6], $0x1900  }
0x69: {  	[sflag:s6] =	ssyncset.done $0x0  }
0x6a: {  	s20 =	rddreg [dreg:$0x12];
	[sflag:s6] =	ssyncadd.s32 $0xFFFFE700  }
0x6b: {  	[tilespmem:s5], [sflag:$0x7] =	stream.linear.gather [spmem:s20], $0x1900, $0x38;
	[tilespmem:$0x14BE0] =	vst v63  }
0x6c: {  	_ =	swait.ge [sflag:s6], $0x1900  }
0x6d: {  	[sflag:s6] =	ssyncset.done $0x0  }
0x6e: {  	s21 =	rddreg [dreg:$0xa];
	[sflag:s6] =	ssyncadd.s32 $0xFFFFE700  }
0x6f: {  	[hbm4b:s21+s2] =	stream.linear.scatter [tilespmem:s5], [sflag:$0x7], $0x1900, $0x38;
	[tilespmem:$0x14BE0] =	vst v63  }
0x70: {  	_ =	swait.ge [sflag:s6], $0x1900  }
0x71: {  	[sflag:s6] =	ssyncset.done $0x0  }
0x72: {  	s21 =	rddreg [dreg:$0x13];
	[sflag:s6] =	ssyncadd.s32 $0xFFFFE700  }
0x73: {  	[tilespmem:s5], [sflag:$0x7] =	stream.linear.gather [spmem:s21], $0x1900, $0x38;
	[tilespmem:$0x14BE0] =	vst v63  }
0x74: {  	_ =	swait.ge [sflag:s6], $0x1900  }
0x75: {  	[sflag:s6] =	ssyncset.done $0x0  }
0x76: {  	s13 =	rddreg [dreg:$0xb];
	[sflag:s6] =	ssyncadd.s32 $0xFFFFE700  }
0x77: {  	[hbm4b:s13+s2] =	stream.linear.scatter [tilespmem:s5], [sflag:$0x7], $0x1900, $0x38;
	[tilespmem:$0x14BE0] =	vst v63  }
0x78: {  	_ =	swait.ge [sflag:s6], $0x1900  }
0x79: {  	s13 =	rddreg [dreg:$0x1c]  }
0x7a: {  	s20 =	rddreg [dreg:$0x19];
	s13 =	sadd.s32 $0x1, s13  }
0x7b: {  	p0 =	sne.s32 s13, s20  }
.Ltmp1:
0x7c: {  	_ = 	snop;
	(pc) =	sbr.rel @!p0 .LBB2_17-.Ltmp1, $3  }
0x7d: {  	_ =	sdelay $0x1  }
0x7e: {  	[sflag:s6] =	ssyncset.done $0x0  }
0x7f: {  	[sflag:s6] =	ssyncadd.s32 $0xFFFFE700  }
.LBB2_1:
0x80: {  	[dreg:$0x1c] =	wrdreg s13;
	s13 =	simm.s32 $0x140;
	s9 =	simm.s32 $0x0  }
.LBB2_2:
0x81: {  	p0 =	sne.s32 s13, $0x62C0;
	[tilespmem:s9+$0x2930] =	vst v0;
	s20 =	smov.u32 s13;
	s13 =	sadd.s32 $0x140, s13  }
.Ltmp2:
0x82: {  	[tilespmem:s9+$0x2920] =	vst v0;
	(pc) =	sbr.rel @p0 .LBB2_2-.Ltmp2, $4  }
0x83: {  	[tilespmem:s9+$0x2910] =	vst v0  }
0x84: {  	[tilespmem:s9+$0x28F0] =	vst v0  }
0x85: {  	[tilespmem:s9+$0x2900] =	vst v0  }
0x86: {  	s9 =	sshra.s32 s20, $0x2  }
0x87: {  	[tilespmem:s9+$0x2930] =	vst v0  }
0x88: {  	[tilespmem:s9+$0x2920] =	vst v0  }
0x89: {  	[tilespmem:s9+$0x2910] =	vst v0  }
0x8a: {  	[tilespmem:s9+$0x28F0] =	vst v0  }
0x8b: {  	[tilespmem:s9+$0x2900] =	vst v0  }
0x8c: {  	[spmem:s22] =	stream.linear.scatter [tilespmem:s5], [sflag:$0x7], $0x1900, $0x38;
	[tilespmem:$0x14BE0] =	vst v63  }
0x8d: {  	_ =	swait.ge [sflag:s6], $0x1900  }
0x8e: {  	[sflag:s6] =	ssyncset.done $0x0  }
0x8f: {  	[sflag:s6] =	ssyncadd.s32 $0xFFFFE700  }
0x90: {  	[spmem:s23] =	stream.linear.scatter [tilespmem:s5], [sflag:$0x7], $0x1900, $0x38;
	[tilespmem:$0x14BE0] =	vst v63  }
0x91: {  	_ =	swait.ge [sflag:s6], $0x1900  }
0x92: {  	[sflag:s6] =	ssyncset.done $0x0  }
0x93: {  	[sflag:s6] =	ssyncadd.s32 $0xFFFFE700  }
0x94: {  	[spmem:s26] =	stream.linear.scatter [tilespmem:s5], [sflag:$0x7], $0x1900, $0x38;
	[tilespmem:$0x14BE0] =	vst v63  }
0x95: {  	_ =	swait.ge [sflag:s6], $0x1900  }
0x96: {  	[sflag:s6] =	ssyncset.done $0x0  }
0x97: {  	[sflag:s6] =	ssyncadd.s32 $0xFFFFE700  }
0x98: {  	[spmem:s29] =	stream.linear.scatter [tilespmem:s5], [sflag:$0x7], $0x1900, $0x38;
	[tilespmem:$0x14BE0] =	vst v63  }
0x99: {  	_ =	swait.ge [sflag:s6], $0x1900  }
0x9a: {  	[sflag:s6] =	ssyncset.done $0x0  }
0x9b: {  	s23 =	rddreg [dreg:$0x10];
	[sflag:s6] =	ssyncadd.s32 $0xFFFFE700  }
0x9c: {  	[spmem:s23] =	stream.linear.scatter [tilespmem:s5], [sflag:$0x7], $0x1900, $0x38;
	[tilespmem:$0x14BE0] =	vst v63  }
0x9d: {  	_ =	swait.ge [sflag:s6], $0x1900  }
0x9e: {  	[sflag:s6] =	ssyncset.done $0x0  }
0x9f: {  	s26 =	rddreg [dreg:$0x11];
	[sflag:s6] =	ssyncadd.s32 $0xFFFFE700  }
0xa0: {  	[spmem:s26] =	stream.linear.scatter [tilespmem:s5], [sflag:$0x7], $0x1900, $0x38;
	[tilespmem:$0x14BE0] =	vst v63  }
0xa1: {  	_ =	swait.ge [sflag:s6], $0x1900  }
0xa2: {  	[sflag:s6] =	ssyncset.done $0x0  }
0xa3: {  	s29 =	rddreg [dreg:$0x12];
	[sflag:s6] =	ssyncadd.s32 $0xFFFFE700  }
0xa4: {  	[spmem:s29] =	stream.linear.scatter [tilespmem:s5], [sflag:$0x7], $0x1900, $0x38;
	[tilespmem:$0x14BE0] =	vst v63  }
0xa5: {  	_ =	swait.ge [sflag:s6], $0x1900  }
0xa6: {  	[sflag:s6] =	ssyncset.done $0x0  }
0xa7: {  	[sflag:s6] =	ssyncadd.s32 $0xFFFFE700  }
0xa8: {  	[spmem:s21] =	stream.linear.scatter [tilespmem:s5], [sflag:$0x7], $0x1900, $0x38;
	[tilespmem:$0x14BE0] =	vst v63  }
0xa9: {  	_ =	swait.ge [sflag:s6], $0x1900  }
0xaa: {  	[sflag:s6] =	ssyncset.done $0x0  }
0xab: {  	s9 =	simm.s32 $0x240;
	s13 =	simm.s32 $0x40;
	[sflag:s6] =	ssyncadd.s32 $0xFFFFE700  }
.LBB2_4:
0xac: {  	p0 =	sne.s32 s9, $0x63C0;
	[tilespmem:s13+$0x28F0] =	vst v2;
	s20 =	smov.u32 s9;
	s9 =	sadd.s32 $0x140, s9  }
.Ltmp3:
0xad: {  	[tilespmem:s13+$0x6AE0] =	vst v2;
	(pc) =	sbr.rel @p0 .LBB2_4-.Ltmp3, $2  }
0xae: {  	_ =	sdelay $0x2  }
0xaf: {  	s13 =	sshra.s32 s20, $0x2  }
0xb0: {  	[tilespmem:s13+$0x28F0] =	vst v2  }
0xb1: {  	[tilespmem:s13+$0x6AE0] =	vst v2  }
0xb2: {  	[bflag:$0x0] =	sbarrier.arrive $0xFFFF  }
0xb3: {  	s21 =	simm.s32 $0x0;
	s9 =	rddreg [dreg:$0x14]  }
0xb4: {  	[tilespmem:s21], [sflag:$0x1] =	stream.linear.gather [hbm4b:s9+s21], $0x50, $0x38;
	[tilespmem:$0x14BE0] =	vst v63  }
0xb5: {  	s23 =	rddreg [dreg:$0x1a]  }
0xb6: {  	[tilespmem:s7], [sflag:$0x1] =	stream.linear.gather [hbm4b:s23+s21], $0x50, $0x38;
	[tilespmem:$0x14BE0] =	vst v63  }
0xb7: {  	s29 =	simm.s32 $0xF0;
	s26 =	rddreg [dreg:$0x15]  }
0xb8: {  	[tilespmem:s29], [sflag:$0x1] =	stream.strided.gather [hbm4b:s26+s0], $0x1400, s8, s0, $0x38;
	[tilespmem:$0x14BE0] =	vst v63  }
0xb9: {  	_ =	swait.ge [sflag:s12], $0x50  }
0xba: {  	[sflag:s12] =	ssyncset.done $0x0  }
0xbb: {  	[sflag:s12] =	ssyncadd.s32 $0xFFFFFFB0  }
0xbc: {  	_ =	swait.ge [sflag:s12], $0x50  }
0xbd: {  	[sflag:s12] =	ssyncset.done $0x0  }
0xbe: {  	[sflag:s12] =	ssyncadd.s32 $0xFFFFFFB0  }
0xbf: {  	_ =	swait.ge [sflag:s12], $0x1400  }
0xc0: {  	[sflag:s12] =	ssyncset.done $0x0  }
0xc1: {  	[sflag:s12] =	ssyncadd.s32 $0xFFFFEC00  }
0xc2: {  	v3 =	vld [tilespmem:$0x0]  }
0xc3: {  	v4 =	vld [tilespmem:$0x10]  }
0xc4: {  	v5 =	vld [tilespmem:$0x20]  }
0xc5: {  	v6 =	vld [tilespmem:$0x30]  }
0xc6: {  	v7 =	vld [tilespmem:$0x40]  }
0xc7: {  	v3 =	vadd.s32 v1, v3  }
0xc8: {  	[tilespmem:$0x0] =	vst v3;
	v3 =	vadd.s32 v1, v4  }
0xc9: {  	[tilespmem:$0x10] =	vst v3;
	v3 =	vadd.s32 v1, v5  }
0xca: {  	[tilespmem:$0x20] =	vst v3;
	v3 =	vadd.s32 v1, v6  }
0xcb: {  	[tilespmem:$0x30] =	vst v3;
	v3 =	vadd.s32 v1, v7  }
0xcc: {  	s20 =	simm.s32 $0x14F0;
	[tilespmem:$0x40] =	vst v3  }
0xcd: {  	[tilespmem:s20], [sflag:$0x3] =	stream.indirect.gather [hbm4b:s1+s7], $0x40, s21, s7, $0xb8;
	[tilespmem:$0x14BE0] =	vst v63  }
0xce: {  	s22 =	rddreg [dreg:$0x16]  }
0xcf: {  	[tilespmem:s25], [sflag:$0x2] =	stream.linear.gather [hbm4b:s22+s21], $0x50, $0x38;
	[tilespmem:$0x14BE0] =	vst v63  }
0xd0: {  	s26 =	simm.s32 $0x4240;
	s23 =	rddreg [dreg:$0x1b]  }
0xd1: {  	[tilespmem:s26], [sflag:$0x2] =	stream.linear.gather [hbm4b:s23+s21], $0x50, $0x38;
	[tilespmem:$0x14BE0] =	vst v63  }
0xd2: {  	s29 =	rddreg [dreg:$0x17]  }
0xd3: {  	[tilespmem:s28], [sflag:$0x2] =	stream.strided.gather [hbm4b:s29+s0], $0x1400, s8, s0, $0x38;
	[tilespmem:$0x14BE0] =	vst v63  }
.LBB2_6:
0xd4: {  	_ =	swait.ge [sflag:s31], $0x1400  }
0xd5: {  	[sflag:s31] =	ssyncset.done $0x0  }
0xd6: {  	[sflag:s31] =	ssyncadd.s32 $0xFFFFEC00  }
0xd7: {  	_ =	swait.ge [sflag:s10], $0x50  }
0xd8: {  	[sflag:s10] =	ssyncset.done $0x0  }
0xd9: {  	[sflag:s10] =	ssyncadd.s32 $0xFFFFFFB0  }
0xda: {  	_ =	swait.ge [sflag:s10], $0x50  }
0xdb: {  	[sflag:s10] =	ssyncset.done $0x0  }
0xdc: {  	[sflag:s10] =	ssyncadd.s32 $0xFFFFFFB0  }
0xdd: {  	_ =	swait.ge [sflag:s10], $0x1400  }
0xde: {  	[sflag:s10] =	ssyncset.done $0x0  }
0xdf: {  	[sflag:s10] =	ssyncadd.s32 $0xFFFFEC00  }
0xe0: {  	v3 =	vld [tilespmem:$0x41F0]  }
0xe1: {  	v4 =	vld [tilespmem:$0x4200]  }
0xe2: {  	v5 =	vld [tilespmem:$0x4210]  }
0xe3: {  	v6 =	vld [tilespmem:$0x4220]  }
0xe4: {  	v7 =	vld [tilespmem:$0x4230]  }
0xe5: {  	v3 =	vadd.s32 v1, v3  }
0xe6: {  	[tilespmem:$0x41F0] =	vst v3;
	v3 =	vadd.s32 v1, v4  }
0xe7: {  	[tilespmem:$0x4200] =	vst v3;
	v3 =	vadd.s32 v1, v5  }
0xe8: {  	[tilespmem:$0x4210] =	vst v3;
	v3 =	vadd.s32 v1, v6  }
0xe9: {  	p0 =	seq.s32 s21, $0x0;
	[tilespmem:$0x4220] =	vst v3;
	v3 =	vadd.s32 v1, v7  }
0xea: {  	s9 =	simm.s32 @!p0 $0x5;
	[tilespmem:$0x4230] =	vst v3  }
0xeb: {  	[tilespmem:s4], [sflag:$0x4] =	stream.indirect.gather [hbm4b:s1+s7], $0x40, s25, s7, $0xb8;
	[tilespmem:$0x14BE0] =	vst v63  }
0xec: {  	_ =	swait.ge @!p0 [sflag:s9], $0x1900  }
0xed: {  	[sflag:s9] =	ssyncset.done @!p0 $0x0  }
0xee: {  	s23 =	simm.s32 $0x1570;
	[sflag:s9] =	ssyncadd.s32 @!p0 $0xFFFFE700  }
0xef: {  	s20 =	simm.s32 $0x170;
	v3 =	vld [tilespmem:s23+$0xFFFFFF80]  }
0xf0: {  	v4 =	vld [tilespmem:s20+$0xFFFFFF80];
	_ =	sdelay $0x4  }
0xf1: {  	v3 =	vadd.f32 v4, v3;
	_ =	sdelay $0x1  }
0xf2: {  	s22 =	simm.s32 $0x2990;
	v3 =	vmax.f32 v3, $0.0e+00  }
0xf3: {  	[tilespmem:s22+$0xFFFFFF60] =	vst v3  }
0xf4: {  	v3 =	vld [tilespmem:s23+$0xFFFFFF90]  }
0xf5: {  	v4 =	vld [tilespmem:s20+$0xFFFFFF90];
	_ =	sdelay $0x4  }
0xf6: {  	v3 =	vadd.f32 v4, v3;
	_ =	sdelay $0x1  }
0xf7: {  	v3 =	vmax.f32 v3, $0.0e+00  }
0xf8: {  	[tilespmem:s22+$0xFFFFFF70] =	vst v3  }
0xf9: {  	v3 =	vld [tilespmem:s23+$0xFFFFFFA0]  }
0xfa: {  	v4 =	vld [tilespmem:s20+$0xFFFFFFA0];
	_ =	sdelay $0x4  }
0xfb: {  	v3 =	vadd.f32 v4, v3;
	_ =	sdelay $0x1  }
0xfc: {  	v3 =	vmax.f32 v3, $0.0e+00  }
0xfd: {  	[tilespmem:s22+$0xFFFFFF80] =	vst v3  }
0xfe: {  	v3 =	vld [tilespmem:s23+$0xFFFFFFB0]  }
0xff: {  	v4 =	vld [tilespmem:s20+$0xFFFFFFB0];
	_ =	sdelay $0x4  }
0x100: {  	v3 =	vadd.f32 v4, v3;
	_ =	sdelay $0x1  }
0x101: {  	v3 =	vmax.f32 v3, $0.0e+00  }
0x102: {  	[tilespmem:s22+$0xFFFFFF90] =	vst v3  }
0x103: {  	v3 =	vld [tilespmem:s23+$0xFFFFFFC0]  }
0x104: {  	v4 =	vld [tilespmem:s20+$0xFFFFFFC0];
	_ =	sdelay $0x4  }
0x105: {  	v3 =	vadd.f32 v4, v3;
	_ =	sdelay $0x1  }
0x106: {  	v3 =	vmax.f32 v3, $0.0e+00  }
0x107: {  	[tilespmem:s22+$0xFFFFFFB0] =	vst v3  }
0x108: {  	v3 =	vld [tilespmem:s23+$0xFFFFFFD0]  }
0x109: {  	v4 =	vld [tilespmem:s20+$0xFFFFFFD0];
	_ =	sdelay $0x4  }
0x10a: {  	v3 =	vadd.f32 v4, v3;
	_ =	sdelay $0x1  }
0x10b: {  	v3 =	vmax.f32 v3, $0.0e+00  }
0x10c: {  	[tilespmem:s22+$0xFFFFFFC0] =	vst v3  }
0x10d: {  	v3 =	vld [tilespmem:s23+$0xFFFFFFE0]  }
0x10e: {  	v4 =	vld [tilespmem:s20+$0xFFFFFFE0];
	_ =	sdelay $0x4  }
0x10f: {  	v3 =	vadd.f32 v4, v3;
	_ =	sdelay $0x1  }
0x110: {  	v3 =	vmax.f32 v3, $0.0e+00  }
0x111: {  	[tilespmem:s22+$0xFFFFFFD0] =	vst v3  }
0x112: {  	v3 =	vld [tilespmem:s23+$0xFFFFFFF0]  }
0x113: {  	v4 =	vld [tilespmem:s20+$0xFFFFFFF0];
	_ =	sdelay $0x4  }
0x114: {  	v3 =	vadd.f32 v4, v3;
	_ =	sdelay $0x1  }
0x115: {  	v3 =	vmax.f32 v3, $0.0e+00  }
0x116: {  	[tilespmem:s22+$0xFFFFFFE0] =	vst v3  }
0x117: {  	v3 =	vld [tilespmem:s23+$0x0]  }
0x118: {  	v4 =	vld [tilespmem:s20+$0x0];
	_ =	sdelay $0x4  }
0x119: {  	v3 =	vadd.f32 v4, v3;
	_ =	sdelay $0x1  }
0x11a: {  	v3 =	vmax.f32 v3, $0.0e+00  }
0x11b: {  	[tilespmem:s22+$0x0] =	vst v3  }
0x11c: {  	v3 =	vld [tilespmem:s23+$0x10]  }
0x11d: {  	v4 =	vld [tilespmem:s20+$0x10];
	_ =	sdelay $0x4  }
0x11e: {  	v3 =	vadd.f32 v4, v3;
	_ =	sdelay $0x1  }
0x11f: {  	v3 =	vmax.f32 v3, $0.0e+00  }
0x120: {  	[tilespmem:s22+$0x10] =	vst v3  }
0x121: {  	v3 =	vld [tilespmem:s23+$0x20]  }
0x122: {  	v4 =	vld [tilespmem:s20+$0x20];
	_ =	sdelay $0x4  }
0x123: {  	v3 =	vadd.f32 v4, v3;
	_ =	sdelay $0x1  }
0x124: {  	v3 =	vmax.f32 v3, $0.0e+00  }
0x125: {  	[tilespmem:s22+$0x20] =	vst v3  }
0x126: {  	v3 =	vld [tilespmem:s23+$0x30]  }
0x127: {  	v4 =	vld [tilespmem:s20+$0x30];
	_ =	sdelay $0x4  }
0x128: {  	v3 =	vadd.f32 v4, v3;
	_ =	sdelay $0x1  }
0x129: {  	v3 =	vmax.f32 v3, $0.0e+00  }
0x12a: {  	[tilespmem:s22+$0x30] =	vst v3  }
0x12b: {  	v3 =	vld [tilespmem:s23+$0x40]  }
0x12c: {  	v4 =	vld [tilespmem:s20+$0x40];
	_ =	sdelay $0x4  }
0x12d: {  	v3 =	vadd.f32 v4, v3;
	_ =	sdelay $0x1  }
0x12e: {  	v3 =	vmax.f32 v3, $0.0e+00  }
0x12f: {  	[tilespmem:s22+$0x50] =	vst v3  }
0x130: {  	v3 =	vld [tilespmem:s23+$0x50]  }
0x131: {  	v4 =	vld [tilespmem:s20+$0x50];
	_ =	sdelay $0x4  }
0x132: {  	v3 =	vadd.f32 v4, v3;
	_ =	sdelay $0x1  }
0x133: {  	v3 =	vmax.f32 v3, $0.0e+00  }
0x134: {  	[tilespmem:s22+$0x60] =	vst v3  }
0x135: {  	v3 =	vld [tilespmem:s23+$0x60]  }
0x136: {  	v4 =	vld [tilespmem:s20+$0x60]  }
0x137: {  	s26 =	simm.s32 $0x2AD0  }
0x138: {  	s13 =	simm.s32 $0x1570;
	s29 =	simm.s32 $0x170;
	s9 =	simm.s32 $0x0  }
.LBB2_7:
0x139: {  	s9 =	sadd.s32 $0x4, s9;
	s20 =	sadd.s32 $0x100, s20;
	s23 =	sadd.s32 $0x100, s23  }
0x13a: {  	p1 =	slt.u32 s9, $0x4C  }
0x13b: {  	v3 =	vadd.f32 v4, v3;
	_ =	sdelay $0x1  }
0x13c: {  	v3 =	vmax.f32 v3, $0.0e+00  }
0x13d: {  	[tilespmem:s22+$0x70] =	vst v3  }
0x13e: {  	v3 =	vld [tilespmem:s13+$0x70];
	s13 =	smov.u32 s23  }
0x13f: {  	v4 =	vld [tilespmem:s29+$0x70];
	s29 =	smov.u32 s20;
	_ =	sdelay $0x4  }
0x140: {  	v3 =	vadd.f32 v4, v3;
	_ =	sdelay $0x1  }
0x141: {  	v3 =	vmax.f32 v3, $0.0e+00  }
0x142: {  	[tilespmem:s22+$0x80] =	vst v3;
	s22 =	smov.u32 s26  }
0x143: {  	v3 =	vld [tilespmem:s23+$0xFFFFFF80]  }
0x144: {  	v4 =	vld [tilespmem:s20+$0xFFFFFF80];
	_ =	sdelay $0x4  }
0x145: {  	v3 =	vadd.f32 v4, v3;
	_ =	sdelay $0x1  }
0x146: {  	v3 =	vmax.f32 v3, $0.0e+00  }
0x147: {  	[tilespmem:s26+$0xFFFFFF60] =	vst v3  }
0x148: {  	v3 =	vld [tilespmem:s23+$0xFFFFFF90]  }
0x149: {  	v4 =	vld [tilespmem:s20+$0xFFFFFF90];
	_ =	sdelay $0x4  }
0x14a: {  	v3 =	vadd.f32 v4, v3;
	_ =	sdelay $0x1  }
0x14b: {  	v3 =	vmax.f32 v3, $0.0e+00  }
0x14c: {  	[tilespmem:s26+$0xFFFFFF70] =	vst v3  }
0x14d: {  	v3 =	vld [tilespmem:s23+$0xFFFFFFA0]  }
0x14e: {  	v4 =	vld [tilespmem:s20+$0xFFFFFFA0];
	_ =	sdelay $0x4  }
0x14f: {  	v3 =	vadd.f32 v4, v3;
	_ =	sdelay $0x1  }
0x150: {  	v3 =	vmax.f32 v3, $0.0e+00  }
0x151: {  	[tilespmem:s26+$0xFFFFFF80] =	vst v3  }
0x152: {  	v3 =	vld [tilespmem:s23+$0xFFFFFFB0]  }
0x153: {  	v4 =	vld [tilespmem:s20+$0xFFFFFFB0];
	_ =	sdelay $0x4  }
0x154: {  	v3 =	vadd.f32 v4, v3;
	_ =	sdelay $0x1  }
0x155: {  	v3 =	vmax.f32 v3, $0.0e+00  }
0x156: {  	[tilespmem:s26+$0xFFFFFF90] =	vst v3  }
0x157: {  	v3 =	vld [tilespmem:s23+$0xFFFFFFC0]  }
0x158: {  	v4 =	vld [tilespmem:s20+$0xFFFFFFC0];
	_ =	sdelay $0x4  }
0x159: {  	v3 =	vadd.f32 v4, v3;
	_ =	sdelay $0x1  }
0x15a: {  	v3 =	vmax.f32 v3, $0.0e+00  }
0x15b: {  	[tilespmem:s26+$0xFFFFFFB0] =	vst v3  }
0x15c: {  	v3 =	vld [tilespmem:s23+$0xFFFFFFD0]  }
0x15d: {  	v4 =	vld [tilespmem:s20+$0xFFFFFFD0];
	_ =	sdelay $0x4  }
0x15e: {  	v3 =	vadd.f32 v4, v3;
	_ =	sdelay $0x1  }
0x15f: {  	v3 =	vmax.f32 v3, $0.0e+00  }
0x160: {  	[tilespmem:s26+$0xFFFFFFC0] =	vst v3  }
0x161: {  	v3 =	vld [tilespmem:s23+$0xFFFFFFE0]  }
0x162: {  	v4 =	vld [tilespmem:s20+$0xFFFFFFE0];
	_ =	sdelay $0x4  }
0x163: {  	v3 =	vadd.f32 v4, v3;
	_ =	sdelay $0x1  }
0x164: {  	v3 =	vmax.f32 v3, $0.0e+00  }
0x165: {  	[tilespmem:s26+$0xFFFFFFD0] =	vst v3  }
0x166: {  	v3 =	vld [tilespmem:s23+$0xFFFFFFF0]  }
0x167: {  	v4 =	vld [tilespmem:s20+$0xFFFFFFF0];
	_ =	sdelay $0x4  }
0x168: {  	v3 =	vadd.f32 v4, v3;
	_ =	sdelay $0x1  }
0x169: {  	v3 =	vmax.f32 v3, $0.0e+00  }
0x16a: {  	[tilespmem:s26+$0xFFFFFFE0] =	vst v3  }
0x16b: {  	v3 =	vld [tilespmem:s23+$0x0]  }
0x16c: {  	v4 =	vld [tilespmem:s20+$0x0];
	_ =	sdelay $0x4  }
0x16d: {  	v3 =	vadd.f32 v4, v3;
	_ =	sdelay $0x1  }
0x16e: {  	v3 =	vmax.f32 v3, $0.0e+00  }
0x16f: {  	[tilespmem:s26+$0x0] =	vst v3  }
0x170: {  	v3 =	vld [tilespmem:s23+$0x10]  }
0x171: {  	v4 =	vld [tilespmem:s20+$0x10];
	_ =	sdelay $0x4  }
0x172: {  	v3 =	vadd.f32 v4, v3;
	_ =	sdelay $0x1  }
0x173: {  	v3 =	vmax.f32 v3, $0.0e+00  }
0x174: {  	[tilespmem:s26+$0x10] =	vst v3  }
0x175: {  	v3 =	vld [tilespmem:s23+$0x20]  }
0x176: {  	v4 =	vld [tilespmem:s20+$0x20];
	_ =	sdelay $0x4  }
0x177: {  	v3 =	vadd.f32 v4, v3;
	_ =	sdelay $0x1  }
0x178: {  	v3 =	vmax.f32 v3, $0.0e+00  }
0x179: {  	[tilespmem:s26+$0x20] =	vst v3  }
0x17a: {  	v3 =	vld [tilespmem:s23+$0x30]  }
0x17b: {  	v4 =	vld [tilespmem:s20+$0x30];
	_ =	sdelay $0x4  }
0x17c: {  	v3 =	vadd.f32 v4, v3;
	_ =	sdelay $0x1  }
0x17d: {  	v3 =	vmax.f32 v3, $0.0e+00  }
0x17e: {  	[tilespmem:s26+$0x30] =	vst v3  }
0x17f: {  	v3 =	vld [tilespmem:s23+$0x40]  }
0x180: {  	v4 =	vld [tilespmem:s20+$0x40];
	_ =	sdelay $0x4  }
0x181: {  	v3 =	vadd.f32 v4, v3;
	_ =	sdelay $0x1  }
0x182: {  	v3 =	vmax.f32 v3, $0.0e+00  }
0x183: {  	[tilespmem:s26+$0x50] =	vst v3  }
0x184: {  	v3 =	vld [tilespmem:s23+$0x50]  }
0x185: {  	v4 =	vld [tilespmem:s20+$0x50];
	_ =	sdelay $0x4  }
0x186: {  	v3 =	vadd.f32 v4, v3;
	_ =	sdelay $0x1  }
0x187: {  	v3 =	vmax.f32 v3, $0.0e+00  }
.Ltmp4:
0x188: {  	[tilespmem:s26+$0x60] =	vst v3;
	(pc) =	sbr.rel @p1 .LBB2_7-.Ltmp4, $3  }
0x189: {  	v3 =	vld [tilespmem:s23+$0x60]  }
0x18a: {  	v4 =	vld [tilespmem:s20+$0x60];
	_ =	sdelay $0x1  }
0x18b: {  	s26 =	sadd.s32 $0x140, s26  }
0x18c: {  	_ =	sdelay $0x1  }
0x18d: {  	v3 =	vadd.f32 v4, v3;
	_ =	sdelay $0x1  }
0x18e: {  	v3 =	vmax.f32 v3, $0.0e+00  }
0x18f: {  	[tilespmem:s22+$0x70] =	vst v3  }
0x190: {  	v3 =	vld [tilespmem:s13+$0x70]  }
0x191: {  	v62 =	vld [tilespmem:s29+$0x70];
	_ =	sdelay $0x4  }
0x192: {  	v3 =	vadd.f32 v62, v3;
	_ =	sdelay $0x1  }
0x193: {  	v3 =	vmax.f32 v3, $0.0e+00  }
0x194: {  	[tilespmem:s22+$0x80] =	vst v3  }
0x195: {  	v3 =	vld [tilespmem:$0x50]  }
0x196: {  	v63 =	vld [tilespmem:$0x60]  }
0x197: {  	v5 =	vld [tilespmem:$0x70]  }
0x198: {  	v6 =	vld [tilespmem:$0x80]  }
0x199: {  	v7 =	vld [tilespmem:$0x90]  }
0x19a: {  	p1 =	sne.s32 s21, $0x7C;
	[tilespmem:$0xA0] =	vst v3  }
.Ltmp5:
0x19b: {  	[tilespmem:$0xB0] =	vst v63;
	(pc) =	sbr.rel @p1 .LBB2_10-.Ltmp5, $4  }
0x19c: {  	[tilespmem:$0xC0] =	vst v5  }
0x19d: {  	[tilespmem:$0xD0] =	vst v6  }
0x19e: {  	[tilespmem:$0xE0] =	vst v7  }
0x19f: {  	[spmem:s11] =	stream.indirect.scatter.add.f32 [tilespmem:s5], [sflag:$0x5], $0x50, s24, s7, $0xb8;
	[tilespmem:$0x14BE0] =	vst v63  }
.Ltmp6:
0x1a0: {  	(pc) =	sbr.rel .LBB2_11-.Ltmp6, $4  }
0x1a1: {  	_ = 	snop  }
0x1a2: {  	_ =	swait.ge [sflag:s16], $0x1400  }
0x1a3: {  	[sflag:s16] =	ssyncset.done $0x0  }
0x1a4: {  	[sflag:s16] =	ssyncadd.s32 $0xFFFFEC00  }
.LBB2_10:
0x1a5: {  	s9 =	smul.u32 $0xA0, s21  }
0x1a6: {  	s13 =	rddreg [dreg:$0x18]  }
0x1a7: {  	s9 =	sadd.s32 s9, s13  }
0x1a8: {  	s13 =	smulhi.u32 $0x51EB851F, s9;
	_ =	sdelay $0x1  }
0x1a9: {  	s13 =	sshrl.u32 s13, $0xB  }
0x1aa: {  	s20 =	smul.u32 $0x1900, s13;
	_ =	sdelay $0x1  }
0x1ab: {  	s20 =	ssub.s32 s9, s20;
	s9 =	sshrl.u32 s9, $0x3  }
0x1ac: {  	s13 =	smul.u32 $0xC80, s13;
	s22 =	sadd.s32 $0xFFFFF380, s20;
	s9 =	sadd.s32 s14, s9  }
0x1ad: {  	[tilespmem:s2], [sflag:$0x1] =	stream.linear.gather [hbm4b:s9+s2], $0x50, $0x38;
	[tilespmem:$0x14BE0] =	vst v63  }
0x1ae: {  	s13 =	sadd.s32 s3, s13;
	p1 =	sgt.u32 s20, $0xC7F;
	s22 =	smin.u32 s20, s22  }
0x1af: {  	s9 =	sadd.s32 $0x9C40, s9;
	s23 =	sadd.s32 s22, s13;
	s13 =	simm.s32 $0x40  }
0x1b0: {  	[tilespmem:s7], [sflag:$0x1] =	stream.linear.gather [hbm4b:s9+s2], $0x50, $0x38;
	[tilespmem:$0x14BE0] =	vst v63  }
0x1b1: {  	s9 =	sshll.u32 s23, $0x7;
	s13 =	simm.s32 @!p1 $0x0  }
0x1b2: {  	s9 =	sor.u32 s13, s9  }
0x1b3: {  	s9 =	sshrl.u32 s9, $0x3  }
0x1b4: {  	s26 =	simm.s32 $0xF0;
	s9 =	sadd.s32 s15, s9  }
0x1b5: {  	[tilespmem:s26], [sflag:$0x1] =	stream.strided.gather [hbm4b:s9+s0], $0x1400, s8, s0, $0x38;
	[tilespmem:$0x14BE0] =	vst v63  }
0x1b6: {  	_ =	swait.ge [sflag:s16], $0x1400  }
0x1b7: {  	[sflag:s16] =	ssyncset.done $0x0  }
0x1b8: {  	[sflag:s16] =	ssyncadd.s32 $0xFFFFEC00  }
0x1b9: {  	_ =	swait.ge [sflag:s12], $0x50  }
0x1ba: {  	[sflag:s12] =	ssyncset.done $0x0  }
0x1bb: {  	[sflag:s12] =	ssyncadd.s32 $0xFFFFFFB0  }
0x1bc: {  	_ =	swait.ge [sflag:s12], $0x50  }
0x1bd: {  	[sflag:s12] =	ssyncset.done $0x0  }
0x1be: {  	[sflag:s12] =	ssyncadd.s32 $0xFFFFFFB0  }
0x1bf: {  	_ =	swait.ge [sflag:s12], $0x1400  }
0x1c0: {  	[sflag:s12] =	ssyncset.done $0x0  }
0x1c1: {  	[sflag:s12] =	ssyncadd.s32 $0xFFFFEC00  }
0x1c2: {  	v3 =	vld [tilespmem:$0x0]  }
0x1c3: {  	v4 =	vld [tilespmem:$0x10]  }
0x1c4: {  	v5 =	vld [tilespmem:$0x20]  }
0x1c5: {  	v6 =	vld [tilespmem:$0x30]  }
0x1c6: {  	v7 =	vld [tilespmem:$0x40]  }
0x1c7: {  	v3 =	vadd.s32 v1, v3  }
0x1c8: {  	[tilespmem:$0x0] =	vst v3;
	v3 =	vadd.s32 v1, v4  }
.Ltmp7:
0x1c9: {  	[tilespmem:$0x10] =	vst v3;
	v3 =	vadd.s32 v1, v5;
	(pc) =	sbr.rel @p0 .LBB2_12-.Ltmp7, $4  }
0x1ca: {  	[tilespmem:$0x20] =	vst v3;
	v3 =	vadd.s32 v1, v6  }
0x1cb: {  	[tilespmem:$0x30] =	vst v3;
	v3 =	vadd.s32 v1, v7  }
0x1cc: {  	s29 =	simm.s32 $0x14F0;
	[tilespmem:$0x40] =	vst v3  }
0x1cd: {  	[tilespmem:s29], [sflag:$0x3] =	stream.indirect.gather [hbm4b:s1+s7], $0x40, s2, s7, $0xb8;
	[tilespmem:$0x14BE0] =	vst v63  }
.LBB2_11:
0x1ce: {  	_ =	swait.ge [sflag:s17], $0x1900  }
0x1cf: {  	[sflag:s17] =	ssyncset.done $0x0  }
0x1d0: {  	[sflag:s17] =	ssyncadd.s32 $0xFFFFE700  }
.LBB2_12:
0x1d1: {  	s23 =	simm.s32 $0x5760  }
0x1d2: {  	s20 =	simm.s32 $0x4360;
	v3 =	vld [tilespmem:s23+$0xFFFFFF80]  }
0x1d3: {  	v4 =	vld [tilespmem:s20+$0xFFFFFF80];
	_ =	sdelay $0x4  }
0x1d4: {  	v3 =	vadd.f32 v4, v3;
	_ =	sdelay $0x1  }
0x1d5: {  	s22 =	simm.s32 $0x6B80;
	v3 =	vmax.f32 v3, $0.0e+00  }
0x1d6: {  	[tilespmem:s22+$0xFFFFFF60] =	vst v3  }
0x1d7: {  	v3 =	vld [tilespmem:s23+$0xFFFFFF90]  }
0x1d8: {  	v4 =	vld [tilespmem:s20+$0xFFFFFF90];
	_ =	sdelay $0x4  }
0x1d9: {  	v3 =	vadd.f32 v4, v3;
	_ =	sdelay $0x1  }
0x1da: {  	v3 =	vmax.f32 v3, $0.0e+00  }
0x1db: {  	[tilespmem:s22+$0xFFFFFF70] =	vst v3  }
0x1dc: {  	v3 =	vld [tilespmem:s23+$0xFFFFFFA0]  }
0x1dd: {  	v4 =	vld [tilespmem:s20+$0xFFFFFFA0];
	_ =	sdelay $0x4  }
0x1de: {  	v3 =	vadd.f32 v4, v3;
	_ =	sdelay $0x1  }
0x1df: {  	v3 =	vmax.f32 v3, $0.0e+00  }
0x1e0: {  	[tilespmem:s22+$0xFFFFFF80] =	vst v3  }
0x1e1: {  	v3 =	vld [tilespmem:s23+$0xFFFFFFB0]  }
0x1e2: {  	v4 =	vld [tilespmem:s20+$0xFFFFFFB0];
	_ =	sdelay $0x4  }
0x1e3: {  	v3 =	vadd.f32 v4, v3;
	_ =	sdelay $0x1  }
0x1e4: {  	v3 =	vmax.f32 v3, $0.0e+00  }
0x1e5: {  	[tilespmem:s22+$0xFFFFFF90] =	vst v3  }
0x1e6: {  	v3 =	vld [tilespmem:s23+$0xFFFFFFC0]  }
0x1e7: {  	v4 =	vld [tilespmem:s20+$0xFFFFFFC0];
	_ =	sdelay $0x4  }
0x1e8: {  	v3 =	vadd.f32 v4, v3;
	_ =	sdelay $0x1  }
0x1e9: {  	v3 =	vmax.f32 v3, $0.0e+00  }
0x1ea: {  	[tilespmem:s22+$0xFFFFFFB0] =	vst v3  }
0x1eb: {  	v3 =	vld [tilespmem:s23+$0xFFFFFFD0]  }
0x1ec: {  	v4 =	vld [tilespmem:s20+$0xFFFFFFD0];
	_ =	sdelay $0x4  }
0x1ed: {  	v3 =	vadd.f32 v4, v3;
	_ =	sdelay $0x1  }
0x1ee: {  	v3 =	vmax.f32 v3, $0.0e+00  }
0x1ef: {  	[tilespmem:s22+$0xFFFFFFC0] =	vst v3  }
0x1f0: {  	v3 =	vld [tilespmem:s23+$0xFFFFFFE0]  }
0x1f1: {  	v4 =	vld [tilespmem:s20+$0xFFFFFFE0];
	_ =	sdelay $0x4  }
0x1f2: {  	v3 =	vadd.f32 v4, v3;
	_ =	sdelay $0x1  }
0x1f3: {  	v3 =	vmax.f32 v3, $0.0e+00  }
0x1f4: {  	[tilespmem:s22+$0xFFFFFFD0] =	vst v3  }
0x1f5: {  	v3 =	vld [tilespmem:s23+$0xFFFFFFF0]  }
0x1f6: {  	v4 =	vld [tilespmem:s20+$0xFFFFFFF0];
	_ =	sdelay $0x4  }
0x1f7: {  	v3 =	vadd.f32 v4, v3;
	_ =	sdelay $0x1  }
0x1f8: {  	v3 =	vmax.f32 v3, $0.0e+00  }
0x1f9: {  	[tilespmem:s22+$0xFFFFFFE0] =	vst v3  }
0x1fa: {  	v3 =	vld [tilespmem:s23+$0x0]  }
0x1fb: {  	v4 =	vld [tilespmem:s20+$0x0];
	_ =	sdelay $0x4  }
0x1fc: {  	v3 =	vadd.f32 v4, v3;
	_ =	sdelay $0x1  }
0x1fd: {  	v3 =	vmax.f32 v3, $0.0e+00  }
0x1fe: {  	[tilespmem:s22+$0x0] =	vst v3  }
0x1ff: {  	v3 =	vld [tilespmem:s23+$0x10]  }
0x200: {  	v4 =	vld [tilespmem:s20+$0x10];
	_ =	sdelay $0x4  }
0x201: {  	v3 =	vadd.f32 v4, v3;
	_ =	sdelay $0x1  }
0x202: {  	v3 =	vmax.f32 v3, $0.0e+00  }
0x203: {  	[tilespmem:s22+$0x10] =	vst v3  }
0x204: {  	v3 =	vld [tilespmem:s23+$0x20]  }
0x205: {  	v4 =	vld [tilespmem:s20+$0x20];
	_ =	sdelay $0x4  }
0x206: {  	v3 =	vadd.f32 v4, v3;
	_ =	sdelay $0x1  }
0x207: {  	v3 =	vmax.f32 v3, $0.0e+00  }
0x208: {  	[tilespmem:s22+$0x20] =	vst v3  }
0x209: {  	v3 =	vld [tilespmem:s23+$0x30]  }
0x20a: {  	v4 =	vld [tilespmem:s20+$0x30];
	_ =	sdelay $0x4  }
0x20b: {  	v3 =	vadd.f32 v4, v3;
	_ =	sdelay $0x1  }
0x20c: {  	v3 =	vmax.f32 v3, $0.0e+00  }
0x20d: {  	[tilespmem:s22+$0x30] =	vst v3  }
0x20e: {  	v3 =	vld [tilespmem:s23+$0x40]  }
0x20f: {  	v4 =	vld [tilespmem:s20+$0x40];
	_ =	sdelay $0x4  }
0x210: {  	v3 =	vadd.f32 v4, v3;
	_ =	sdelay $0x1  }
0x211: {  	v3 =	vmax.f32 v3, $0.0e+00  }
0x212: {  	[tilespmem:s22+$0x50] =	vst v3  }
0x213: {  	v3 =	vld [tilespmem:s23+$0x50]  }
0x214: {  	v4 =	vld [tilespmem:s20+$0x50];
	_ =	sdelay $0x4  }
0x215: {  	v3 =	vadd.f32 v4, v3;
	_ =	sdelay $0x1  }
0x216: {  	v3 =	vmax.f32 v3, $0.0e+00  }
0x217: {  	[tilespmem:s22+$0x60] =	vst v3  }
0x218: {  	v3 =	vld [tilespmem:s23+$0x60]  }
0x219: {  	v4 =	vld [tilespmem:s20+$0x60]  }
0x21a: {  	s9 =	simm.s32 $0x0  }
0x21b: {  	s26 =	simm.s32 $0x6CC0;
	s13 =	simm.s32 $0x5760;
	s29 =	simm.s32 $0x4360  }
.LBB2_13:
0x21c: {  	s9 =	sadd.s32 $0x4, s9;
	s20 =	sadd.s32 $0x100, s20;
	s23 =	sadd.s32 $0x100, s23  }
0x21d: {  	p0 =	slt.u32 s9, $0x4C  }
0x21e: {  	v3 =	vadd.f32 v4, v3;
	_ =	sdelay $0x1  }
0x21f: {  	v3 =	vmax.f32 v3, $0.0e+00  }
0x220: {  	[tilespmem:s22+$0x70] =	vst v3  }
0x221: {  	v3 =	vld [tilespmem:s13+$0x70];
	s13 =	smov.u32 s23  }
0x222: {  	v4 =	vld [tilespmem:s29+$0x70];
	s29 =	smov.u32 s20;
	_ =	sdelay $0x4  }
0x223: {  	v3 =	vadd.f32 v4, v3;
	_ =	sdelay $0x1  }
0x224: {  	v3 =	vmax.f32 v3, $0.0e+00  }
0x225: {  	[tilespmem:s22+$0x80] =	vst v3;
	s22 =	smov.u32 s26  }
0x226: {  	v3 =	vld [tilespmem:s23+$0xFFFFFF80]  }
0x227: {  	v4 =	vld [tilespmem:s20+$0xFFFFFF80];
	_ =	sdelay $0x4  }
0x228: {  	v3 =	vadd.f32 v4, v3;
	_ =	sdelay $0x1  }
0x229: {  	v3 =	vmax.f32 v3, $0.0e+00  }
0x22a: {  	[tilespmem:s26+$0xFFFFFF60] =	vst v3  }
0x22b: {  	v3 =	vld [tilespmem:s23+$0xFFFFFF90]  }
0x22c: {  	v4 =	vld [tilespmem:s20+$0xFFFFFF90];
	_ =	sdelay $0x4  }
0x22d: {  	v3 =	vadd.f32 v4, v3;
	_ =	sdelay $0x1  }
0x22e: {  	v3 =	vmax.f32 v3, $0.0e+00  }
0x22f: {  	[tilespmem:s26+$0xFFFFFF70] =	vst v3  }
0x230: {  	v3 =	vld [tilespmem:s23+$0xFFFFFFA0]  }
0x231: {  	v4 =	vld [tilespmem:s20+$0xFFFFFFA0];
	_ =	sdelay $0x4  }
0x232: {  	v3 =	vadd.f32 v4, v3;
	_ =	sdelay $0x1  }
0x233: {  	v3 =	vmax.f32 v3, $0.0e+00  }
0x234: {  	[tilespmem:s26+$0xFFFFFF80] =	vst v3  }
0x235: {  	v3 =	vld [tilespmem:s23+$0xFFFFFFB0]  }
0x236: {  	v4 =	vld [tilespmem:s20+$0xFFFFFFB0];
	_ =	sdelay $0x4  }
0x237: {  	v3 =	vadd.f32 v4, v3;
	_ =	sdelay $0x1  }
0x238: {  	v3 =	vmax.f32 v3, $0.0e+00  }
0x239: {  	[tilespmem:s26+$0xFFFFFF90] =	vst v3  }
0x23a: {  	v3 =	vld [tilespmem:s23+$0xFFFFFFC0]  }
0x23b: {  	v4 =	vld [tilespmem:s20+$0xFFFFFFC0];
	_ =	sdelay $0x4  }
0x23c: {  	v3 =	vadd.f32 v4, v3;
	_ =	sdelay $0x1  }
0x23d: {  	v3 =	vmax.f32 v3, $0.0e+00  }
0x23e: {  	[tilespmem:s26+$0xFFFFFFB0] =	vst v3  }
0x23f: {  	v3 =	vld [tilespmem:s23+$0xFFFFFFD0]  }
0x240: {  	v4 =	vld [tilespmem:s20+$0xFFFFFFD0];
	_ =	sdelay $0x4  }
0x241: {  	v3 =	vadd.f32 v4, v3;
	_ =	sdelay $0x1  }
0x242: {  	v3 =	vmax.f32 v3, $0.0e+00  }
0x243: {  	[tilespmem:s26+$0xFFFFFFC0] =	vst v3  }
0x244: {  	v3 =	vld [tilespmem:s23+$0xFFFFFFE0]  }
0x245: {  	v4 =	vld [tilespmem:s20+$0xFFFFFFE0];
	_ =	sdelay $0x4  }
0x246: {  	v3 =	vadd.f32 v4, v3;
	_ =	sdelay $0x1  }
0x247: {  	v3 =	vmax.f32 v3, $0.0e+00  }
0x248: {  	[tilespmem:s26+$0xFFFFFFD0] =	vst v3  }
0x249: {  	v3 =	vld [tilespmem:s23+$0xFFFFFFF0]  }
0x24a: {  	v4 =	vld [tilespmem:s20+$0xFFFFFFF0];
	_ =	sdelay $0x4  }
0x24b: {  	v3 =	vadd.f32 v4, v3;
	_ =	sdelay $0x1  }
0x24c: {  	v3 =	vmax.f32 v3, $0.0e+00  }
0x24d: {  	[tilespmem:s26+$0xFFFFFFE0] =	vst v3  }
0x24e: {  	v3 =	vld [tilespmem:s23+$0x0]  }
0x24f: {  	v4 =	vld [tilespmem:s20+$0x0];
	_ =	sdelay $0x4  }
0x250: {  	v3 =	vadd.f32 v4, v3;
	_ =	sdelay $0x1  }
0x251: {  	v3 =	vmax.f32 v3, $0.0e+00  }
0x252: {  	[tilespmem:s26+$0x0] =	vst v3  }
0x253: {  	v3 =	vld [tilespmem:s23+$0x10]  }
0x254: {  	v4 =	vld [tilespmem:s20+$0x10];
	_ =	sdelay $0x4  }
0x255: {  	v3 =	vadd.f32 v4, v3;
	_ =	sdelay $0x1  }
0x256: {  	v3 =	vmax.f32 v3, $0.0e+00  }
0x257: {  	[tilespmem:s26+$0x10] =	vst v3  }
0x258: {  	v3 =	vld [tilespmem:s23+$0x20]  }
0x259: {  	v4 =	vld [tilespmem:s20+$0x20];
	_ =	sdelay $0x4  }
0x25a: {  	v3 =	vadd.f32 v4, v3;
	_ =	sdelay $0x1  }
0x25b: {  	v3 =	vmax.f32 v3, $0.0e+00  }
0x25c: {  	[tilespmem:s26+$0x20] =	vst v3  }
0x25d: {  	v3 =	vld [tilespmem:s23+$0x30]  }
0x25e: {  	v4 =	vld [tilespmem:s20+$0x30];
	_ =	sdelay $0x4  }
0x25f: {  	v3 =	vadd.f32 v4, v3;
	_ =	sdelay $0x1  }
0x260: {  	v3 =	vmax.f32 v3, $0.0e+00  }
0x261: {  	[tilespmem:s26+$0x30] =	vst v3  }
0x262: {  	v3 =	vld [tilespmem:s23+$0x40]  }
0x263: {  	v4 =	vld [tilespmem:s20+$0x40];
	_ =	sdelay $0x4  }
0x264: {  	v3 =	vadd.f32 v4, v3;
	_ =	sdelay $0x1  }
0x265: {  	v3 =	vmax.f32 v3, $0.0e+00  }
0x266: {  	[tilespmem:s26+$0x50] =	vst v3  }
0x267: {  	v3 =	vld [tilespmem:s23+$0x50]  }
0x268: {  	v4 =	vld [tilespmem:s20+$0x50];
	_ =	sdelay $0x4  }
0x269: {  	v3 =	vadd.f32 v4, v3;
	_ =	sdelay $0x1  }
0x26a: {  	v3 =	vmax.f32 v3, $0.0e+00  }
.Ltmp8:
0x26b: {  	[tilespmem:s26+$0x60] =	vst v3;
	(pc) =	sbr.rel @p0 .LBB2_13-.Ltmp8, $3  }
0x26c: {  	v3 =	vld [tilespmem:s23+$0x60]  }
0x26d: {  	v4 =	vld [tilespmem:s20+$0x60];
	_ =	sdelay $0x1  }
0x26e: {  	s26 =	sadd.s32 $0x140, s26  }
0x26f: {  	_ =	sdelay $0x1  }
0x270: {  	v3 =	vadd.f32 v4, v3;
	_ =	sdelay $0x1  }
0x271: {  	v3 =	vmax.f32 v3, $0.0e+00  }
0x272: {  	[tilespmem:s22+$0x70] =	vst v3  }
0x273: {  	v3 =	vld [tilespmem:s13+$0x70]  }
0x274: {  	v62 =	vld [tilespmem:s29+$0x70];
	_ =	sdelay $0x4  }
0x275: {  	v3 =	vadd.f32 v62, v3;
	_ =	sdelay $0x1  }
0x276: {  	v3 =	vmax.f32 v3, $0.0e+00  }
0x277: {  	[tilespmem:s22+$0x80] =	vst v3  }
0x278: {  	v3 =	vld [tilespmem:$0x4240]  }
0x279: {  	v63 =	vld [tilespmem:$0x4250]  }
0x27a: {  	v5 =	vld [tilespmem:$0x4260]  }
0x27b: {  	v6 =	vld [tilespmem:$0x4270]  }
0x27c: {  	v7 =	vld [tilespmem:$0x4280]  }
0x27d: {  	p0 =	seq.s32 s21, $0x7C;
	[tilespmem:$0x4290] =	vst v3  }
.Ltmp9:
0x27e: {  	[tilespmem:$0x42A0] =	vst v63;
	(pc) =	sbr.rel @p0 .LBB2_16-.Ltmp9, $4  }
0x27f: {  	[tilespmem:$0x42B0] =	vst v5  }
0x280: {  	[tilespmem:$0x42C0] =	vst v6  }
0x281: {  	[tilespmem:$0x42D0] =	vst v7  }
0x282: {  	[spmem:s11] =	stream.indirect.scatter.add.f32 [tilespmem:s19], [sflag:$0x6], $0x50, s18, s7, $0xb8;
	[tilespmem:$0x14BE0] =	vst v63  }
0x283: {  	s9 =	smul.u32 $0xA0, s21;
	_ =	sdelay $0x1  }
0x284: {  	s9 =	sadd.s32 s9, s30  }
0x285: {  	s13 =	smulhi.u32 $0x51EB851F, s9;
	_ =	sdelay $0x1  }
0x286: {  	s13 =	sshrl.u32 s13, $0xB  }
0x287: {  	s20 =	smul.u32 $0x1900, s13;
	_ =	sdelay $0x1  }
0x288: {  	s23 =	simm.s32 $0x4240;
	s20 =	ssub.s32 s9, s20;
	s9 =	sshrl.u32 s9, $0x3  }
0x289: {  	s13 =	smul.u32 $0xC80, s13;
	s22 =	sadd.s32 $0xFFFFF380, s20;
	s9 =	sadd.s32 s14, s9  }
0x28a: {  	[tilespmem:s25], [sflag:$0x2] =	stream.linear.gather [hbm4b:s9+s2], $0x50, $0x38;
	[tilespmem:$0x14BE0] =	vst v63  }
0x28b: {  	s13 =	sadd.s32 s3, s13;
	p0 =	sgt.u32 s20, $0xC7F;
	s22 =	smin.u32 s20, s22  }
0x28c: {  	s9 =	sadd.s32 $0x9C40, s9;
	s29 =	sadd.s32 s22, s13;
	s13 =	simm.s32 $0x40  }
0x28d: {  	[tilespmem:s23], [sflag:$0x2] =	stream.linear.gather [hbm4b:s9+s2], $0x50, $0x38;
	[tilespmem:$0x14BE0] =	vst v63  }
.Ltmp10:
0x28e: {  	s9 =	sshll.u32 s29, $0x7;
	s13 =	simm.s32 @!p0 $0x0;
	(pc) =	sbr.rel .LBB2_6-.Ltmp10, $4  }
0x28f: {  	s9 =	sor.u32 s13, s9  }
0x290: {  	s9 =	sshrl.u32 s9, $0x3  }
0x291: {  	s21 =	sadd.s32 $0x1, s21;
	s9 =	sadd.s32 s15, s9  }
0x292: {  	[tilespmem:s28], [sflag:$0x2] =	stream.strided.gather [hbm4b:s9+s0], $0x1400, s8, s0, $0x38;
	[tilespmem:$0x14BE0] =	vst v63  }
.LBB2_17:
0x293: {  	_ =	sfence.sel $0x180000  }
0x294: {  	[bflag:$0x0] =	sbarrier.arrive $0xFFFF  }
0x295: {  	_ =	strace $0x90000047  }
0x296: {  	s0 =	stileid.u32;
	[bflag:$0x2] =	sbarrier.arrive $0xFFFF  }
0x297: {  	p0 =	sne.s32 s0, $0x0;
	s0 =	rddreg [dreg:$0x3]  }
0x298: {  	s0 =	sadd.s32 @!p0 $0x100000, s0  }
0x299: {  	[sflag:s0] =	ssyncadd.tile.s32 @!p0 $0x1;
	_ =	shalt  }
.Lfunc_end2:
_tile_overlayer_lowered:
.L_overlay_start_2:
0x29a: {  	(tag) =	ssettag $0x2  }
0x29b: {  	s0 =	rddreg [dreg:$0x0];
	s2 =	stileid.u32  }
0x29c: {  	s1 =	rddreg [dreg:$0x1];
	p0 =	sne.s32 s2, $0x0  }
0x29d: {  	s3 =	rddreg [dreg:$0x2];
	[bflag:$0x3] =	sbarrier.arrive $0xFFFF;
	s2 =	simm.s32 @!p0 $0x1C07  }
0x29e: {  	[timem:s3], [sflag:s2] =	dma.local @!p0 [hbm:s0], s1  }
0x29f: {  	s0 =	simm.s32 @!p0 $0x7  }
0x2a0: {  	_ =	swait.ge @!p0 [sflag:s0], s1  }
0x2a1: {  	s1 =	ssub.s32 @!p0 $0x0, s1;
	[sflag:s0] =	ssyncset.done @!p0 $0x0  }
0x2a2: {  	[sflag:s0] =	ssyncadd.s32 @!p0 s1  }
0x2a3: {  	[bflag:$0x3] =	sbarrier.arrive $0xFFFF  }
0x2a4: {  	_ =	shalt  }

</sc_bundles>
